<compile_context>
chip_gen: v7x
topology: tpu7x:2x2x1
jax: 0.10.2.dev20260603
libtpu: 0.0.44.dev20260713+nightly
codegen_flags: <defaults>
</compile_context>

<pallas_src>
import functools
import math

import jax
import jax.numpy as jnp
from jax import lax
from jax.experimental import pallas as pl
from jax.experimental.pallas import tpu as pltpu
from jax.experimental.pallas import tpu_sc as plsc

_ATTR_DIM = 10
_ATTRN = 5
_HIDDEN = 50
_N = 50000
_E = 1600000
_M = 10

_EROWS = _E // 128
_EROWS_PAD = 12544
_TILE_ROWS = _EROWS_PAD // 16
_KB = 2
_SROWS = 8
_SCHUNKS = _SROWS // _KB
_NSUPER = _TILE_ROWS // _SROWS
_AGG_ROWS = 51200
_ZROWS = _AGG_ROWS // 16

_BN = 2000
_NBLK = _N // _BN
_RB = 112
_EBLK = _EROWS_PAD // _RB


def _pe_consts():
    f = [float(i) * (-math.log(10000.0) / _ATTR_DIM) for i in range(0, _ATTR_DIM, 2)]
    f10 = [f[d // 2] for d in range(_ATTR_DIM)]
    ph = [0.0 if d % 2 == 0 else math.pi / 2.0 for d in range(_ATTR_DIM)]
    return (jnp.asarray(f10, jnp.float32).reshape(1, _ATTR_DIM),
            jnp.asarray(ph, jnp.float32).reshape(1, _ATTR_DIM))


def _pack_consts():
    import numpy as np
    f = [float(i) * (-math.log(10000.0) / _ATTR_DIM) for i in range(0, _ATTR_DIM, 2)]
    f10 = [f[d // 2] for d in range(_ATTR_DIM)]
    ph = [0.0 if d % 2 == 0 else math.pi / 2.0 for d in range(_ATTR_DIM)]
    sel = np.zeros((15, 120), np.float32)
    ph120 = np.zeros((1, 120), np.float32)
    for i in range(15):
        for j in range(8):
            sel[i, 8 * i + j] = f10[2 + j]
            ph120[0, 8 * i + j] = ph[2 + j]
    p50 = np.zeros((120, 50), np.float32)
    base50 = np.zeros((1, 50), np.float32)
    for i in range(5):
        base50[0, 10 * i + 1] = 1.0
        for j in range(8):
            p50[8 * i + j, 10 * i + 2 + j] = 1.0
    pt100 = np.zeros((120, 100), np.float32)
    base100 = np.zeros((1, 100), np.float32)
    for i in range(10):
        base100[0, 10 * i + 1] = 1.0
        for j in range(8):
            pt100[40 + 8 * i + j, 10 * i + 2 + j] = 1.0
    return (jnp.asarray(sel), jnp.asarray(ph120), jnp.asarray(p50),
            jnp.asarray(base50), jnp.asarray(pt100), jnp.asarray(base100))


def _node_body(x_ref, emb_ref, eemb_ref, ws_ref, wm_ref, we_ref, b_ref,
               f10_ref, ph_ref, sel_ref, ph120_ref, p50_ref, base50_ref,
               pt100_ref, base100_ref,
               hs_ref, g_ref, mac_ref, at2_ref):
    f10 = f10_ref[...]
    ph = ph_ref[...]
    xb = x_ref[...]
    bn = xb.shape[0]
    ang = jnp.dot(xb, sel_ref[...], preferred_element_type=jnp.float32, precision=lax.Precision.HIGHEST) + ph120_ref[...]
    s = jnp.sin(ang)
    embcat = jnp.concatenate([emb_ref[i:i + 1] for i in range(_ATTRN)], axis=1)
    h = (jnp.dot(s, p50_ref[...], preferred_element_type=jnp.float32, precision=lax.Precision.HIGHEST)
         + base50_ref[...] + embcat)
    hs_ref[...] = jnp.dot(h, ws_ref[...], preferred_element_type=jnp.float32, precision=lax.Precision.HIGHEST)
    hm = jnp.dot(h, wm_ref[...], preferred_element_type=jnp.float32, precision=lax.Precision.HIGHEST)
    pe0 = jnp.sin(ph)
    pe1 = jnp.sin(f10 + ph)
    ea4 = jnp.concatenate([eemb_ref[0:1] + pe0, eemb_ref[0:1] + pe1,
                           eemb_ref[1:2] + pe0, eemb_ref[1:2] + pe1], axis=0)
    c4 = jnp.dot(ea4, we_ref[...], preferred_element_type=jnp.float32, precision=lax.Precision.HIGHEST) + b_ref[...]
    for k in range(4):
        g = jnp.maximum(hm + c4[k:k + 1], 0.0)
        g_ref[0, k] = g[:, 0:32]
        g_ref[1, k] = g[:, 18:50]
    emb4t = jnp.concatenate([emb_ref[4:5]] * _M, axis=1)
    at2_ref[...] = (jnp.dot(s, pt100_ref[...], preferred_element_type=jnp.float32, precision=lax.Precision.HIGHEST)
                    + base100_ref[...] + emb4t)
    mac_ref[...] = jnp.concatenate(
        [jnp.sin(float(i) * f10 + ph) + emb_ref[2] for i in range(_M)], axis=0)


def _edge_body(ei_ref, eidx_ref, dst_ref):
    pid = pl.program_id(0)
    src = ei_ref[0]
    dstv = ei_ref[1]
    a0 = ei_ref[2]
    a1 = ei_ref[3]
    rid = pid * _RB + lax.broadcasted_iota(jnp.int32, (_RB, 128), 0)
    valid = rid < _EROWS
    base = jnp.where(valid, (a0 * 2 + a1) * _N + src, 0)
    eidx_ref[0] = base
    eidx_ref[1] = base + 4 * _N
    dst_ref[...] = jnp.where(valid, dstv, _N)


def _final_body(hs_ref, agg_ref, out_ref):
    cat = jnp.concatenate([agg_ref[0, :, 0:25], agg_ref[1, :, 7:32]], axis=1)
    out_ref[...] = jnp.maximum(hs_ref[...] + cat, 0.0)


def _sc_body(g_hbm, eidx_hbm, dst_hbm, zz_hbm, out_hbm,
             ebig, dbig, rows_v, zz_v, aggm, semg, semi):
    cid = lax.axis_index("c")
    sid = lax.axis_index("s")
    zrow = pl.multiple_of(sid * _ZROWS, 8)
    pltpu.sync_copy(zz_hbm, zz_v)

    def zloop(i, c):
        r = pl.multiple_of(zrow + i * 64, 8)
        pltpu.sync_copy(zz_v, aggm.at[pl.ds(r, 64)])
        return c

    lax.fori_loop(0, _ZROWS // 64, zloop, 0)
    plsc.subcore_barrier()
    row0 = sid * _TILE_ROWS

    def idx_load_sync(buf, srow):
        pltpu.sync_copy(eidx_hbm.at[cid, pl.ds(srow, _SROWS)], ebig.at[buf])
        pltpu.sync_copy(dst_hbm.at[pl.ds(srow, _SROWS)], dbig.at[buf])

    def idx_load_start(buf, srow):
        pltpu.async_copy(eidx_hbm.at[cid, pl.ds(srow, _SROWS)],
                         ebig.at[buf], semi)
        pltpu.async_copy(dst_hbm.at[pl.ds(srow, _SROWS)], dbig.at[buf], semi)

    def idx_load_wait(buf):
        pltpu.make_async_copy(eidx_hbm.at[cid, pl.ds(row0, _SROWS)],
                              ebig.at[buf], semi).wait()
        pltpu.make_async_copy(dst_hbm.at[pl.ds(row0, _SROWS)],
                              dbig.at[buf], semi).wait()

    def fire(rbuf, sbuf, c):
        for j in range(_KB):
            pltpu.async_copy(g_hbm.at[ebig.at[sbuf].at[c * _KB + j]],
                             rows_v.at[rbuf].at[j], semg)

    def drain():
        for j in range(_KB):
            pltpu.make_async_copy(g_hbm.at[pl.ds(0, 128)],
                                  rows_v.at[0].at[j], semg).wait()

    def scatter(rbuf, sbuf, c):
        for j in range(_KB):
            pltpu.sync_copy(rows_v.at[rbuf].at[j],
                            aggm.at[dbig.at[sbuf].at[c * _KB + j]], add=True)

    idx_load_sync(0, row0)
    fire(0, 0, 0)

    def super_body(s, carry):
        sbuf = s & 1
        nbuf = 1 - sbuf
        idx_load_start(nbuf, row0 + (s + 1) * _SROWS)
        for c in range(_SCHUNKS):
            if c + 1 < _SCHUNKS:
                fire((c + 1) & 1, sbuf, c + 1)
            else:
                idx_load_wait(nbuf)
                fire(0, nbuf, 0)
            drain()
            scatter(c & 1, sbuf, c)
        return carry

    lax.fori_loop(0, _NSUPER, super_body, 0)
    drain()
    plsc.subcore_barrier()
    def wloop(i, c):
        r = pl.multiple_of(zrow + i * 64, 8)
        pltpu.sync_copy(aggm.at[pl.ds(r, 64)], zz_v)
        pltpu.sync_copy(zz_v, out_hbm.at[cid, pl.ds(r, 64)])
        return c

    lax.fori_loop(0, _ZROWS // 64, wloop, 0)


def _node_call(x, node_type_emb, edge_type_emb, W_self, W_msg, W_edge, b2, f10, ph):
    sel, ph120, p50, base50, pt100, base100 = _pack_consts()
    full = lambda *s: pl.BlockSpec(s, lambda i: tuple(0 for _ in s))
    return pl.pallas_call(
        _node_body,
        grid=(_NBLK,),
        in_specs=[
            pl.BlockSpec((_BN, 15), lambda i: (i, 0)),
            full(_ATTRN, _ATTR_DIM),
            full(2, _ATTR_DIM),
            full(_HIDDEN, _HIDDEN),
            full(_HIDDEN, _HIDDEN),
            full(_ATTR_DIM, _HIDDEN),
            full(1, _HIDDEN),
            full(1, _ATTR_DIM),
            full(1, _ATTR_DIM),
            full(15, 120),
            full(1, 120),
            full(120, _HIDDEN),
            full(1, _HIDDEN),
            full(120, 100),
            full(1, 100),
        ],
        out_specs=[
            pl.BlockSpec((_BN, _HIDDEN), lambda i: (i, 0)),
            pl.BlockSpec((2, 4, _BN, 32), lambda i: (0, 0, i, 0)),
            pl.BlockSpec((_M, _ATTR_DIM), lambda i: (0, 0)),
            pl.BlockSpec((_BN, 100), lambda i: (i, 0)),
        ],
        out_shape=[
            jax.ShapeDtypeStruct((_N, _HIDDEN), jnp.float32),
            jax.ShapeDtypeStruct((2, 4, _N, 32), jnp.float32),
            jax.ShapeDtypeStruct((_M, _ATTR_DIM), jnp.float32),
            jax.ShapeDtypeStruct((_N, 100), jnp.float32),
        ],
    )(x, node_type_emb, edge_type_emb, W_self, W_msg, W_edge, b2, f10, ph,
      sel, ph120, p50, base50, pt100, base100)


def _edge_call(ei4):
    return pl.pallas_call(
        _edge_body,
        grid=(_EBLK,),
        in_specs=[pl.BlockSpec((4, _RB, 128), lambda i: (0, i, 0))],
        out_specs=[
            pl.BlockSpec((2, _RB, 128), lambda i: (0, i, 0)),
            pl.BlockSpec((_RB, 128), lambda i: (i, 0)),
        ],
        out_shape=[
            jax.ShapeDtypeStruct((2, _EROWS_PAD, 128), jnp.int32),
            jax.ShapeDtypeStruct((_EROWS_PAD, 128), jnp.int32),
        ],
    )(ei4)


def _final_call(hs, agg):
    return pl.pallas_call(
        _final_body,
        grid=(_NBLK,),
        in_specs=[
            pl.BlockSpec((_BN, _HIDDEN), lambda i: (i, 0)),
            pl.BlockSpec((2, _BN, 32), lambda i: (0, i, 0)),
        ],
        out_specs=pl.BlockSpec((_BN, _HIDDEN), lambda i: (i, 0)),
        out_shape=jax.ShapeDtypeStruct((_N, _HIDDEN), jnp.float32),
    )(hs, agg)


def _make_sc_call():
    return pl.kernel(
        _sc_body,
        out_type=jax.ShapeDtypeStruct((2, _AGG_ROWS, 32), jnp.float32),
        mesh=plsc.VectorSubcoreMesh(core_axis_name="c", subcore_axis_name="s"),
        compiler_params=pltpu.CompilerParams(use_tc_tiling_on_sc=False),
        scratch_types=[
            pltpu.VMEM((2, _SROWS, 128), jnp.int32),
            pltpu.VMEM((2, _SROWS, 128), jnp.int32),
            pltpu.VMEM((2, _KB, 128, 32), jnp.float32),
            pltpu.VMEM((64, 32), jnp.float32),
            pltpu.VMEM_SHARED((_AGG_ROWS, 32), jnp.float32),
            pltpu.SemaphoreType.DMA,
            pltpu.SemaphoreType.DMA,
        ],
    )


def kernel(x, edge_index, edge_attr, node_type_emb, edge_type_emb,
           W_self, W_msg, W_edge, b):
    f10, ph = _pe_consts()
    b2 = b.reshape(1, _HIDDEN)
    hs, g, mac10, at2 = _node_call(
        x, node_type_emb, edge_type_emb, W_self, W_msg, W_edge, b2, f10, ph)
    g = g.reshape(8 * _N, 32)
    am = jnp.broadcast_to(mac10[:, None, :], (_M, _N, _ATTR_DIM))
    at = at2.reshape(_N, _M, _ATTR_DIM).transpose(1, 0, 2)

    ei = edge_index.reshape(2, _EROWS, 128)
    ea = edge_attr.T.reshape(2, _EROWS, 128)
    ei4 = jnp.pad(jnp.concatenate([ei, ea], axis=0),
                  ((0, 0), (0, _EROWS_PAD - _EROWS), (0, 0)))
    eidx2d, dst2d = _edge_call(ei4)
    eidx2d = jnp.pad(eidx2d, ((0, 0), (0, _SROWS), (0, 0)))
    dst2d = jnp.pad(dst2d, ((0, _SROWS), (0, 0)))

    zz = jnp.zeros((64, 32), jnp.float32)
    agg = _make_sc_call()(g, eidx2d, dst2d, zz)

    out = _final_call(hs, agg)
    return out, (am, at)

# --- scband reference (transcript-rebuilt; emitter-appended) ---
"""Pipeline reference for scband-represent-net-14912126452054 (READ-ONLY COPY).

The authoritative reference and input builder live on the scoring server;
editing this copy changes nothing except your own understanding.
"""

import math
import jax, jax.numpy as jnp
import numpy as np

ATTR_DIM = 10
ATTRN = 5
EDGE_ATTR_DIM = 10
HIDDEN = ATTR_DIM * 5
N = 50000
E = 1600000
F = 15


def get_positions_encoding(positions, d_model):
    # Faithful to the torch code: NO exp applied to the frequency term.
    freqs = jnp.arange(0, d_model, 2, dtype=jnp.float32) * (-math.log(10000.0) / d_model)
    ang = jnp.outer(positions.astype(jnp.float32), freqs)
    pe = jnp.zeros((positions.shape[0], d_model), dtype=jnp.float32)
    pe = pe.at[:, 0::2].set(jnp.sin(ang))
    pe = pe.at[:, 1::2].set(jnp.cos(ang))
    return pe


def setup_inputs(seed: int = 0):
    key = jax.random.key(seed)
    ks = jax.random.split(key, 10)
    x = jax.random.uniform(ks[0], (N, F), dtype=jnp.float32)
    edge_index = jax.random.randint(ks[1], (2, E), 0, N)
    edge_attr = jax.random.randint(ks[2], (E, 2), 0, 2)
    node_type_emb = jax.random.normal(ks[3], (ATTRN, ATTR_DIM), dtype=jnp.float32) * 0.02
    edge_type_emb = jax.random.normal(ks[4], (2, EDGE_ATTR_DIM), dtype=jnp.float32) * 0.02
    s = 1.0 / math.sqrt(HIDDEN)
    W_self = jax.random.normal(ks[5], (HIDDEN, HIDDEN), dtype=jnp.float32) * s
    W_msg = jax.random.normal(ks[6], (HIDDEN, HIDDEN), dtype=jnp.float32) * s
    W_edge = jax.random.normal(ks[7], (EDGE_ATTR_DIM, HIDDEN), dtype=jnp.float32) * s
    b = jnp.zeros((HIDDEN,), dtype=jnp.float32)
    return {"x": x, "edge_index": edge_index, "edge_attr": edge_attr,
            "node_type_emb": node_type_emb, "edge_type_emb": edge_type_emb,
            "W_self": W_self, "W_msg": W_msg, "W_edge": W_edge, "b": b}


def reference(x, edge_index, edge_attr, node_type_emb, edge_type_emb, W_self, W_msg, W_edge, b):
    n = x.shape[0]
    m = x.shape[1] - ATTRN
    # NodeEncoder
    encoded_digits = [get_positions_encoding(x[:, i], ATTR_DIM) + node_type_emb[i] for i in range(ATTRN)]
    mac_pe = get_positions_encoding(jnp.arange(m, dtype=jnp.float32), ATTR_DIM)
    available_mac = jnp.broadcast_to(mac_pe[:, None, :] + node_type_emb[2][None, None, :], (m, n, ATTR_DIM))
    time_pe = get_positions_encoding(x[:, ATTRN:].T.reshape(-1), ATTR_DIM).reshape(m, n, ATTR_DIM)
    available_time = time_pe + node_type_emb[4][None, None, :]
    h = jnp.concatenate(encoded_digits, axis=1)  # [N, 50]
    # EdgeEncoder
    ea = edge_type_emb[edge_attr[:, 0]] + get_positions_encoding(edge_attr[:, 1].astype(jnp.float32), EDGE_ATTR_DIM)
    # StructureEncoder (message passing; StructureEncoder source unavailable -> standard edge-conditioned conv)
    src = edge_index[0]
    dst = edge_index[1]
    msg = jax.nn.relu(h[src] @ W_msg + ea @ W_edge + b)
    agg = jax.ops.segment_sum(msg, dst, num_segments=n)
    out = jax.nn.relu(h @ W_self + agg)
    return (out, (available_mac, available_time))

if __name__ == "__main__":
    import jax
    _d = setup_inputs()
    print(jax.jit(kernel)(*tuple(_d.values())))

</pallas_src>

<mosaic_0001>
#map = affine_map<(d0, d1) -> (0, 0)>
#map1 = affine_map<(d0, d1) -> (0, 0, 0)>
module attributes {stable_mosaic.version = 14 : i64} {
  func.func @_sc_body(%arg0: i32, %arg1: i32, %arg2: memref<400000x32xf32, #tpu.memory_space<hbm>>, %arg3: memref<2x12552x128xi32, #tpu.memory_space<hbm>>, %arg4: memref<12552x128xi32, #tpu.memory_space<hbm>>, %arg5: memref<64x32xf32, #tpu.memory_space<hbm>>, %arg6: memref<2x51200x32xf32, #tpu.memory_space<hbm>>, %arg7: memref<2x8x128xi32, #tpu.memory_space<vmem>>, %arg8: memref<2x8x128xi32, #tpu.memory_space<vmem>>, %arg9: memref<2x2x128x32xf32, #tpu.memory_space<vmem>>, %arg10: memref<64x32xf32, #tpu.memory_space<vmem>>, %arg11: memref<51200x32xf32, #tpu.memory_space<vmem_shared>>, %arg12: memref<!tpu.dma_semaphore, #tpu.memory_space<semaphore_mem>>, %arg13: memref<!tpu.dma_semaphore, #tpu.memory_space<semaphore_mem>>) attributes {dimension_semantics = [#tpu.dimension_semantics<core_parallel>, #tpu.dimension_semantics<subcore_parallel>], iteration_bounds = array<i64: 2, 16>, scalar_prefetch = 0 : i64, scratch_operands = 7 : i64, tpu.core_type = #tpu.core_type<sc_vector_subcore>, window_params = [{transform_indices = #map}, {transform_indices = #map1}, {transform_indices = #map}, {transform_indices = #map}, {transform_indices = #map1}]} {
    %mul3A = arith.constant 3200 : i32
    %mul3A_0 = arith.muli %arg1, %mul3A : i32
    %multiple_of3A = tpu.assume_multiple %mul3A_0, 8 : i32
    "tpu.region"() ({
      %run_scoped3A_118 = tpu.sem_alloc : memref<!tpu.dma_semaphore, #tpu.memory_space<semaphore_mem>>
      tpu.enqueue_dma source(%arg5 : memref<64x32xf32, #tpu.memory_space<hbm>>) target(%arg10 : memref<64x32xf32, #tpu.memory_space<vmem>>) target_semaphore(%run_scoped3A_118 : memref<!tpu.dma_semaphore, #tpu.memory_space<semaphore_mem>>)
      tpu.wait_dma2 semaphore(%run_scoped3A_118 : memref<!tpu.dma_semaphore, #tpu.memory_space<semaphore_mem>>) src(%arg5 : memref<64x32xf32, #tpu.memory_space<hbm>>) dst(%arg10 : memref<64x32xf32, #tpu.memory_space<vmem>>)
      tpu.yield
    }) : () -> ()
    %scan3A = arith.constant 0 : i32
    %scan3A_1 = arith.constant 0 : i32
    %scan3A_2 = arith.constant 50 : i32
    %scan3A_3 = arith.addi %scan3A_1, %scan3A_2 : i32
    %scan3A_4 = arith.constant 1 : i32
    scf.for %scan3A_118 = %scan3A_1 to %scan3A_3 step %scan3A_4  : i32 {
      %mul3A_119 = arith.constant 64 : i32
      %mul3A_120 = arith.muli %scan3A_118, %mul3A_119 : i32
      %add3A = arith.addi %multiple_of3A, %mul3A_120 : i32
      %multiple_of3A_121 = tpu.assume_multiple %add3A, 8 : i32
      "tpu.region"() ({
        %run_scoped3A_122 = tpu.sem_alloc : memref<!tpu.dma_semaphore, #tpu.memory_space<semaphore_mem>>
        %dma_start3A_123 = arith.constant 0 : i32
        %dma_start3A_124 = tpu.memref_slice %arg11[%multiple_of3A_121, %dma_start3A_123] : memref<51200x32xf32, #tpu.memory_space<vmem_shared>> -> memref<64x32xf32, #tpu.memory_space<vmem_shared>>
        %dma_start3A_125 = arith.constant 0 : i32
        %dma_start3A_126 = tpu.memref_slice %arg11[%multiple_of3A_121, %dma_start3A_125] : memref<51200x32xf32, #tpu.memory_space<vmem_shared>> -> memref<64x32xf32, #tpu.memory_space<vmem_shared>>
        tpu.enqueue_dma source(%arg10 : memref<64x32xf32, #tpu.memory_space<vmem>>) target(%dma_start3A_126 : memref<64x32xf32, #tpu.memory_space<vmem_shared>>) target_semaphore(%run_scoped3A_122 : memref<!tpu.dma_semaphore, #tpu.memory_space<semaphore_mem>>)
        %dma_wait3A_127 = arith.constant 0 : i32
        %dma_wait3A_128 = tpu.memref_slice %arg11[%multiple_of3A_121, %dma_wait3A_127] : memref<51200x32xf32, #tpu.memory_space<vmem_shared>> -> memref<64x32xf32, #tpu.memory_space<vmem_shared>>
        %dma_wait3A_129 = arith.constant 0 : i32
        %dma_wait3A_130 = tpu.memref_slice %arg11[%multiple_of3A_121, %dma_wait3A_129] : memref<51200x32xf32, #tpu.memory_space<vmem_shared>> -> memref<64x32xf32, #tpu.memory_space<vmem_shared>>
        tpu.wait_dma2 semaphore(%run_scoped3A_122 : memref<!tpu.dma_semaphore, #tpu.memory_space<semaphore_mem>>) src(%arg10 : memref<64x32xf32, #tpu.memory_space<vmem>>) dst(%dma_wait3A_130 : memref<64x32xf32, #tpu.memory_space<vmem_shared>>)
        tpu.yield
      }) : () -> ()
    }
    %scan3A_5 = arith.constant 50 : i32
    %barrier3A = arith.constant 0 : index
    tpu.barrier barrier_id(%barrier3A)
    %mul3A_6 = arith.constant 784 : i32
    %mul3A_7 = arith.muli %arg1, %mul3A_6 : i32
    %run_scoped3A = arith.constant 0 : i32
    "tpu.region"() ({
      %run_scoped3A_118 = tpu.sem_alloc : memref<!tpu.dma_semaphore, #tpu.memory_space<semaphore_mem>>
      %dma_start3A_119 = arith.constant 0 : i32
      %dma_start3A_120 = arith.constant 0 : i32
      %dma_start3A_121 = tpu.memref_slice %arg7[%run_scoped3A, %dma_start3A_119, %dma_start3A_120] : memref<2x8x128xi32, #tpu.memory_space<vmem>> -> memref<1x8x128xi32, #tpu.memory_space<vmem>>
      %dma_start3A_122 = tpu.memref_squeeze %dma_start3A_121 : memref<1x8x128xi32, #tpu.memory_space<vmem>> -> memref<8x128xi32, #tpu.memory_space<vmem>>
      %dma_start3A_123 = arith.constant 0 : i32
      %dma_start3A_124 = tpu.memref_slice %arg3[%arg0, %mul3A_7, %dma_start3A_123] : memref<2x12552x128xi32, #tpu.memory_space<hbm>> -> memref<1x8x128xi32, #tpu.memory_space<hbm>>
      %dma_start3A_125 = tpu.memref_squeeze %dma_start3A_124 : memref<1x8x128xi32, #tpu.memory_space<hbm>> -> memref<8x128xi32, #tpu.memory_space<hbm>>
      %dma_start3A_126 = arith.constant 0 : i32
      %dma_start3A_127 = arith.constant 0 : i32
      %dma_start3A_128 = tpu.memref_slice %arg7[%run_scoped3A, %dma_start3A_126, %dma_start3A_127] : memref<2x8x128xi32, #tpu.memory_space<vmem>> -> memref<1x8x128xi32, #tpu.memory_space<vmem>>
      %dma_start3A_129 = tpu.memref_squeeze %dma_start3A_128 : memref<1x8x128xi32, #tpu.memory_space<vmem>> -> memref<8x128xi32, #tpu.memory_space<vmem>>
      %dma_start3A_130 = arith.constant 0 : i32
      %dma_start3A_131 = tpu.memref_slice %arg3[%arg0, %mul3A_7, %dma_start3A_130] : memref<2x12552x128xi32, #tpu.memory_space<hbm>> -> memref<1x8x128xi32, #tpu.memory_space<hbm>>
      %dma_start3A_132 = tpu.memref_squeeze %dma_start3A_131 : memref<1x8x128xi32, #tpu.memory_space<hbm>> -> memref<8x128xi32, #tpu.memory_space<hbm>>
      tpu.enqueue_dma source(%dma_start3A_132 : memref<8x128xi32, #tpu.memory_space<hbm>>) target(%dma_start3A_129 : memref<8x128xi32, #tpu.memory_space<vmem>>) target_semaphore(%run_scoped3A_118 : memref<!tpu.dma_semaphore, #tpu.memory_space<semaphore_mem>>)
      %dma_wait3A_133 = arith.constant 0 : i32
      %dma_wait3A_134 = arith.constant 0 : i32
      %dma_wait3A_135 = tpu.memref_slice %arg7[%run_scoped3A, %dma_wait3A_133, %dma_wait3A_134] : memref<2x8x128xi32, #tpu.memory_space<vmem>> -> memref<1x8x128xi32, #tpu.memory_space<vmem>>
      %dma_wait3A_136 = tpu.memref_squeeze %dma_wait3A_135 : memref<1x8x128xi32, #tpu.memory_space<vmem>> -> memref<8x128xi32, #tpu.memory_space<vmem>>
      %dma_wait3A_137 = arith.constant 0 : i32
      %dma_wait3A_138 = tpu.memref_slice %arg3[%arg0, %mul3A_7, %dma_wait3A_137] : memref<2x12552x128xi32, #tpu.memory_space<hbm>> -> memref<1x8x128xi32, #tpu.memory_space<hbm>>
      %dma_wait3A_139 = tpu.memref_squeeze %dma_wait3A_138 : memref<1x8x128xi32, #tpu.memory_space<hbm>> -> memref<8x128xi32, #tpu.memory_space<hbm>>
      %dma_wait3A_140 = arith.constant 0 : i32
      %dma_wait3A_141 = arith.constant 0 : i32
      %dma_wait3A_142 = tpu.memref_slice %arg7[%run_scoped3A, %dma_wait3A_140, %dma_wait3A_141] : memref<2x8x128xi32, #tpu.memory_space<vmem>> -> memref<1x8x128xi32, #tpu.memory_space<vmem>>
      %dma_wait3A_143 = tpu.memref_squeeze %dma_wait3A_142 : memref<1x8x128xi32, #tpu.memory_space<vmem>> -> memref<8x128xi32, #tpu.memory_space<vmem>>
      %dma_wait3A_144 = arith.constant 0 : i32
      %dma_wait3A_145 = tpu.memref_slice %arg3[%arg0, %mul3A_7, %dma_wait3A_144] : memref<2x12552x128xi32, #tpu.memory_space<hbm>> -> memref<1x8x128xi32, #tpu.memory_space<hbm>>
      %dma_wait3A_146 = tpu.memref_squeeze %dma_wait3A_145 : memref<1x8x128xi32, #tpu.memory_space<hbm>> -> memref<8x128xi32, #tpu.memory_space<hbm>>
      tpu.wait_dma2 semaphore(%run_scoped3A_118 : memref<!tpu.dma_semaphore, #tpu.memory_space<semaphore_mem>>) src(%dma_wait3A_146 : memref<8x128xi32, #tpu.memory_space<hbm>>) dst(%dma_wait3A_143 : memref<8x128xi32, #tpu.memory_space<vmem>>)
      tpu.yield
    }) : () -> ()
    %run_scoped3A_8 = arith.constant 0 : i32
    "tpu.region"() ({
      %run_scoped3A_118 = tpu.sem_alloc : memref<!tpu.dma_semaphore, #tpu.memory_space<semaphore_mem>>
      %dma_start3A_119 = arith.constant 0 : i32
      %dma_start3A_120 = arith.constant 0 : i32
      %dma_start3A_121 = tpu.memref_slice %arg8[%run_scoped3A_8, %dma_start3A_119, %dma_start3A_120] : memref<2x8x128xi32, #tpu.memory_space<vmem>> -> memref<1x8x128xi32, #tpu.memory_space<vmem>>
      %dma_start3A_122 = tpu.memref_squeeze %dma_start3A_121 : memref<1x8x128xi32, #tpu.memory_space<vmem>> -> memref<8x128xi32, #tpu.memory_space<vmem>>
      %dma_start3A_123 = arith.constant 0 : i32
      %dma_start3A_124 = tpu.memref_slice %arg4[%mul3A_7, %dma_start3A_123] : memref<12552x128xi32, #tpu.memory_space<hbm>> -> memref<8x128xi32, #tpu.memory_space<hbm>>
      %dma_start3A_125 = arith.constant 0 : i32
      %dma_start3A_126 = arith.constant 0 : i32
      %dma_start3A_127 = tpu.memref_slice %arg8[%run_scoped3A_8, %dma_start3A_125, %dma_start3A_126] : memref<2x8x128xi32, #tpu.memory_space<vmem>> -> memref<1x8x128xi32, #tpu.memory_space<vmem>>
      %dma_start3A_128 = tpu.memref_squeeze %dma_start3A_127 : memref<1x8x128xi32, #tpu.memory_space<vmem>> -> memref<8x128xi32, #tpu.memory_space<vmem>>
      %dma_start3A_129 = arith.constant 0 : i32
      %dma_start3A_130 = tpu.memref_slice %arg4[%mul3A_7, %dma_start3A_129] : memref<12552x128xi32, #tpu.memory_space<hbm>> -> memref<8x128xi32, #tpu.memory_space<hbm>>
      tpu.enqueue_dma source(%dma_start3A_130 : memref<8x128xi32, #tpu.memory_space<hbm>>) target(%dma_start3A_128 : memref<8x128xi32, #tpu.memory_space<vmem>>) target_semaphore(%run_scoped3A_118 : memref<!tpu.dma_semaphore, #tpu.memory_space<semaphore_mem>>)
      %dma_wait3A_131 = arith.constant 0 : i32
      %dma_wait3A_132 = arith.constant 0 : i32
      %dma_wait3A_133 = tpu.memref_slice %arg8[%run_scoped3A_8, %dma_wait3A_131, %dma_wait3A_132] : memref<2x8x128xi32, #tpu.memory_space<vmem>> -> memref<1x8x128xi32, #tpu.memory_space<vmem>>
      %dma_wait3A_134 = tpu.memref_squeeze %dma_wait3A_133 : memref<1x8x128xi32, #tpu.memory_space<vmem>> -> memref<8x128xi32, #tpu.memory_space<vmem>>
      %dma_wait3A_135 = arith.constant 0 : i32
      %dma_wait3A_136 = tpu.memref_slice %arg4[%mul3A_7, %dma_wait3A_135] : memref<12552x128xi32, #tpu.memory_space<hbm>> -> memref<8x128xi32, #tpu.memory_space<hbm>>
      %dma_wait3A_137 = arith.constant 0 : i32
      %dma_wait3A_138 = arith.constant 0 : i32
      %dma_wait3A_139 = tpu.memref_slice %arg8[%run_scoped3A_8, %dma_wait3A_137, %dma_wait3A_138] : memref<2x8x128xi32, #tpu.memory_space<vmem>> -> memref<1x8x128xi32, #tpu.memory_space<vmem>>
      %dma_wait3A_140 = tpu.memref_squeeze %dma_wait3A_139 : memref<1x8x128xi32, #tpu.memory_space<vmem>> -> memref<8x128xi32, #tpu.memory_space<vmem>>
      %dma_wait3A_141 = arith.constant 0 : i32
      %dma_wait3A_142 = tpu.memref_slice %arg4[%mul3A_7, %dma_wait3A_141] : memref<12552x128xi32, #tpu.memory_space<hbm>> -> memref<8x128xi32, #tpu.memory_space<hbm>>
      tpu.wait_dma2 semaphore(%run_scoped3A_118 : memref<!tpu.dma_semaphore, #tpu.memory_space<semaphore_mem>>) src(%dma_wait3A_142 : memref<8x128xi32, #tpu.memory_space<hbm>>) dst(%dma_wait3A_140 : memref<8x128xi32, #tpu.memory_space<vmem>>)
      tpu.yield
    }) : () -> ()
    %dma_start3A = arith.constant 0 : i32
    %dma_start3A_9 = arith.constant 0 : i32
    %dma_start3A_10 = arith.constant 0 : i32
    %dma_start3A_11 = arith.constant 0 : i32
    %dma_start3A_12 = arith.constant 0 : i32
    %dma_start3A_13 = arith.constant 0 : i32
    %dma_start3A_14 = arith.constant 0 : i32
    %dma_start3A_15 = tpu.memref_slice %arg9[%dma_start3A_10, %dma_start3A_12, %dma_start3A_13, %dma_start3A_14] : memref<2x2x128x32xf32, #tpu.memory_space<vmem>> -> memref<1x2x128x32xf32, #tpu.memory_space<vmem>>
    %dma_start3A_16 = tpu.memref_squeeze %dma_start3A_15 : memref<1x2x128x32xf32, #tpu.memory_space<vmem>> -> memref<2x128x32xf32, #tpu.memory_space<vmem>>
    %dma_start3A_17 = arith.constant 0 : i32
    %dma_start3A_18 = arith.constant 0 : i32
    %dma_start3A_19 = tpu.memref_slice %dma_start3A_16[%dma_start3A_11, %dma_start3A_17, %dma_start3A_18] : memref<2x128x32xf32, #tpu.memory_space<vmem>> -> memref<1x128x32xf32, #tpu.memory_space<vmem>>
    %dma_start3A_20 = tpu.memref_squeeze %dma_start3A_19 : memref<1x128x32xf32, #tpu.memory_space<vmem>> -> memref<128x32xf32, #tpu.memory_space<vmem>>
    %dma_start3A_21 = arith.constant 0 : i32
    %dma_start3A_22 = arith.constant 0 : i32
    %dma_start3A_23 = tpu.memref_slice %arg7[%dma_start3A, %dma_start3A_21, %dma_start3A_22] : memref<2x8x128xi32, #tpu.memory_space<vmem>> -> memref<1x8x128xi32, #tpu.memory_space<vmem>>
    %dma_start3A_24 = tpu.memref_squeeze %dma_start3A_23 : memref<1x8x128xi32, #tpu.memory_space<vmem>> -> memref<8x128xi32, #tpu.memory_space<vmem>>
    %dma_start3A_25 = arith.constant 0 : i32
    %dma_start3A_26 = tpu.memref_slice %dma_start3A_24[%dma_start3A_9, %dma_start3A_25] : memref<8x128xi32, #tpu.memory_space<vmem>> -> memref<1x128xi32, #tpu.memory_space<vmem>>
    %dma_start3A_27 = tpu.memref_squeeze %dma_start3A_26 : memref<1x128xi32, #tpu.memory_space<vmem>> -> memref<128xi32, #tpu.memory_space<vmem>>
    %dma_start3A_28 = arith.constant 0 : i32
    %dma_start3A_29 = arith.constant 0 : i32
    %dma_start3A_30 = tpu.memref_slice %arg2[%dma_start3A_28, %dma_start3A_29] : memref<400000x32xf32, #tpu.memory_space<hbm>> -> memref<400000x32xf32, #tpu.memory_space<hbm>>
    tpu.enqueue_indirect_dma source(%dma_start3A_30 : memref<400000x32xf32, #tpu.memory_space<hbm>>) target(%dma_start3A_20 : memref<128x32xf32, #tpu.memory_space<vmem>>) offsets(%dma_start3A_27 : memref<128xi32, #tpu.memory_space<vmem>>) semaphore(%arg12 : memref<!tpu.dma_semaphore, #tpu.memory_space<semaphore_mem>>)
    %dma_start3A_31 = arith.constant 0 : i32
    %dma_start3A_32 = arith.constant 1 : i32
    %dma_start3A_33 = arith.constant 0 : i32
    %dma_start3A_34 = arith.constant 1 : i32
    %dma_start3A_35 = arith.constant 0 : i32
    %dma_start3A_36 = arith.constant 0 : i32
    %dma_start3A_37 = arith.constant 0 : i32
    %dma_start3A_38 = tpu.memref_slice %arg9[%dma_start3A_33, %dma_start3A_35, %dma_start3A_36, %dma_start3A_37] : memref<2x2x128x32xf32, #tpu.memory_space<vmem>> -> memref<1x2x128x32xf32, #tpu.memory_space<vmem>>
    %dma_start3A_39 = tpu.memref_squeeze %dma_start3A_38 : memref<1x2x128x32xf32, #tpu.memory_space<vmem>> -> memref<2x128x32xf32, #tpu.memory_space<vmem>>
    %dma_start3A_40 = arith.constant 0 : i32
    %dma_start3A_41 = arith.constant 0 : i32
    %dma_start3A_42 = tpu.memref_slice %dma_start3A_39[%dma_start3A_34, %dma_start3A_40, %dma_start3A_41] : memref<2x128x32xf32, #tpu.memory_space<vmem>> -> memref<1x128x32xf32, #tpu.memory_space<vmem>>
    %dma_start3A_43 = tpu.memref_squeeze %dma_start3A_42 : memref<1x128x32xf32, #tpu.memory_space<vmem>> -> memref<128x32xf32, #tpu.memory_space<vmem>>
    %dma_start3A_44 = arith.constant 0 : i32
    %dma_start3A_45 = arith.constant 0 : i32
    %dma_start3A_46 = tpu.memref_slice %arg7[%dma_start3A_31, %dma_start3A_44, %dma_start3A_45] : memref<2x8x128xi32, #tpu.memory_space<vmem>> -> memref<1x8x128xi32, #tpu.memory_space<vmem>>
    %dma_start3A_47 = tpu.memref_squeeze %dma_start3A_46 : memref<1x8x128xi32, #tpu.memory_space<vmem>> -> memref<8x128xi32, #tpu.memory_space<vmem>>
    %dma_start3A_48 = arith.constant 0 : i32
    %dma_start3A_49 = tpu.memref_slice %dma_start3A_47[%dma_start3A_32, %dma_start3A_48] : memref<8x128xi32, #tpu.memory_space<vmem>> -> memref<1x128xi32, #tpu.memory_space<vmem>>
    %dma_start3A_50 = tpu.memref_squeeze %dma_start3A_49 : memref<1x128xi32, #tpu.memory_space<vmem>> -> memref<128xi32, #tpu.memory_space<vmem>>
    %dma_start3A_51 = arith.constant 0 : i32
    %dma_start3A_52 = arith.constant 0 : i32
    %dma_start3A_53 = tpu.memref_slice %arg2[%dma_start3A_51, %dma_start3A_52] : memref<400000x32xf32, #tpu.memory_space<hbm>> -> memref<400000x32xf32, #tpu.memory_space<hbm>>
    tpu.enqueue_indirect_dma source(%dma_start3A_53 : memref<400000x32xf32, #tpu.memory_space<hbm>>) target(%dma_start3A_43 : memref<128x32xf32, #tpu.memory_space<vmem>>) offsets(%dma_start3A_50 : memref<128xi32, #tpu.memory_space<vmem>>) semaphore(%arg12 : memref<!tpu.dma_semaphore, #tpu.memory_space<semaphore_mem>>)
    %scan3A_54 = arith.constant 0 : i32
    %scan3A_55 = arith.constant 0 : i32
    %scan3A_56 = arith.constant 98 : i32
    %scan3A_57 = arith.addi %scan3A_55, %scan3A_56 : i32
    %scan3A_58 = arith.constant 1 : i32
    scf.for %scan3A_118 = %scan3A_55 to %scan3A_57 step %scan3A_58  : i32 {
      %and3A = arith.constant 1 : i32
      %and3A_119 = arith.andi %scan3A_118, %and3A : i32
      %sub3A = arith.constant 1 : i32
      %sub3A_120 = arith.subi %sub3A, %and3A_119 : i32
      %add3A = arith.constant 1 : i32
      %add3A_121 = arith.addi %scan3A_118, %add3A : i32
      %mul3A_122 = arith.constant 8 : i32
      %mul3A_123 = arith.muli %add3A_121, %mul3A_122 : i32
      %add3A_124 = arith.addi %mul3A_7, %mul3A_123 : i32
      %dma_start3A_125 = arith.constant 0 : i32
      %dma_start3A_126 = arith.constant 0 : i32
      %dma_start3A_127 = tpu.memref_slice %arg7[%sub3A_120, %dma_start3A_125, %dma_start3A_126] : memref<2x8x128xi32, #tpu.memory_space<vmem>> -> memref<1x8x128xi32, #tpu.memory_space<vmem>>
      %dma_start3A_128 = tpu.memref_squeeze %dma_start3A_127 : memref<1x8x128xi32, #tpu.memory_space<vmem>> -> memref<8x128xi32, #tpu.memory_space<vmem>>
      %dma_start3A_129 = arith.constant 0 : i32
      %dma_start3A_130 = tpu.memref_slice %arg3[%arg0, %add3A_124, %dma_start3A_129] : memref<2x12552x128xi32, #tpu.memory_space<hbm>> -> memref<1x8x128xi32, #tpu.memory_space<hbm>>
      %dma_start3A_131 = tpu.memref_squeeze %dma_start3A_130 : memref<1x8x128xi32, #tpu.memory_space<hbm>> -> memref<8x128xi32, #tpu.memory_space<hbm>>
      %dma_start3A_132 = arith.constant 0 : i32
      %dma_start3A_133 = arith.constant 0 : i32
      %dma_start3A_134 = tpu.memref_slice %arg7[%sub3A_120, %dma_start3A_132, %dma_start3A_133] : memref<2x8x128xi32, #tpu.memory_space<vmem>> -> memref<1x8x128xi32, #tpu.memory_space<vmem>>
      %dma_start3A_135 = tpu.memref_squeeze %dma_start3A_134 : memref<1x8x128xi32, #tpu.memory_space<vmem>> -> memref<8x128xi32, #tpu.memory_space<vmem>>
      %dma_start3A_136 = arith.constant 0 : i32
      %dma_start3A_137 = tpu.memref_slice %arg3[%arg0, %add3A_124, %dma_start3A_136] : memref<2x12552x128xi32, #tpu.memory_space<hbm>> -> memref<1x8x128xi32, #tpu.memory_space<hbm>>
      %dma_start3A_138 = tpu.memref_squeeze %dma_start3A_137 : memref<1x8x128xi32, #tpu.memory_space<hbm>> -> memref<8x128xi32, #tpu.memory_space<hbm>>
      tpu.enqueue_dma source(%dma_start3A_138 : memref<8x128xi32, #tpu.memory_space<hbm>>) target(%dma_start3A_135 : memref<8x128xi32, #tpu.memory_space<vmem>>) target_semaphore(%arg13 : memref<!tpu.dma_semaphore, #tpu.memory_space<semaphore_mem>>)
      %dma_start3A_139 = arith.constant 0 : i32
      %dma_start3A_140 = arith.constant 0 : i32
      %dma_start3A_141 = tpu.memref_slice %arg8[%sub3A_120, %dma_start3A_139, %dma_start3A_140] : memref<2x8x128xi32, #tpu.memory_space<vmem>> -> memref<1x8x128xi32, #tpu.memory_space<vmem>>
      %dma_start3A_142 = tpu.memref_squeeze %dma_start3A_141 : memref<1x8x128xi32, #tpu.memory_space<vmem>> -> memref<8x128xi32, #tpu.memory_space<vmem>>
      %dma_start3A_143 = arith.constant 0 : i32
      %dma_start3A_144 = tpu.memref_slice %arg4[%add3A_124, %dma_start3A_143] : memref<12552x128xi32, #tpu.memory_space<hbm>> -> memref<8x128xi32, #tpu.memory_space<hbm>>
      %dma_start3A_145 = arith.constant 0 : i32
      %dma_start3A_146 = arith.constant 0 : i32
      %dma_start3A_147 = tpu.memref_slice %arg8[%sub3A_120, %dma_start3A_145, %dma_start3A_146] : memref<2x8x128xi32, #tpu.memory_space<vmem>> -> memref<1x8x128xi32, #tpu.memory_space<vmem>>
      %dma_start3A_148 = tpu.memref_squeeze %dma_start3A_147 : memref<1x8x128xi32, #tpu.memory_space<vmem>> -> memref<8x128xi32, #tpu.memory_space<vmem>>
      %dma_start3A_149 = arith.constant 0 : i32
      %dma_start3A_150 = tpu.memref_slice %arg4[%add3A_124, %dma_start3A_149] : memref<12552x128xi32, #tpu.memory_space<hbm>> -> memref<8x128xi32, #tpu.memory_space<hbm>>
      tpu.enqueue_dma source(%dma_start3A_150 : memref<8x128xi32, #tpu.memory_space<hbm>>) target(%dma_start3A_148 : memref<8x128xi32, #tpu.memory_space<vmem>>) target_semaphore(%arg13 : memref<!tpu.dma_semaphore, #tpu.memory_space<semaphore_mem>>)
      %dma_start3A_151 = arith.constant 2 : i32
      %dma_start3A_152 = arith.constant 1 : i32
      %dma_start3A_153 = arith.constant 0 : i32
      %dma_start3A_154 = arith.constant 0 : i32
      %dma_start3A_155 = arith.constant 0 : i32
      %dma_start3A_156 = arith.constant 0 : i32
      %dma_start3A_157 = tpu.memref_slice %arg9[%dma_start3A_152, %dma_start3A_154, %dma_start3A_155, %dma_start3A_156] : memref<2x2x128x32xf32, #tpu.memory_space<vmem>> -> memref<1x2x128x32xf32, #tpu.memory_space<vmem>>
      %dma_start3A_158 = tpu.memref_squeeze %dma_start3A_157 : memref<1x2x128x32xf32, #tpu.memory_space<vmem>> -> memref<2x128x32xf32, #tpu.memory_space<vmem>>
      %dma_start3A_159 = arith.constant 0 : i32
      %dma_start3A_160 = arith.constant 0 : i32
      %dma_start3A_161 = tpu.memref_slice %dma_start3A_158[%dma_start3A_153, %dma_start3A_159, %dma_start3A_160] : memref<2x128x32xf32, #tpu.memory_space<vmem>> -> memref<1x128x32xf32, #tpu.memory_space<vmem>>
      %dma_start3A_162 = tpu.memref_squeeze %dma_start3A_161 : memref<1x128x32xf32, #tpu.memory_space<vmem>> -> memref<128x32xf32, #tpu.memory_space<vmem>>
      %dma_start3A_163 = arith.constant 0 : i32
      %dma_start3A_164 = arith.constant 0 : i32
      %dma_start3A_165 = tpu.memref_slice %arg7[%and3A_119, %dma_start3A_163, %dma_start3A_164] : memref<2x8x128xi32, #tpu.memory_space<vmem>> -> memref<1x8x128xi32, #tpu.memory_space<vmem>>
      %dma_start3A_166 = tpu.memref_squeeze %dma_start3A_165 : memref<1x8x128xi32, #tpu.memory_space<vmem>> -> memref<8x128xi32, #tpu.memory_space<vmem>>
      %dma_start3A_167 = arith.constant 0 : i32
      %dma_start3A_168 = tpu.memref_slice %dma_start3A_166[%dma_start3A_151, %dma_start3A_167] : memref<8x128xi32, #tpu.memory_space<vmem>> -> memref<1x128xi32, #tpu.memory_space<vmem>>
      %dma_start3A_169 = tpu.memref_squeeze %dma_start3A_168 : memref<1x128xi32, #tpu.memory_space<vmem>> -> memref<128xi32, #tpu.memory_space<vmem>>
      %dma_start3A_170 = arith.constant 0 : i32
      %dma_start3A_171 = arith.constant 0 : i32
      %dma_start3A_172 = tpu.memref_slice %arg2[%dma_start3A_170, %dma_start3A_171] : memref<400000x32xf32, #tpu.memory_space<hbm>> -> memref<400000x32xf32, #tpu.memory_space<hbm>>
      tpu.enqueue_indirect_dma source(%dma_start3A_172 : memref<400000x32xf32, #tpu.memory_space<hbm>>) target(%dma_start3A_162 : memref<128x32xf32, #tpu.memory_space<vmem>>) offsets(%dma_start3A_169 : memref<128xi32, #tpu.memory_space<vmem>>) semaphore(%arg12 : memref<!tpu.dma_semaphore, #tpu.memory_space<semaphore_mem>>)
      %dma_start3A_173 = arith.constant 3 : i32
      %dma_start3A_174 = arith.constant 1 : i32
      %dma_start3A_175 = arith.constant 1 : i32
      %dma_start3A_176 = arith.constant 0 : i32
      %dma_start3A_177 = arith.constant 0 : i32
      %dma_start3A_178 = arith.constant 0 : i32
      %dma_start3A_179 = tpu.memref_slice %arg9[%dma_start3A_174, %dma_start3A_176, %dma_start3A_177, %dma_start3A_178] : memref<2x2x128x32xf32, #tpu.memory_space<vmem>> -> memref<1x2x128x32xf32, #tpu.memory_space<vmem>>
      %dma_start3A_180 = tpu.memref_squeeze %dma_start3A_179 : memref<1x2x128x32xf32, #tpu.memory_space<vmem>> -> memref<2x128x32xf32, #tpu.memory_space<vmem>>
      %dma_start3A_181 = arith.constant 0 : i32
      %dma_start3A_182 = arith.constant 0 : i32
      %dma_start3A_183 = tpu.memref_slice %dma_start3A_180[%dma_start3A_175, %dma_start3A_181, %dma_start3A_182] : memref<2x128x32xf32, #tpu.memory_space<vmem>> -> memref<1x128x32xf32, #tpu.memory_space<vmem>>
      %dma_start3A_184 = tpu.memref_squeeze %dma_start3A_183 : memref<1x128x32xf32, #tpu.memory_space<vmem>> -> memref<128x32xf32, #tpu.memory_space<vmem>>
      %dma_start3A_185 = arith.constant 0 : i32
      %dma_start3A_186 = arith.constant 0 : i32
      %dma_start3A_187 = tpu.memref_slice %arg7[%and3A_119, %dma_start3A_185, %dma_start3A_186] : memref<2x8x128xi32, #tpu.memory_space<vmem>> -> memref<1x8x128xi32, #tpu.memory_space<vmem>>
      %dma_start3A_188 = tpu.memref_squeeze %dma_start3A_187 : memref<1x8x128xi32, #tpu.memory_space<vmem>> -> memref<8x128xi32, #tpu.memory_space<vmem>>
      %dma_start3A_189 = arith.constant 0 : i32
      %dma_start3A_190 = tpu.memref_slice %dma_start3A_188[%dma_start3A_173, %dma_start3A_189] : memref<8x128xi32, #tpu.memory_space<vmem>> -> memref<1x128xi32, #tpu.memory_space<vmem>>
      %dma_start3A_191 = tpu.memref_squeeze %dma_start3A_190 : memref<1x128xi32, #tpu.memory_space<vmem>> -> memref<128xi32, #tpu.memory_space<vmem>>
      %dma_start3A_192 = arith.constant 0 : i32
      %dma_start3A_193 = arith.constant 0 : i32
      %dma_start3A_194 = tpu.memref_slice %arg2[%dma_start3A_192, %dma_start3A_193] : memref<400000x32xf32, #tpu.memory_space<hbm>> -> memref<400000x32xf32, #tpu.memory_space<hbm>>
      tpu.enqueue_indirect_dma source(%dma_start3A_194 : memref<400000x32xf32, #tpu.memory_space<hbm>>) target(%dma_start3A_184 : memref<128x32xf32, #tpu.memory_space<vmem>>) offsets(%dma_start3A_191 : memref<128xi32, #tpu.memory_space<vmem>>) semaphore(%arg12 : memref<!tpu.dma_semaphore, #tpu.memory_space<semaphore_mem>>)
      %dma_wait3A_195 = arith.constant 0 : i32
      %dma_wait3A_196 = arith.constant 0 : i32
      %dma_wait3A_197 = arith.constant 0 : i32
      %dma_wait3A_198 = arith.constant 0 : i32
      %dma_wait3A_199 = arith.constant 0 : i32
      %dma_wait3A_200 = tpu.memref_slice %arg9[%dma_wait3A_195, %dma_wait3A_197, %dma_wait3A_198, %dma_wait3A_199] : memref<2x2x128x32xf32, #tpu.memory_space<vmem>> -> memref<1x2x128x32xf32, #tpu.memory_space<vmem>>
      %dma_wait3A_201 = tpu.memref_squeeze %dma_wait3A_200 : memref<1x2x128x32xf32, #tpu.memory_space<vmem>> -> memref<2x128x32xf32, #tpu.memory_space<vmem>>
      %dma_wait3A_202 = arith.constant 0 : i32
      %dma_wait3A_203 = arith.constant 0 : i32
      %dma_wait3A_204 = tpu.memref_slice %dma_wait3A_201[%dma_wait3A_196, %dma_wait3A_202, %dma_wait3A_203] : memref<2x128x32xf32, #tpu.memory_space<vmem>> -> memref<1x128x32xf32, #tpu.memory_space<vmem>>
      %dma_wait3A_205 = tpu.memref_squeeze %dma_wait3A_204 : memref<1x128x32xf32, #tpu.memory_space<vmem>> -> memref<128x32xf32, #tpu.memory_space<vmem>>
      %dma_wait3A_206 = arith.constant 0 : i32
      %dma_wait3A_207 = arith.constant 0 : i32
      %dma_wait3A_208 = tpu.memref_slice %arg2[%dma_wait3A_206, %dma_wait3A_207] : memref<400000x32xf32, #tpu.memory_space<hbm>> -> memref<128x32xf32, #tpu.memory_space<hbm>>
      %dma_wait3A_209 = arith.constant 0 : i32
      %dma_wait3A_210 = arith.constant 0 : i32
      %dma_wait3A_211 = arith.constant 0 : i32
      %dma_wait3A_212 = tpu.memref_slice %arg9[%dma_wait3A_195, %dma_wait3A_209, %dma_wait3A_210, %dma_wait3A_211] : memref<2x2x128x32xf32, #tpu.memory_space<vmem>> -> memref<1x2x128x32xf32, #tpu.memory_space<vmem>>
      %dma_wait3A_213 = tpu.memref_squeeze %dma_wait3A_212 : memref<1x2x128x32xf32, #tpu.memory_space<vmem>> -> memref<2x128x32xf32, #tpu.memory_space<vmem>>
      %dma_wait3A_214 = arith.constant 0 : i32
      %dma_wait3A_215 = arith.constant 0 : i32
      %dma_wait3A_216 = tpu.memref_slice %dma_wait3A_213[%dma_wait3A_196, %dma_wait3A_214, %dma_wait3A_215] : memref<2x128x32xf32, #tpu.memory_space<vmem>> -> memref<1x128x32xf32, #tpu.memory_space<vmem>>
      %dma_wait3A_217 = tpu.memref_squeeze %dma_wait3A_216 : memref<1x128x32xf32, #tpu.memory_space<vmem>> -> memref<128x32xf32, #tpu.memory_space<vmem>>
      %dma_wait3A_218 = arith.constant 0 : i32
      %dma_wait3A_219 = arith.constant 0 : i32
      %dma_wait3A_220 = tpu.memref_slice %arg2[%dma_wait3A_218, %dma_wait3A_219] : memref<400000x32xf32, #tpu.memory_space<hbm>> -> memref<128x32xf32, #tpu.memory_space<hbm>>
      tpu.wait_dma2 semaphore(%arg12 : memref<!tpu.dma_semaphore, #tpu.memory_space<semaphore_mem>>) src(%dma_wait3A_220 : memref<128x32xf32, #tpu.memory_space<hbm>>) dst(%dma_wait3A_217 : memref<128x32xf32, #tpu.memory_space<vmem>>)
      %dma_wait3A_221 = arith.constant 0 : i32
      %dma_wait3A_222 = arith.constant 1 : i32
      %dma_wait3A_223 = arith.constant 0 : i32
      %dma_wait3A_224 = arith.constant 0 : i32
      %dma_wait3A_225 = arith.constant 0 : i32
      %dma_wait3A_226 = tpu.memref_slice %arg9[%dma_wait3A_221, %dma_wait3A_223, %dma_wait3A_224, %dma_wait3A_225] : memref<2x2x128x32xf32, #tpu.memory_space<vmem>> -> memref<1x2x128x32xf32, #tpu.memory_space<vmem>>
      %dma_wait3A_227 = tpu.memref_squeeze %dma_wait3A_226 : memref<1x2x128x32xf32, #tpu.memory_space<vmem>> -> memref<2x128x32xf32, #tpu.memory_space<vmem>>
      %dma_wait3A_228 = arith.constant 0 : i32
      %dma_wait3A_229 = arith.constant 0 : i32
      %dma_wait3A_230 = tpu.memref_slice %dma_wait3A_227[%dma_wait3A_222, %dma_wait3A_228, %dma_wait3A_229] : memref<2x128x32xf32, #tpu.memory_space<vmem>> -> memref<1x128x32xf32, #tpu.memory_space<vmem>>
      %dma_wait3A_231 = tpu.memref_squeeze %dma_wait3A_230 : memref<1x128x32xf32, #tpu.memory_space<vmem>> -> memref<128x32xf32, #tpu.memory_space<vmem>>
      %dma_wait3A_232 = arith.constant 0 : i32
      %dma_wait3A_233 = arith.constant 0 : i32
      %dma_wait3A_234 = tpu.memref_slice %arg2[%dma_wait3A_232, %dma_wait3A_233] : memref<400000x32xf32, #tpu.memory_space<hbm>> -> memref<128x32xf32, #tpu.memory_space<hbm>>
      %dma_wait3A_235 = arith.constant 0 : i32
      %dma_wait3A_236 = arith.constant 0 : i32
      %dma_wait3A_237 = arith.constant 0 : i32
      %dma_wait3A_238 = tpu.memref_slice %arg9[%dma_wait3A_221, %dma_wait3A_235, %dma_wait3A_236, %dma_wait3A_237] : memref<2x2x128x32xf32, #tpu.memory_space<vmem>> -> memref<1x2x128x32xf32, #tpu.memory_space<vmem>>
      %dma_wait3A_239 = tpu.memref_squeeze %dma_wait3A_238 : memref<1x2x128x32xf32, #tpu.memory_space<vmem>> -> memref<2x128x32xf32, #tpu.memory_space<vmem>>
      %dma_wait3A_240 = arith.constant 0 : i32
      %dma_wait3A_241 = arith.constant 0 : i32
      %dma_wait3A_242 = tpu.memref_slice %dma_wait3A_239[%dma_wait3A_222, %dma_wait3A_240, %dma_wait3A_241] : memref<2x128x32xf32, #tpu.memory_space<vmem>> -> memref<1x128x32xf32, #tpu.memory_space<vmem>>
      %dma_wait3A_243 = tpu.memref_squeeze %dma_wait3A_242 : memref<1x128x32xf32, #tpu.memory_space<vmem>> -> memref<128x32xf32, #tpu.memory_space<vmem>>
      %dma_wait3A_244 = arith.constant 0 : i32
      %dma_wait3A_245 = arith.constant 0 : i32
      %dma_wait3A_246 = tpu.memref_slice %arg2[%dma_wait3A_244, %dma_wait3A_245] : memref<400000x32xf32, #tpu.memory_space<hbm>> -> memref<128x32xf32, #tpu.memory_space<hbm>>
      tpu.wait_dma2 semaphore(%arg12 : memref<!tpu.dma_semaphore, #tpu.memory_space<semaphore_mem>>) src(%dma_wait3A_246 : memref<128x32xf32, #tpu.memory_space<hbm>>) dst(%dma_wait3A_243 : memref<128x32xf32, #tpu.memory_space<vmem>>)
      %run_scoped3A_247 = arith.constant 0 : i32
      %run_scoped3A_248 = arith.constant 0 : i32
      %run_scoped3A_249 = arith.constant 0 : i32
      "tpu.region"() ({
        %run_scoped3A_585 = tpu.sem_alloc : memref<!tpu.dma_semaphore, #tpu.memory_space<semaphore_mem>>
        %dma_start3A_586 = arith.constant 0 : i32
        %dma_start3A_587 = arith.constant 0 : i32
        %dma_start3A_588 = arith.constant 0 : i32
        %dma_start3A_589 = tpu.memref_slice %arg9[%run_scoped3A_247, %dma_start3A_586, %dma_start3A_587, %dma_start3A_588] : memref<2x2x128x32xf32, #tpu.memory_space<vmem>> -> memref<1x2x128x32xf32, #tpu.memory_space<vmem>>
        %dma_start3A_590 = tpu.memref_squeeze %dma_start3A_589 : memref<1x2x128x32xf32, #tpu.memory_space<vmem>> -> memref<2x128x32xf32, #tpu.memory_space<vmem>>
        %dma_start3A_591 = arith.constant 0 : i32
        %dma_start3A_592 = arith.constant 0 : i32
        %dma_start3A_593 = tpu.memref_slice %dma_start3A_590[%run_scoped3A_248, %dma_start3A_591, %dma_start3A_592] : memref<2x128x32xf32, #tpu.memory_space<vmem>> -> memref<1x128x32xf32, #tpu.memory_space<vmem>>
        %dma_start3A_594 = tpu.memref_squeeze %dma_start3A_593 : memref<1x128x32xf32, #tpu.memory_space<vmem>> -> memref<128x32xf32, #tpu.memory_space<vmem>>
        %dma_start3A_595 = arith.constant 0 : i32
        %dma_start3A_596 = arith.constant 0 : i32
        %dma_start3A_597 = tpu.memref_slice %arg8[%and3A_119, %dma_start3A_595, %dma_start3A_596] : memref<2x8x128xi32, #tpu.memory_space<vmem>> -> memref<1x8x128xi32, #tpu.memory_space<vmem>>
        %dma_start3A_598 = tpu.memref_squeeze %dma_start3A_597 : memref<1x8x128xi32, #tpu.memory_space<vmem>> -> memref<8x128xi32, #tpu.memory_space<vmem>>
        %dma_start3A_599 = arith.constant 0 : i32
        %dma_start3A_600 = tpu.memref_slice %dma_start3A_598[%run_scoped3A_249, %dma_start3A_599] : memref<8x128xi32, #tpu.memory_space<vmem>> -> memref<1x128xi32, #tpu.memory_space<vmem>>
        %dma_start3A_601 = tpu.memref_squeeze %dma_start3A_600 : memref<1x128xi32, #tpu.memory_space<vmem>> -> memref<128xi32, #tpu.memory_space<vmem>>
        %dma_start3A_602 = arith.constant 0 : i32
        %dma_start3A_603 = arith.constant 0 : i32
        %dma_start3A_604 = tpu.memref_slice %arg11[%dma_start3A_602, %dma_start3A_603] : memref<51200x32xf32, #tpu.memory_space<vmem_shared>> -> memref<51200x32xf32, #tpu.memory_space<vmem_shared>>
        tpu.enqueue_indirect_dma source(%dma_start3A_594 : memref<128x32xf32, #tpu.memory_space<vmem>>) target(%dma_start3A_604 : memref<51200x32xf32, #tpu.memory_space<vmem_shared>>) offsets(%dma_start3A_601 : memref<128xi32, #tpu.memory_space<vmem>>) semaphore(%run_scoped3A_585 : memref<!tpu.dma_semaphore, #tpu.memory_space<semaphore_mem>>) {add = true}
        %dma_wait3A_605 = arith.constant 0 : i32
        %dma_wait3A_606 = arith.constant 0 : i32
        %dma_wait3A_607 = arith.constant 0 : i32
        %dma_wait3A_608 = tpu.memref_slice %arg9[%run_scoped3A_247, %dma_wait3A_605, %dma_wait3A_606, %dma_wait3A_607] : memref<2x2x128x32xf32, #tpu.memory_space<vmem>> -> memref<1x2x128x32xf32, #tpu.memory_space<vmem>>
        %dma_wait3A_609 = tpu.memref_squeeze %dma_wait3A_608 : memref<1x2x128x32xf32, #tpu.memory_space<vmem>> -> memref<2x128x32xf32, #tpu.memory_space<vmem>>
        %dma_wait3A_610 = arith.constant 0 : i32
        %dma_wait3A_611 = arith.constant 0 : i32
        %dma_wait3A_612 = tpu.memref_slice %dma_wait3A_609[%run_scoped3A_248, %dma_wait3A_610, %dma_wait3A_611] : memref<2x128x32xf32, #tpu.memory_space<vmem>> -> memref<1x128x32xf32, #tpu.memory_space<vmem>>
        %dma_wait3A_613 = tpu.memref_squeeze %dma_wait3A_612 : memref<1x128x32xf32, #tpu.memory_space<vmem>> -> memref<128x32xf32, #tpu.memory_space<vmem>>
        %dma_wait3A_614 = arith.constant 0 : i32
        %dma_wait3A_615 = arith.constant 0 : i32
        %dma_wait3A_616 = tpu.memref_slice %arg8[%and3A_119, %dma_wait3A_614, %dma_wait3A_615] : memref<2x8x128xi32, #tpu.memory_space<vmem>> -> memref<1x8x128xi32, #tpu.memory_space<vmem>>
        %dma_wait3A_617 = tpu.memref_squeeze %dma_wait3A_616 : memref<1x8x128xi32, #tpu.memory_space<vmem>> -> memref<8x128xi32, #tpu.memory_space<vmem>>
        %dma_wait3A_618 = arith.constant 0 : i32
        %dma_wait3A_619 = tpu.memref_slice %dma_wait3A_617[%run_scoped3A_249, %dma_wait3A_618] : memref<8x128xi32, #tpu.memory_space<vmem>> -> memref<1x128xi32, #tpu.memory_space<vmem>>
        %dma_wait3A_620 = tpu.memref_squeeze %dma_wait3A_619 : memref<1x128xi32, #tpu.memory_space<vmem>> -> memref<128xi32, #tpu.memory_space<vmem>>
        %dma_wait3A_621 = arith.constant 0 : i32
        %dma_wait3A_622 = arith.constant 0 : i32
        %dma_wait3A_623 = tpu.memref_slice %arg11[%dma_wait3A_621, %dma_wait3A_622] : memref<51200x32xf32, #tpu.memory_space<vmem_shared>> -> memref<51200x32xf32, #tpu.memory_space<vmem_shared>>
        tpu.wait_indirect_dma semaphore(%run_scoped3A_585 : memref<!tpu.dma_semaphore, #tpu.memory_space<semaphore_mem>>) src(%dma_wait3A_613 : memref<128x32xf32, #tpu.memory_space<vmem>>) dst(%dma_wait3A_623 : memref<51200x32xf32, #tpu.memory_space<vmem_shared>>)
        tpu.yield
      }) : () -> ()
      %run_scoped3A_250 = arith.constant 0 : i32
      %run_scoped3A_251 = arith.constant 1 : i32
      %run_scoped3A_252 = arith.constant 1 : i32
      "tpu.region"() ({
        %run_scoped3A_585 = tpu.sem_alloc : memref<!tpu.dma_semaphore, #tpu.memory_space<semaphore_mem>>
        %dma_start3A_586 = arith.constant 0 : i32
        %dma_start3A_587 = arith.constant 0 : i32
        %dma_start3A_588 = arith.constant 0 : i32
        %dma_start3A_589 = tpu.memref_slice %arg9[%run_scoped3A_250, %dma_start3A_586, %dma_start3A_587, %dma_start3A_588] : memref<2x2x128x32xf32, #tpu.memory_space<vmem>> -> memref<1x2x128x32xf32, #tpu.memory_space<vmem>>
        %dma_start3A_590 = tpu.memref_squeeze %dma_start3A_589 : memref<1x2x128x32xf32, #tpu.memory_space<vmem>> -> memref<2x128x32xf32, #tpu.memory_space<vmem>>
        %dma_start3A_591 = arith.constant 0 : i32
        %dma_start3A_592 = arith.constant 0 : i32
        %dma_start3A_593 = tpu.memref_slice %dma_start3A_590[%run_scoped3A_251, %dma_start3A_591, %dma_start3A_592] : memref<2x128x32xf32, #tpu.memory_space<vmem>> -> memref<1x128x32xf32, #tpu.memory_space<vmem>>
        %dma_start3A_594 = tpu.memref_squeeze %dma_start3A_593 : memref<1x128x32xf32, #tpu.memory_space<vmem>> -> memref<128x32xf32, #tpu.memory_space<vmem>>
        %dma_start3A_595 = arith.constant 0 : i32
        %dma_start3A_596 = arith.constant 0 : i32
        %dma_start3A_597 = tpu.memref_slice %arg8[%and3A_119, %dma_start3A_595, %dma_start3A_596] : memref<2x8x128xi32, #tpu.memory_space<vmem>> -> memref<1x8x128xi32, #tpu.memory_space<vmem>>
        %dma_start3A_598 = tpu.memref_squeeze %dma_start3A_597 : memref<1x8x128xi32, #tpu.memory_space<vmem>> -> memref<8x128xi32, #tpu.memory_space<vmem>>
        %dma_start3A_599 = arith.constant 0 : i32
        %dma_start3A_600 = tpu.memref_slice %dma_start3A_598[%run_scoped3A_252, %dma_start3A_599] : memref<8x128xi32, #tpu.memory_space<vmem>> -> memref<1x128xi32, #tpu.memory_space<vmem>>
        %dma_start3A_601 = tpu.memref_squeeze %dma_start3A_600 : memref<1x128xi32, #tpu.memory_space<vmem>> -> memref<128xi32, #tpu.memory_space<vmem>>
        %dma_start3A_602 = arith.constant 0 : i32
        %dma_start3A_603 = arith.constant 0 : i32
        %dma_start3A_604 = tpu.memref_slice %arg11[%dma_start3A_602, %dma_start3A_603] : memref<51200x32xf32, #tpu.memory_space<vmem_shared>> -> memref<51200x32xf32, #tpu.memory_space<vmem_shared>>
        tpu.enqueue_indirect_dma source(%dma_start3A_594 : memref<128x32xf32, #tpu.memory_space<vmem>>) target(%dma_start3A_604 : memref<51200x32xf32, #tpu.memory_space<vmem_shared>>) offsets(%dma_start3A_601 : memref<128xi32, #tpu.memory_space<vmem>>) semaphore(%run_scoped3A_585 : memref<!tpu.dma_semaphore, #tpu.memory_space<semaphore_mem>>) {add = true}
        %dma_wait3A_605 = arith.constant 0 : i32
        %dma_wait3A_606 = arith.constant 0 : i32
        %dma_wait3A_607 = arith.constant 0 : i32
        %dma_wait3A_608 = tpu.memref_slice %arg9[%run_scoped3A_250, %dma_wait3A_605, %dma_wait3A_606, %dma_wait3A_607] : memref<2x2x128x32xf32, #tpu.memory_space<vmem>> -> memref<1x2x128x32xf32, #tpu.memory_space<vmem>>
        %dma_wait3A_609 = tpu.memref_squeeze %dma_wait3A_608 : memref<1x2x128x32xf32, #tpu.memory_space<vmem>> -> memref<2x128x32xf32, #tpu.memory_space<vmem>>
        %dma_wait3A_610 = arith.constant 0 : i32
        %dma_wait3A_611 = arith.constant 0 : i32
        %dma_wait3A_612 = tpu.memref_slice %dma_wait3A_609[%run_scoped3A_251, %dma_wait3A_610, %dma_wait3A_611] : memref<2x128x32xf32, #tpu.memory_space<vmem>> -> memref<1x128x32xf32, #tpu.memory_space<vmem>>
        %dma_wait3A_613 = tpu.memref_squeeze %dma_wait3A_612 : memref<1x128x32xf32, #tpu.memory_space<vmem>> -> memref<128x32xf32, #tpu.memory_space<vmem>>
        %dma_wait3A_614 = arith.constant 0 : i32
        %dma_wait3A_615 = arith.constant 0 : i32
        %dma_wait3A_616 = tpu.memref_slice %arg8[%and3A_119, %dma_wait3A_614, %dma_wait3A_615] : memref<2x8x128xi32, #tpu.memory_space<vmem>> -> memref<1x8x128xi32, #tpu.memory_space<vmem>>
        %dma_wait3A_617 = tpu.memref_squeeze %dma_wait3A_616 : memref<1x8x128xi32, #tpu.memory_space<vmem>> -> memref<8x128xi32, #tpu.memory_space<vmem>>
        %dma_wait3A_618 = arith.constant 0 : i32
        %dma_wait3A_619 = tpu.memref_slice %dma_wait3A_617[%run_scoped3A_252, %dma_wait3A_618] : memref<8x128xi32, #tpu.memory_space<vmem>> -> memref<1x128xi32, #tpu.memory_space<vmem>>
        %dma_wait3A_620 = tpu.memref_squeeze %dma_wait3A_619 : memref<1x128xi32, #tpu.memory_space<vmem>> -> memref<128xi32, #tpu.memory_space<vmem>>
        %dma_wait3A_621 = arith.constant 0 : i32
        %dma_wait3A_622 = arith.constant 0 : i32
        %dma_wait3A_623 = tpu.memref_slice %arg11[%dma_wait3A_621, %dma_wait3A_622] : memref<51200x32xf32, #tpu.memory_space<vmem_shared>> -> memref<51200x32xf32, #tpu.memory_space<vmem_shared>>
        tpu.wait_indirect_dma semaphore(%run_scoped3A_585 : memref<!tpu.dma_semaphore, #tpu.memory_space<semaphore_mem>>) src(%dma_wait3A_613 : memref<128x32xf32, #tpu.memory_space<vmem>>) dst(%dma_wait3A_623 : memref<51200x32xf32, #tpu.memory_space<vmem_shared>>)
        tpu.yield
      }) : () -> ()
      %dma_start3A_253 = arith.constant 4 : i32
      %dma_start3A_254 = arith.constant 0 : i32
      %dma_start3A_255 = arith.constant 0 : i32
      %dma_start3A_256 = arith.constant 0 : i32
      %dma_start3A_257 = arith.constant 0 : i32
      %dma_start3A_258 = arith.constant 0 : i32
      %dma_start3A_259 = tpu.memref_slice %arg9[%dma_start3A_254, %dma_start3A_256, %dma_start3A_257, %dma_start3A_258] : memref<2x2x128x32xf32, #tpu.memory_space<vmem>> -> memref<1x2x128x32xf32, #tpu.memory_space<vmem>>
      %dma_start3A_260 = tpu.memref_squeeze %dma_start3A_259 : memref<1x2x128x32xf32, #tpu.memory_space<vmem>> -> memref<2x128x32xf32, #tpu.memory_space<vmem>>
      %dma_start3A_261 = arith.constant 0 : i32
      %dma_start3A_262 = arith.constant 0 : i32
      %dma_start3A_263 = tpu.memref_slice %dma_start3A_260[%dma_start3A_255, %dma_start3A_261, %dma_start3A_262] : memref<2x128x32xf32, #tpu.memory_space<vmem>> -> memref<1x128x32xf32, #tpu.memory_space<vmem>>
      %dma_start3A_264 = tpu.memref_squeeze %dma_start3A_263 : memref<1x128x32xf32, #tpu.memory_space<vmem>> -> memref<128x32xf32, #tpu.memory_space<vmem>>
      %dma_start3A_265 = arith.constant 0 : i32
      %dma_start3A_266 = arith.constant 0 : i32
      %dma_start3A_267 = tpu.memref_slice %arg7[%and3A_119, %dma_start3A_265, %dma_start3A_266] : memref<2x8x128xi32, #tpu.memory_space<vmem>> -> memref<1x8x128xi32, #tpu.memory_space<vmem>>
      %dma_start3A_268 = tpu.memref_squeeze %dma_start3A_267 : memref<1x8x128xi32, #tpu.memory_space<vmem>> -> memref<8x128xi32, #tpu.memory_space<vmem>>
      %dma_start3A_269 = arith.constant 0 : i32
      %dma_start3A_270 = tpu.memref_slice %dma_start3A_268[%dma_start3A_253, %dma_start3A_269] : memref<8x128xi32, #tpu.memory_space<vmem>> -> memref<1x128xi32, #tpu.memory_space<vmem>>
      %dma_start3A_271 = tpu.memref_squeeze %dma_start3A_270 : memref<1x128xi32, #tpu.memory_space<vmem>> -> memref<128xi32, #tpu.memory_space<vmem>>
      %dma_start3A_272 = arith.constant 0 : i32
      %dma_start3A_273 = arith.constant 0 : i32
      %dma_start3A_274 = tpu.memref_slice %arg2[%dma_start3A_272, %dma_start3A_273] : memref<400000x32xf32, #tpu.memory_space<hbm>> -> memref<400000x32xf32, #tpu.memory_space<hbm>>
      tpu.enqueue_indirect_dma source(%dma_start3A_274 : memref<400000x32xf32, #tpu.memory_space<hbm>>) target(%dma_start3A_264 : memref<128x32xf32, #tpu.memory_space<vmem>>) offsets(%dma_start3A_271 : memref<128xi32, #tpu.memory_space<vmem>>) semaphore(%arg12 : memref<!tpu.dma_semaphore, #tpu.memory_space<semaphore_mem>>)
      %dma_start3A_275 = arith.constant 5 : i32
      %dma_start3A_276 = arith.constant 0 : i32
      %dma_start3A_277 = arith.constant 1 : i32
      %dma_start3A_278 = arith.constant 0 : i32
      %dma_start3A_279 = arith.constant 0 : i32
      %dma_start3A_280 = arith.constant 0 : i32
      %dma_start3A_281 = tpu.memref_slice %arg9[%dma_start3A_276, %dma_start3A_278, %dma_start3A_279, %dma_start3A_280] : memref<2x2x128x32xf32, #tpu.memory_space<vmem>> -> memref<1x2x128x32xf32, #tpu.memory_space<vmem>>
      %dma_start3A_282 = tpu.memref_squeeze %dma_start3A_281 : memref<1x2x128x32xf32, #tpu.memory_space<vmem>> -> memref<2x128x32xf32, #tpu.memory_space<vmem>>
      %dma_start3A_283 = arith.constant 0 : i32
      %dma_start3A_284 = arith.constant 0 : i32
      %dma_start3A_285 = tpu.memref_slice %dma_start3A_282[%dma_start3A_277, %dma_start3A_283, %dma_start3A_284] : memref<2x128x32xf32, #tpu.memory_space<vmem>> -> memref<1x128x32xf32, #tpu.memory_space<vmem>>
      %dma_start3A_286 = tpu.memref_squeeze %dma_start3A_285 : memref<1x128x32xf32, #tpu.memory_space<vmem>> -> memref<128x32xf32, #tpu.memory_space<vmem>>
      %dma_start3A_287 = arith.constant 0 : i32
      %dma_start3A_288 = arith.constant 0 : i32
      %dma_start3A_289 = tpu.memref_slice %arg7[%and3A_119, %dma_start3A_287, %dma_start3A_288] : memref<2x8x128xi32, #tpu.memory_space<vmem>> -> memref<1x8x128xi32, #tpu.memory_space<vmem>>
      %dma_start3A_290 = tpu.memref_squeeze %dma_start3A_289 : memref<1x8x128xi32, #tpu.memory_space<vmem>> -> memref<8x128xi32, #tpu.memory_space<vmem>>
      %dma_start3A_291 = arith.constant 0 : i32
      %dma_start3A_292 = tpu.memref_slice %dma_start3A_290[%dma_start3A_275, %dma_start3A_291] : memref<8x128xi32, #tpu.memory_space<vmem>> -> memref<1x128xi32, #tpu.memory_space<vmem>>
      %dma_start3A_293 = tpu.memref_squeeze %dma_start3A_292 : memref<1x128xi32, #tpu.memory_space<vmem>> -> memref<128xi32, #tpu.memory_space<vmem>>
      %dma_start3A_294 = arith.constant 0 : i32
      %dma_start3A_295 = arith.constant 0 : i32
      %dma_start3A_296 = tpu.memref_slice %arg2[%dma_start3A_294, %dma_start3A_295] : memref<400000x32xf32, #tpu.memory_space<hbm>> -> memref<400000x32xf32, #tpu.memory_space<hbm>>
      tpu.enqueue_indirect_dma source(%dma_start3A_296 : memref<400000x32xf32, #tpu.memory_space<hbm>>) target(%dma_start3A_286 : memref<128x32xf32, #tpu.memory_space<vmem>>) offsets(%dma_start3A_293 : memref<128xi32, #tpu.memory_space<vmem>>) semaphore(%arg12 : memref<!tpu.dma_semaphore, #tpu.memory_space<semaphore_mem>>)
      %dma_wait3A_297 = arith.constant 0 : i32
      %dma_wait3A_298 = arith.constant 0 : i32
      %dma_wait3A_299 = arith.constant 0 : i32
      %dma_wait3A_300 = arith.constant 0 : i32
      %dma_wait3A_301 = arith.constant 0 : i32
      %dma_wait3A_302 = tpu.memref_slice %arg9[%dma_wait3A_297, %dma_wait3A_299, %dma_wait3A_300, %dma_wait3A_301] : memref<2x2x128x32xf32, #tpu.memory_space<vmem>> -> memref<1x2x128x32xf32, #tpu.memory_space<vmem>>
      %dma_wait3A_303 = tpu.memref_squeeze %dma_wait3A_302 : memref<1x2x128x32xf32, #tpu.memory_space<vmem>> -> memref<2x128x32xf32, #tpu.memory_space<vmem>>
      %dma_wait3A_304 = arith.constant 0 : i32
      %dma_wait3A_305 = arith.constant 0 : i32
      %dma_wait3A_306 = tpu.memref_slice %dma_wait3A_303[%dma_wait3A_298, %dma_wait3A_304, %dma_wait3A_305] : memref<2x128x32xf32, #tpu.memory_space<vmem>> -> memref<1x128x32xf32, #tpu.memory_space<vmem>>
      %dma_wait3A_307 = tpu.memref_squeeze %dma_wait3A_306 : memref<1x128x32xf32, #tpu.memory_space<vmem>> -> memref<128x32xf32, #tpu.memory_space<vmem>>
      %dma_wait3A_308 = arith.constant 0 : i32
      %dma_wait3A_309 = arith.constant 0 : i32
      %dma_wait3A_310 = tpu.memref_slice %arg2[%dma_wait3A_308, %dma_wait3A_309] : memref<400000x32xf32, #tpu.memory_space<hbm>> -> memref<128x32xf32, #tpu.memory_space<hbm>>
      %dma_wait3A_311 = arith.constant 0 : i32
      %dma_wait3A_312 = arith.constant 0 : i32
      %dma_wait3A_313 = arith.constant 0 : i32
      %dma_wait3A_314 = tpu.memref_slice %arg9[%dma_wait3A_297, %dma_wait3A_311, %dma_wait3A_312, %dma_wait3A_313] : memref<2x2x128x32xf32, #tpu.memory_space<vmem>> -> memref<1x2x128x32xf32, #tpu.memory_space<vmem>>
      %dma_wait3A_315 = tpu.memref_squeeze %dma_wait3A_314 : memref<1x2x128x32xf32, #tpu.memory_space<vmem>> -> memref<2x128x32xf32, #tpu.memory_space<vmem>>
      %dma_wait3A_316 = arith.constant 0 : i32
      %dma_wait3A_317 = arith.constant 0 : i32
      %dma_wait3A_318 = tpu.memref_slice %dma_wait3A_315[%dma_wait3A_298, %dma_wait3A_316, %dma_wait3A_317] : memref<2x128x32xf32, #tpu.memory_space<vmem>> -> memref<1x128x32xf32, #tpu.memory_space<vmem>>
      %dma_wait3A_319 = tpu.memref_squeeze %dma_wait3A_318 : memref<1x128x32xf32, #tpu.memory_space<vmem>> -> memref<128x32xf32, #tpu.memory_space<vmem>>
      %dma_wait3A_320 = arith.constant 0 : i32
      %dma_wait3A_321 = arith.constant 0 : i32
      %dma_wait3A_322 = tpu.memref_slice %arg2[%dma_wait3A_320, %dma_wait3A_321] : memref<400000x32xf32, #tpu.memory_space<hbm>> -> memref<128x32xf32, #tpu.memory_space<hbm>>
      tpu.wait_dma2 semaphore(%arg12 : memref<!tpu.dma_semaphore, #tpu.memory_space<semaphore_mem>>) src(%dma_wait3A_322 : memref<128x32xf32, #tpu.memory_space<hbm>>) dst(%dma_wait3A_319 : memref<128x32xf32, #tpu.memory_space<vmem>>)
      %dma_wait3A_323 = arith.constant 0 : i32
      %dma_wait3A_324 = arith.constant 1 : i32
      %dma_wait3A_325 = arith.constant 0 : i32
      %dma_wait3A_326 = arith.constant 0 : i32
      %dma_wait3A_327 = arith.constant 0 : i32
      %dma_wait3A_328 = tpu.memref_slice %arg9[%dma_wait3A_323, %dma_wait3A_325, %dma_wait3A_326, %dma_wait3A_327] : memref<2x2x128x32xf32, #tpu.memory_space<vmem>> -> memref<1x2x128x32xf32, #tpu.memory_space<vmem>>
      %dma_wait3A_329 = tpu.memref_squeeze %dma_wait3A_328 : memref<1x2x128x32xf32, #tpu.memory_space<vmem>> -> memref<2x128x32xf32, #tpu.memory_space<vmem>>
      %dma_wait3A_330 = arith.constant 0 : i32
      %dma_wait3A_331 = arith.constant 0 : i32
      %dma_wait3A_332 = tpu.memref_slice %dma_wait3A_329[%dma_wait3A_324, %dma_wait3A_330, %dma_wait3A_331] : memref<2x128x32xf32, #tpu.memory_space<vmem>> -> memref<1x128x32xf32, #tpu.memory_space<vmem>>
      %dma_wait3A_333 = tpu.memref_squeeze %dma_wait3A_332 : memref<1x128x32xf32, #tpu.memory_space<vmem>> -> memref<128x32xf32, #tpu.memory_space<vmem>>
      %dma_wait3A_334 = arith.constant 0 : i32
      %dma_wait3A_335 = arith.constant 0 : i32
      %dma_wait3A_336 = tpu.memref_slice %arg2[%dma_wait3A_334, %dma_wait3A_335] : memref<400000x32xf32, #tpu.memory_space<hbm>> -> memref<128x32xf32, #tpu.memory_space<hbm>>
      %dma_wait3A_337 = arith.constant 0 : i32
      %dma_wait3A_338 = arith.constant 0 : i32
      %dma_wait3A_339 = arith.constant 0 : i32
      %dma_wait3A_340 = tpu.memref_slice %arg9[%dma_wait3A_323, %dma_wait3A_337, %dma_wait3A_338, %dma_wait3A_339] : memref<2x2x128x32xf32, #tpu.memory_space<vmem>> -> memref<1x2x128x32xf32, #tpu.memory_space<vmem>>
      %dma_wait3A_341 = tpu.memref_squeeze %dma_wait3A_340 : memref<1x2x128x32xf32, #tpu.memory_space<vmem>> -> memref<2x128x32xf32, #tpu.memory_space<vmem>>
      %dma_wait3A_342 = arith.constant 0 : i32
      %dma_wait3A_343 = arith.constant 0 : i32
      %dma_wait3A_344 = tpu.memref_slice %dma_wait3A_341[%dma_wait3A_324, %dma_wait3A_342, %dma_wait3A_343] : memref<2x128x32xf32, #tpu.memory_space<vmem>> -> memref<1x128x32xf32, #tpu.memory_space<vmem>>
      %dma_wait3A_345 = tpu.memref_squeeze %dma_wait3A_344 : memref<1x128x32xf32, #tpu.memory_space<vmem>> -> memref<128x32xf32, #tpu.memory_space<vmem>>
      %dma_wait3A_346 = arith.constant 0 : i32
      %dma_wait3A_347 = arith.constant 0 : i32
      %dma_wait3A_348 = tpu.memref_slice %arg2[%dma_wait3A_346, %dma_wait3A_347] : memref<400000x32xf32, #tpu.memory_space<hbm>> -> memref<128x32xf32, #tpu.memory_space<hbm>>
      tpu.wait_dma2 semaphore(%arg12 : memref<!tpu.dma_semaphore, #tpu.memory_space<semaphore_mem>>) src(%dma_wait3A_348 : memref<128x32xf32, #tpu.memory_space<hbm>>) dst(%dma_wait3A_345 : memref<128x32xf32, #tpu.memory_space<vmem>>)
      %run_scoped3A_349 = arith.constant 1 : i32
      %run_scoped3A_350 = arith.constant 0 : i32
      %run_scoped3A_351 = arith.constant 2 : i32
      "tpu.region"() ({
        %run_scoped3A_585 = tpu.sem_alloc : memref<!tpu.dma_semaphore, #tpu.memory_space<semaphore_mem>>
        %dma_start3A_586 = arith.constant 0 : i32
        %dma_start3A_587 = arith.constant 0 : i32
        %dma_start3A_588 = arith.constant 0 : i32
        %dma_start3A_589 = tpu.memref_slice %arg9[%run_scoped3A_349, %dma_start3A_586, %dma_start3A_587, %dma_start3A_588] : memref<2x2x128x32xf32, #tpu.memory_space<vmem>> -> memref<1x2x128x32xf32, #tpu.memory_space<vmem>>
        %dma_start3A_590 = tpu.memref_squeeze %dma_start3A_589 : memref<1x2x128x32xf32, #tpu.memory_space<vmem>> -> memref<2x128x32xf32, #tpu.memory_space<vmem>>
        %dma_start3A_591 = arith.constant 0 : i32
        %dma_start3A_592 = arith.constant 0 : i32
        %dma_start3A_593 = tpu.memref_slice %dma_start3A_590[%run_scoped3A_350, %dma_start3A_591, %dma_start3A_592] : memref<2x128x32xf32, #tpu.memory_space<vmem>> -> memref<1x128x32xf32, #tpu.memory_space<vmem>>
        %dma_start3A_594 = tpu.memref_squeeze %dma_start3A_593 : memref<1x128x32xf32, #tpu.memory_space<vmem>> -> memref<128x32xf32, #tpu.memory_space<vmem>>
        %dma_start3A_595 = arith.constant 0 : i32
        %dma_start3A_596 = arith.constant 0 : i32
        %dma_start3A_597 = tpu.memref_slice %arg8[%and3A_119, %dma_start3A_595, %dma_start3A_596] : memref<2x8x128xi32, #tpu.memory_space<vmem>> -> memref<1x8x128xi32, #tpu.memory_space<vmem>>
        %dma_start3A_598 = tpu.memref_squeeze %dma_start3A_597 : memref<1x8x128xi32, #tpu.memory_space<vmem>> -> memref<8x128xi32, #tpu.memory_space<vmem>>
        %dma_start3A_599 = arith.constant 0 : i32
        %dma_start3A_600 = tpu.memref_slice %dma_start3A_598[%run_scoped3A_351, %dma_start3A_599] : memref<8x128xi32, #tpu.memory_space<vmem>> -> memref<1x128xi32, #tpu.memory_space<vmem>>
        %dma_start3A_601 = tpu.memref_squeeze %dma_start3A_600 : memref<1x128xi32, #tpu.memory_space<vmem>> -> memref<128xi32, #tpu.memory_space<vmem>>
        %dma_start3A_602 = arith.constant 0 : i32
        %dma_start3A_603 = arith.constant 0 : i32
        %dma_start3A_604 = tpu.memref_slice %arg11[%dma_start3A_602, %dma_start3A_603] : memref<51200x32xf32, #tpu.memory_space<vmem_shared>> -> memref<51200x32xf32, #tpu.memory_space<vmem_shared>>
        tpu.enqueue_indirect_dma source(%dma_start3A_594 : memref<128x32xf32, #tpu.memory_space<vmem>>) target(%dma_start3A_604 : memref<51200x32xf32, #tpu.memory_space<vmem_shared>>) offsets(%dma_start3A_601 : memref<128xi32, #tpu.memory_space<vmem>>) semaphore(%run_scoped3A_585 : memref<!tpu.dma_semaphore, #tpu.memory_space<semaphore_mem>>) {add = true}
        %dma_wait3A_605 = arith.constant 0 : i32
        %dma_wait3A_606 = arith.constant 0 : i32
        %dma_wait3A_607 = arith.constant 0 : i32
        %dma_wait3A_608 = tpu.memref_slice %arg9[%run_scoped3A_349, %dma_wait3A_605, %dma_wait3A_606, %dma_wait3A_607] : memref<2x2x128x32xf32, #tpu.memory_space<vmem>> -> memref<1x2x128x32xf32, #tpu.memory_space<vmem>>
        %dma_wait3A_609 = tpu.memref_squeeze %dma_wait3A_608 : memref<1x2x128x32xf32, #tpu.memory_space<vmem>> -> memref<2x128x32xf32, #tpu.memory_space<vmem>>
        %dma_wait3A_610 = arith.constant 0 : i32
        %dma_wait3A_611 = arith.constant 0 : i32
        %dma_wait3A_612 = tpu.memref_slice %dma_wait3A_609[%run_scoped3A_350, %dma_wait3A_610, %dma_wait3A_611] : memref<2x128x32xf32, #tpu.memory_space<vmem>> -> memref<1x128x32xf32, #tpu.memory_space<vmem>>
        %dma_wait3A_613 = tpu.memref_squeeze %dma_wait3A_612 : memref<1x128x32xf32, #tpu.memory_space<vmem>> -> memref<128x32xf32, #tpu.memory_space<vmem>>
        %dma_wait3A_614 = arith.constant 0 : i32
        %dma_wait3A_615 = arith.constant 0 : i32
        %dma_wait3A_616 = tpu.memref_slice %arg8[%and3A_119, %dma_wait3A_614, %dma_wait3A_615] : memref<2x8x128xi32, #tpu.memory_space<vmem>> -> memref<1x8x128xi32, #tpu.memory_space<vmem>>
        %dma_wait3A_617 = tpu.memref_squeeze %dma_wait3A_616 : memref<1x8x128xi32, #tpu.memory_space<vmem>> -> memref<8x128xi32, #tpu.memory_space<vmem>>
        %dma_wait3A_618 = arith.constant 0 : i32
        %dma_wait3A_619 = tpu.memref_slice %dma_wait3A_617[%run_scoped3A_351, %dma_wait3A_618] : memref<8x128xi32, #tpu.memory_space<vmem>> -> memref<1x128xi32, #tpu.memory_space<vmem>>
        %dma_wait3A_620 = tpu.memref_squeeze %dma_wait3A_619 : memref<1x128xi32, #tpu.memory_space<vmem>> -> memref<128xi32, #tpu.memory_space<vmem>>
        %dma_wait3A_621 = arith.constant 0 : i32
        %dma_wait3A_622 = arith.constant 0 : i32
        %dma_wait3A_623 = tpu.memref_slice %arg11[%dma_wait3A_621, %dma_wait3A_622] : memref<51200x32xf32, #tpu.memory_space<vmem_shared>> -> memref<51200x32xf32, #tpu.memory_space<vmem_shared>>
        tpu.wait_indirect_dma semaphore(%run_scoped3A_585 : memref<!tpu.dma_semaphore, #tpu.memory_space<semaphore_mem>>) src(%dma_wait3A_613 : memref<128x32xf32, #tpu.memory_space<vmem>>) dst(%dma_wait3A_623 : memref<51200x32xf32, #tpu.memory_space<vmem_shared>>)
        tpu.yield
      }) : () -> ()
      %run_scoped3A_352 = arith.constant 1 : i32
      %run_scoped3A_353 = arith.constant 1 : i32
      %run_scoped3A_354 = arith.constant 3 : i32
      "tpu.region"() ({
        %run_scoped3A_585 = tpu.sem_alloc : memref<!tpu.dma_semaphore, #tpu.memory_space<semaphore_mem>>
        %dma_start3A_586 = arith.constant 0 : i32
        %dma_start3A_587 = arith.constant 0 : i32
        %dma_start3A_588 = arith.constant 0 : i32
        %dma_start3A_589 = tpu.memref_slice %arg9[%run_scoped3A_352, %dma_start3A_586, %dma_start3A_587, %dma_start3A_588] : memref<2x2x128x32xf32, #tpu.memory_space<vmem>> -> memref<1x2x128x32xf32, #tpu.memory_space<vmem>>
        %dma_start3A_590 = tpu.memref_squeeze %dma_start3A_589 : memref<1x2x128x32xf32, #tpu.memory_space<vmem>> -> memref<2x128x32xf32, #tpu.memory_space<vmem>>
        %dma_start3A_591 = arith.constant 0 : i32
        %dma_start3A_592 = arith.constant 0 : i32
        %dma_start3A_593 = tpu.memref_slice %dma_start3A_590[%run_scoped3A_353, %dma_start3A_591, %dma_start3A_592] : memref<2x128x32xf32, #tpu.memory_space<vmem>> -> memref<1x128x32xf32, #tpu.memory_space<vmem>>
        %dma_start3A_594 = tpu.memref_squeeze %dma_start3A_593 : memref<1x128x32xf32, #tpu.memory_space<vmem>> -> memref<128x32xf32, #tpu.memory_space<vmem>>
        %dma_start3A_595 = arith.constant 0 : i32
        %dma_start3A_596 = arith.constant 0 : i32
        %dma_start3A_597 = tpu.memref_slice %arg8[%and3A_119, %dma_start3A_595, %dma_start3A_596] : memref<2x8x128xi32, #tpu.memory_space<vmem>> -> memref<1x8x128xi32, #tpu.memory_space<vmem>>
        %dma_start3A_598 = tpu.memref_squeeze %dma_start3A_597 : memref<1x8x128xi32, #tpu.memory_space<vmem>> -> memref<8x128xi32, #tpu.memory_space<vmem>>
        %dma_start3A_599 = arith.constant 0 : i32
        %dma_start3A_600 = tpu.memref_slice %dma_start3A_598[%run_scoped3A_354, %dma_start3A_599] : memref<8x128xi32, #tpu.memory_space<vmem>> -> memref<1x128xi32, #tpu.memory_space<vmem>>
        %dma_start3A_601 = tpu.memref_squeeze %dma_start3A_600 : memref<1x128xi32, #tpu.memory_space<vmem>> -> memref<128xi32, #tpu.memory_space<vmem>>
        %dma_start3A_602 = arith.constant 0 : i32
        %dma_start3A_603 = arith.constant 0 : i32
        %dma_start3A_604 = tpu.memref_slice %arg11[%dma_start3A_602, %dma_start3A_603] : memref<51200x32xf32, #tpu.memory_space<vmem_shared>> -> memref<51200x32xf32, #tpu.memory_space<vmem_shared>>
        tpu.enqueue_indirect_dma source(%dma_start3A_594 : memref<128x32xf32, #tpu.memory_space<vmem>>) target(%dma_start3A_604 : memref<51200x32xf32, #tpu.memory_space<vmem_shared>>) offsets(%dma_start3A_601 : memref<128xi32, #tpu.memory_space<vmem>>) semaphore(%run_scoped3A_585 : memref<!tpu.dma_semaphore, #tpu.memory_space<semaphore_mem>>) {add = true}
        %dma_wait3A_605 = arith.constant 0 : i32
        %dma_wait3A_606 = arith.constant 0 : i32
        %dma_wait3A_607 = arith.constant 0 : i32
        %dma_wait3A_608 = tpu.memref_slice %arg9[%run_scoped3A_352, %dma_wait3A_605, %dma_wait3A_606, %dma_wait3A_607] : memref<2x2x128x32xf32, #tpu.memory_space<vmem>> -> memref<1x2x128x32xf32, #tpu.memory_space<vmem>>
        %dma_wait3A_609 = tpu.memref_squeeze %dma_wait3A_608 : memref<1x2x128x32xf32, #tpu.memory_space<vmem>> -> memref<2x128x32xf32, #tpu.memory_space<vmem>>
        %dma_wait3A_610 = arith.constant 0 : i32
        %dma_wait3A_611 = arith.constant 0 : i32
        %dma_wait3A_612 = tpu.memref_slice %dma_wait3A_609[%run_scoped3A_353, %dma_wait3A_610, %dma_wait3A_611] : memref<2x128x32xf32, #tpu.memory_space<vmem>> -> memref<1x128x32xf32, #tpu.memory_space<vmem>>
        %dma_wait3A_613 = tpu.memref_squeeze %dma_wait3A_612 : memref<1x128x32xf32, #tpu.memory_space<vmem>> -> memref<128x32xf32, #tpu.memory_space<vmem>>
        %dma_wait3A_614 = arith.constant 0 : i32
        %dma_wait3A_615 = arith.constant 0 : i32
        %dma_wait3A_616 = tpu.memref_slice %arg8[%and3A_119, %dma_wait3A_614, %dma_wait3A_615] : memref<2x8x128xi32, #tpu.memory_space<vmem>> -> memref<1x8x128xi32, #tpu.memory_space<vmem>>
        %dma_wait3A_617 = tpu.memref_squeeze %dma_wait3A_616 : memref<1x8x128xi32, #tpu.memory_space<vmem>> -> memref<8x128xi32, #tpu.memory_space<vmem>>
        %dma_wait3A_618 = arith.constant 0 : i32
        %dma_wait3A_619 = tpu.memref_slice %dma_wait3A_617[%run_scoped3A_354, %dma_wait3A_618] : memref<8x128xi32, #tpu.memory_space<vmem>> -> memref<1x128xi32, #tpu.memory_space<vmem>>
        %dma_wait3A_620 = tpu.memref_squeeze %dma_wait3A_619 : memref<1x128xi32, #tpu.memory_space<vmem>> -> memref<128xi32, #tpu.memory_space<vmem>>
        %dma_wait3A_621 = arith.constant 0 : i32
        %dma_wait3A_622 = arith.constant 0 : i32
        %dma_wait3A_623 = tpu.memref_slice %arg11[%dma_wait3A_621, %dma_wait3A_622] : memref<51200x32xf32, #tpu.memory_space<vmem_shared>> -> memref<51200x32xf32, #tpu.memory_space<vmem_shared>>
        tpu.wait_indirect_dma semaphore(%run_scoped3A_585 : memref<!tpu.dma_semaphore, #tpu.memory_space<semaphore_mem>>) src(%dma_wait3A_613 : memref<128x32xf32, #tpu.memory_space<vmem>>) dst(%dma_wait3A_623 : memref<51200x32xf32, #tpu.memory_space<vmem_shared>>)
        tpu.yield
      }) : () -> ()
      %dma_start3A_355 = arith.constant 6 : i32
      %dma_start3A_356 = arith.constant 1 : i32
      %dma_start3A_357 = arith.constant 0 : i32
      %dma_start3A_358 = arith.constant 0 : i32
      %dma_start3A_359 = arith.constant 0 : i32
      %dma_start3A_360 = arith.constant 0 : i32
      %dma_start3A_361 = tpu.memref_slice %arg9[%dma_start3A_356, %dma_start3A_358, %dma_start3A_359, %dma_start3A_360] : memref<2x2x128x32xf32, #tpu.memory_space<vmem>> -> memref<1x2x128x32xf32, #tpu.memory_space<vmem>>
      %dma_start3A_362 = tpu.memref_squeeze %dma_start3A_361 : memref<1x2x128x32xf32, #tpu.memory_space<vmem>> -> memref<2x128x32xf32, #tpu.memory_space<vmem>>
      %dma_start3A_363 = arith.constant 0 : i32
      %dma_start3A_364 = arith.constant 0 : i32
      %dma_start3A_365 = tpu.memref_slice %dma_start3A_362[%dma_start3A_357, %dma_start3A_363, %dma_start3A_364] : memref<2x128x32xf32, #tpu.memory_space<vmem>> -> memref<1x128x32xf32, #tpu.memory_space<vmem>>
      %dma_start3A_366 = tpu.memref_squeeze %dma_start3A_365 : memref<1x128x32xf32, #tpu.memory_space<vmem>> -> memref<128x32xf32, #tpu.memory_space<vmem>>
      %dma_start3A_367 = arith.constant 0 : i32
      %dma_start3A_368 = arith.constant 0 : i32
      %dma_start3A_369 = tpu.memref_slice %arg7[%and3A_119, %dma_start3A_367, %dma_start3A_368] : memref<2x8x128xi32, #tpu.memory_space<vmem>> -> memref<1x8x128xi32, #tpu.memory_space<vmem>>
      %dma_start3A_370 = tpu.memref_squeeze %dma_start3A_369 : memref<1x8x128xi32, #tpu.memory_space<vmem>> -> memref<8x128xi32, #tpu.memory_space<vmem>>
      %dma_start3A_371 = arith.constant 0 : i32
      %dma_start3A_372 = tpu.memref_slice %dma_start3A_370[%dma_start3A_355, %dma_start3A_371] : memref<8x128xi32, #tpu.memory_space<vmem>> -> memref<1x128xi32, #tpu.memory_space<vmem>>
      %dma_start3A_373 = tpu.memref_squeeze %dma_start3A_372 : memref<1x128xi32, #tpu.memory_space<vmem>> -> memref<128xi32, #tpu.memory_space<vmem>>
      %dma_start3A_374 = arith.constant 0 : i32
      %dma_start3A_375 = arith.constant 0 : i32
      %dma_start3A_376 = tpu.memref_slice %arg2[%dma_start3A_374, %dma_start3A_375] : memref<400000x32xf32, #tpu.memory_space<hbm>> -> memref<400000x32xf32, #tpu.memory_space<hbm>>
      tpu.enqueue_indirect_dma source(%dma_start3A_376 : memref<400000x32xf32, #tpu.memory_space<hbm>>) target(%dma_start3A_366 : memref<128x32xf32, #tpu.memory_space<vmem>>) offsets(%dma_start3A_373 : memref<128xi32, #tpu.memory_space<vmem>>) semaphore(%arg12 : memref<!tpu.dma_semaphore, #tpu.memory_space<semaphore_mem>>)
      %dma_start3A_377 = arith.constant 7 : i32
      %dma_start3A_378 = arith.constant 1 : i32
      %dma_start3A_379 = arith.constant 1 : i32
      %dma_start3A_380 = arith.constant 0 : i32
      %dma_start3A_381 = arith.constant 0 : i32
      %dma_start3A_382 = arith.constant 0 : i32
      %dma_start3A_383 = tpu.memref_slice %arg9[%dma_start3A_378, %dma_start3A_380, %dma_start3A_381, %dma_start3A_382] : memref<2x2x128x32xf32, #tpu.memory_space<vmem>> -> memref<1x2x128x32xf32, #tpu.memory_space<vmem>>
      %dma_start3A_384 = tpu.memref_squeeze %dma_start3A_383 : memref<1x2x128x32xf32, #tpu.memory_space<vmem>> -> memref<2x128x32xf32, #tpu.memory_space<vmem>>
      %dma_start3A_385 = arith.constant 0 : i32
      %dma_start3A_386 = arith.constant 0 : i32
      %dma_start3A_387 = tpu.memref_slice %dma_start3A_384[%dma_start3A_379, %dma_start3A_385, %dma_start3A_386] : memref<2x128x32xf32, #tpu.memory_space<vmem>> -> memref<1x128x32xf32, #tpu.memory_space<vmem>>
      %dma_start3A_388 = tpu.memref_squeeze %dma_start3A_387 : memref<1x128x32xf32, #tpu.memory_space<vmem>> -> memref<128x32xf32, #tpu.memory_space<vmem>>
      %dma_start3A_389 = arith.constant 0 : i32
      %dma_start3A_390 = arith.constant 0 : i32
      %dma_start3A_391 = tpu.memref_slice %arg7[%and3A_119, %dma_start3A_389, %dma_start3A_390] : memref<2x8x128xi32, #tpu.memory_space<vmem>> -> memref<1x8x128xi32, #tpu.memory_space<vmem>>
      %dma_start3A_392 = tpu.memref_squeeze %dma_start3A_391 : memref<1x8x128xi32, #tpu.memory_space<vmem>> -> memref<8x128xi32, #tpu.memory_space<vmem>>
      %dma_start3A_393 = arith.constant 0 : i32
      %dma_start3A_394 = tpu.memref_slice %dma_start3A_392[%dma_start3A_377, %dma_start3A_393] : memref<8x128xi32, #tpu.memory_space<vmem>> -> memref<1x128xi32, #tpu.memory_space<vmem>>
      %dma_start3A_395 = tpu.memref_squeeze %dma_start3A_394 : memref<1x128xi32, #tpu.memory_space<vmem>> -> memref<128xi32, #tpu.memory_space<vmem>>
      %dma_start3A_396 = arith.constant 0 : i32
      %dma_start3A_397 = arith.constant 0 : i32
      %dma_start3A_398 = tpu.memref_slice %arg2[%dma_start3A_396, %dma_start3A_397] : memref<400000x32xf32, #tpu.memory_space<hbm>> -> memref<400000x32xf32, #tpu.memory_space<hbm>>
      tpu.enqueue_indirect_dma source(%dma_start3A_398 : memref<400000x32xf32, #tpu.memory_space<hbm>>) target(%dma_start3A_388 : memref<128x32xf32, #tpu.memory_space<vmem>>) offsets(%dma_start3A_395 : memref<128xi32, #tpu.memory_space<vmem>>) semaphore(%arg12 : memref<!tpu.dma_semaphore, #tpu.memory_space<semaphore_mem>>)
      %dma_wait3A_399 = arith.constant 0 : i32
      %dma_wait3A_400 = arith.constant 0 : i32
      %dma_wait3A_401 = arith.constant 0 : i32
      %dma_wait3A_402 = arith.constant 0 : i32
      %dma_wait3A_403 = arith.constant 0 : i32
      %dma_wait3A_404 = tpu.memref_slice %arg9[%dma_wait3A_399, %dma_wait3A_401, %dma_wait3A_402, %dma_wait3A_403] : memref<2x2x128x32xf32, #tpu.memory_space<vmem>> -> memref<1x2x128x32xf32, #tpu.memory_space<vmem>>
      %dma_wait3A_405 = tpu.memref_squeeze %dma_wait3A_404 : memref<1x2x128x32xf32, #tpu.memory_space<vmem>> -> memref<2x128x32xf32, #tpu.memory_space<vmem>>
      %dma_wait3A_406 = arith.constant 0 : i32
      %dma_wait3A_407 = arith.constant 0 : i32
      %dma_wait3A_408 = tpu.memref_slice %dma_wait3A_405[%dma_wait3A_400, %dma_wait3A_406, %dma_wait3A_407] : memref<2x128x32xf32, #tpu.memory_space<vmem>> -> memref<1x128x32xf32, #tpu.memory_space<vmem>>
      %dma_wait3A_409 = tpu.memref_squeeze %dma_wait3A_408 : memref<1x128x32xf32, #tpu.memory_space<vmem>> -> memref<128x32xf32, #tpu.memory_space<vmem>>
      %dma_wait3A_410 = arith.constant 0 : i32
      %dma_wait3A_411 = arith.constant 0 : i32
      %dma_wait3A_412 = tpu.memref_slice %arg2[%dma_wait3A_410, %dma_wait3A_411] : memref<400000x32xf32, #tpu.memory_space<hbm>> -> memref<128x32xf32, #tpu.memory_space<hbm>>
      %dma_wait3A_413 = arith.constant 0 : i32
      %dma_wait3A_414 = arith.constant 0 : i32
      %dma_wait3A_415 = arith.constant 0 : i32
      %dma_wait3A_416 = tpu.memref_slice %arg9[%dma_wait3A_399, %dma_wait3A_413, %dma_wait3A_414, %dma_wait3A_415] : memref<2x2x128x32xf32, #tpu.memory_space<vmem>> -> memref<1x2x128x32xf32, #tpu.memory_space<vmem>>
      %dma_wait3A_417 = tpu.memref_squeeze %dma_wait3A_416 : memref<1x2x128x32xf32, #tpu.memory_space<vmem>> -> memref<2x128x32xf32, #tpu.memory_space<vmem>>
      %dma_wait3A_418 = arith.constant 0 : i32
      %dma_wait3A_419 = arith.constant 0 : i32
      %dma_wait3A_420 = tpu.memref_slice %dma_wait3A_417[%dma_wait3A_400, %dma_wait3A_418, %dma_wait3A_419] : memref<2x128x32xf32, #tpu.memory_space<vmem>> -> memref<1x128x32xf32, #tpu.memory_space<vmem>>
      %dma_wait3A_421 = tpu.memref_squeeze %dma_wait3A_420 : memref<1x128x32xf32, #tpu.memory_space<vmem>> -> memref<128x32xf32, #tpu.memory_space<vmem>>
      %dma_wait3A_422 = arith.constant 0 : i32
      %dma_wait3A_423 = arith.constant 0 : i32
      %dma_wait3A_424 = tpu.memref_slice %arg2[%dma_wait3A_422, %dma_wait3A_423] : memref<400000x32xf32, #tpu.memory_space<hbm>> -> memref<128x32xf32, #tpu.memory_space<hbm>>
      tpu.wait_dma2 semaphore(%arg12 : memref<!tpu.dma_semaphore, #tpu.memory_space<semaphore_mem>>) src(%dma_wait3A_424 : memref<128x32xf32, #tpu.memory_space<hbm>>) dst(%dma_wait3A_421 : memref<128x32xf32, #tpu.memory_space<vmem>>)
      %dma_wait3A_425 = arith.constant 0 : i32
      %dma_wait3A_426 = arith.constant 1 : i32
      %dma_wait3A_427 = arith.constant 0 : i32
      %dma_wait3A_428 = arith.constant 0 : i32
      %dma_wait3A_429 = arith.constant 0 : i32
      %dma_wait3A_430 = tpu.memref_slice %arg9[%dma_wait3A_425, %dma_wait3A_427, %dma_wait3A_428, %dma_wait3A_429] : memref<2x2x128x32xf32, #tpu.memory_space<vmem>> -> memref<1x2x128x32xf32, #tpu.memory_space<vmem>>
      %dma_wait3A_431 = tpu.memref_squeeze %dma_wait3A_430 : memref<1x2x128x32xf32, #tpu.memory_space<vmem>> -> memref<2x128x32xf32, #tpu.memory_space<vmem>>
      %dma_wait3A_432 = arith.constant 0 : i32
      %dma_wait3A_433 = arith.constant 0 : i32
      %dma_wait3A_434 = tpu.memref_slice %dma_wait3A_431[%dma_wait3A_426, %dma_wait3A_432, %dma_wait3A_433] : memref<2x128x32xf32, #tpu.memory_space<vmem>> -> memref<1x128x32xf32, #tpu.memory_space<vmem>>
      %dma_wait3A_435 = tpu.memref_squeeze %dma_wait3A_434 : memref<1x128x32xf32, #tpu.memory_space<vmem>> -> memref<128x32xf32, #tpu.memory_space<vmem>>
      %dma_wait3A_436 = arith.constant 0 : i32
      %dma_wait3A_437 = arith.constant 0 : i32
      %dma_wait3A_438 = tpu.memref_slice %arg2[%dma_wait3A_436, %dma_wait3A_437] : memref<400000x32xf32, #tpu.memory_space<hbm>> -> memref<128x32xf32, #tpu.memory_space<hbm>>
      %dma_wait3A_439 = arith.constant 0 : i32
      %dma_wait3A_440 = arith.constant 0 : i32
      %dma_wait3A_441 = arith.constant 0 : i32
      %dma_wait3A_442 = tpu.memref_slice %arg9[%dma_wait3A_425, %dma_wait3A_439, %dma_wait3A_440, %dma_wait3A_441] : memref<2x2x128x32xf32, #tpu.memory_space<vmem>> -> memref<1x2x128x32xf32, #tpu.memory_space<vmem>>
      %dma_wait3A_443 = tpu.memref_squeeze %dma_wait3A_442 : memref<1x2x128x32xf32, #tpu.memory_space<vmem>> -> memref<2x128x32xf32, #tpu.memory_space<vmem>>
      %dma_wait3A_444 = arith.constant 0 : i32
      %dma_wait3A_445 = arith.constant 0 : i32
      %dma_wait3A_446 = tpu.memref_slice %dma_wait3A_443[%dma_wait3A_426, %dma_wait3A_444, %dma_wait3A_445] : memref<2x128x32xf32, #tpu.memory_space<vmem>> -> memref<1x128x32xf32, #tpu.memory_space<vmem>>
      %dma_wait3A_447 = tpu.memref_squeeze %dma_wait3A_446 : memref<1x128x32xf32, #tpu.memory_space<vmem>> -> memref<128x32xf32, #tpu.memory_space<vmem>>
      %dma_wait3A_448 = arith.constant 0 : i32
      %dma_wait3A_449 = arith.constant 0 : i32
      %dma_wait3A_450 = tpu.memref_slice %arg2[%dma_wait3A_448, %dma_wait3A_449] : memref<400000x32xf32, #tpu.memory_space<hbm>> -> memref<128x32xf32, #tpu.memory_space<hbm>>
      tpu.wait_dma2 semaphore(%arg12 : memref<!tpu.dma_semaphore, #tpu.memory_space<semaphore_mem>>) src(%dma_wait3A_450 : memref<128x32xf32, #tpu.memory_space<hbm>>) dst(%dma_wait3A_447 : memref<128x32xf32, #tpu.memory_space<vmem>>)
      %run_scoped3A_451 = arith.constant 0 : i32
      %run_scoped3A_452 = arith.constant 0 : i32
      %run_scoped3A_453 = arith.constant 4 : i32
      "tpu.region"() ({
        %run_scoped3A_585 = tpu.sem_alloc : memref<!tpu.dma_semaphore, #tpu.memory_space<semaphore_mem>>
        %dma_start3A_586 = arith.constant 0 : i32
        %dma_start3A_587 = arith.constant 0 : i32
        %dma_start3A_588 = arith.constant 0 : i32
        %dma_start3A_589 = tpu.memref_slice %arg9[%run_scoped3A_451, %dma_start3A_586, %dma_start3A_587, %dma_start3A_588] : memref<2x2x128x32xf32, #tpu.memory_space<vmem>> -> memref<1x2x128x32xf32, #tpu.memory_space<vmem>>
        %dma_start3A_590 = tpu.memref_squeeze %dma_start3A_589 : memref<1x2x128x32xf32, #tpu.memory_space<vmem>> -> memref<2x128x32xf32, #tpu.memory_space<vmem>>
        %dma_start3A_591 = arith.constant 0 : i32
        %dma_start3A_592 = arith.constant 0 : i32
        %dma_start3A_593 = tpu.memref_slice %dma_start3A_590[%run_scoped3A_452, %dma_start3A_591, %dma_start3A_592] : memref<2x128x32xf32, #tpu.memory_space<vmem>> -> memref<1x128x32xf32, #tpu.memory_space<vmem>>
        %dma_start3A_594 = tpu.memref_squeeze %dma_start3A_593 : memref<1x128x32xf32, #tpu.memory_space<vmem>> -> memref<128x32xf32, #tpu.memory_space<vmem>>
        %dma_start3A_595 = arith.constant 0 : i32
        %dma_start3A_596 = arith.constant 0 : i32
        %dma_start3A_597 = tpu.memref_slice %arg8[%and3A_119, %dma_start3A_595, %dma_start3A_596] : memref<2x8x128xi32, #tpu.memory_space<vmem>> -> memref<1x8x128xi32, #tpu.memory_space<vmem>>
        %dma_start3A_598 = tpu.memref_squeeze %dma_start3A_597 : memref<1x8x128xi32, #tpu.memory_space<vmem>> -> memref<8x128xi32, #tpu.memory_space<vmem>>
        %dma_start3A_599 = arith.constant 0 : i32
        %dma_start3A_600 = tpu.memref_slice %dma_start3A_598[%run_scoped3A_453, %dma_start3A_599] : memref<8x128xi32, #tpu.memory_space<vmem>> -> memref<1x128xi32, #tpu.memory_space<vmem>>
        %dma_start3A_601 = tpu.memref_squeeze %dma_start3A_600 : memref<1x128xi32, #tpu.memory_space<vmem>> -> memref<128xi32, #tpu.memory_space<vmem>>
        %dma_start3A_602 = arith.constant 0 : i32
        %dma_start3A_603 = arith.constant 0 : i32
        %dma_start3A_604 = tpu.memref_slice %arg11[%dma_start3A_602, %dma_start3A_603] : memref<51200x32xf32, #tpu.memory_space<vmem_shared>> -> memref<51200x32xf32, #tpu.memory_space<vmem_shared>>
        tpu.enqueue_indirect_dma source(%dma_start3A_594 : memref<128x32xf32, #tpu.memory_space<vmem>>) target(%dma_start3A_604 : memref<51200x32xf32, #tpu.memory_space<vmem_shared>>) offsets(%dma_start3A_601 : memref<128xi32, #tpu.memory_space<vmem>>) semaphore(%run_scoped3A_585 : memref<!tpu.dma_semaphore, #tpu.memory_space<semaphore_mem>>) {add = true}
        %dma_wait3A_605 = arith.constant 0 : i32
        %dma_wait3A_606 = arith.constant 0 : i32
        %dma_wait3A_607 = arith.constant 0 : i32
        %dma_wait3A_608 = tpu.memref_slice %arg9[%run_scoped3A_451, %dma_wait3A_605, %dma_wait3A_606, %dma_wait3A_607] : memref<2x2x128x32xf32, #tpu.memory_space<vmem>> -> memref<1x2x128x32xf32, #tpu.memory_space<vmem>>
        %dma_wait3A_609 = tpu.memref_squeeze %dma_wait3A_608 : memref<1x2x128x32xf32, #tpu.memory_space<vmem>> -> memref<2x128x32xf32, #tpu.memory_space<vmem>>
        %dma_wait3A_610 = arith.constant 0 : i32
        %dma_wait3A_611 = arith.constant 0 : i32
        %dma_wait3A_612 = tpu.memref_slice %dma_wait3A_609[%run_scoped3A_452, %dma_wait3A_610, %dma_wait3A_611] : memref<2x128x32xf32, #tpu.memory_space<vmem>> -> memref<1x128x32xf32, #tpu.memory_space<vmem>>
        %dma_wait3A_613 = tpu.memref_squeeze %dma_wait3A_612 : memref<1x128x32xf32, #tpu.memory_space<vmem>> -> memref<128x32xf32, #tpu.memory_space<vmem>>
        %dma_wait3A_614 = arith.constant 0 : i32
        %dma_wait3A_615 = arith.constant 0 : i32
        %dma_wait3A_616 = tpu.memref_slice %arg8[%and3A_119, %dma_wait3A_614, %dma_wait3A_615] : memref<2x8x128xi32, #tpu.memory_space<vmem>> -> memref<1x8x128xi32, #tpu.memory_space<vmem>>
        %dma_wait3A_617 = tpu.memref_squeeze %dma_wait3A_616 : memref<1x8x128xi32, #tpu.memory_space<vmem>> -> memref<8x128xi32, #tpu.memory_space<vmem>>
        %dma_wait3A_618 = arith.constant 0 : i32
        %dma_wait3A_619 = tpu.memref_slice %dma_wait3A_617[%run_scoped3A_453, %dma_wait3A_618] : memref<8x128xi32, #tpu.memory_space<vmem>> -> memref<1x128xi32, #tpu.memory_space<vmem>>
        %dma_wait3A_620 = tpu.memref_squeeze %dma_wait3A_619 : memref<1x128xi32, #tpu.memory_space<vmem>> -> memref<128xi32, #tpu.memory_space<vmem>>
        %dma_wait3A_621 = arith.constant 0 : i32
        %dma_wait3A_622 = arith.constant 0 : i32
        %dma_wait3A_623 = tpu.memref_slice %arg11[%dma_wait3A_621, %dma_wait3A_622] : memref<51200x32xf32, #tpu.memory_space<vmem_shared>> -> memref<51200x32xf32, #tpu.memory_space<vmem_shared>>
        tpu.wait_indirect_dma semaphore(%run_scoped3A_585 : memref<!tpu.dma_semaphore, #tpu.memory_space<semaphore_mem>>) src(%dma_wait3A_613 : memref<128x32xf32, #tpu.memory_space<vmem>>) dst(%dma_wait3A_623 : memref<51200x32xf32, #tpu.memory_space<vmem_shared>>)
        tpu.yield
      }) : () -> ()
      %run_scoped3A_454 = arith.constant 0 : i32
      %run_scoped3A_455 = arith.constant 1 : i32
      %run_scoped3A_456 = arith.constant 5 : i32
      "tpu.region"() ({
        %run_scoped3A_585 = tpu.sem_alloc : memref<!tpu.dma_semaphore, #tpu.memory_space<semaphore_mem>>
        %dma_start3A_586 = arith.constant 0 : i32
        %dma_start3A_587 = arith.constant 0 : i32
        %dma_start3A_588 = arith.constant 0 : i32
        %dma_start3A_589 = tpu.memref_slice %arg9[%run_scoped3A_454, %dma_start3A_586, %dma_start3A_587, %dma_start3A_588] : memref<2x2x128x32xf32, #tpu.memory_space<vmem>> -> memref<1x2x128x32xf32, #tpu.memory_space<vmem>>
        %dma_start3A_590 = tpu.memref_squeeze %dma_start3A_589 : memref<1x2x128x32xf32, #tpu.memory_space<vmem>> -> memref<2x128x32xf32, #tpu.memory_space<vmem>>
        %dma_start3A_591 = arith.constant 0 : i32
        %dma_start3A_592 = arith.constant 0 : i32
        %dma_start3A_593 = tpu.memref_slice %dma_start3A_590[%run_scoped3A_455, %dma_start3A_591, %dma_start3A_592] : memref<2x128x32xf32, #tpu.memory_space<vmem>> -> memref<1x128x32xf32, #tpu.memory_space<vmem>>
        %dma_start3A_594 = tpu.memref_squeeze %dma_start3A_593 : memref<1x128x32xf32, #tpu.memory_space<vmem>> -> memref<128x32xf32, #tpu.memory_space<vmem>>
        %dma_start3A_595 = arith.constant 0 : i32
        %dma_start3A_596 = arith.constant 0 : i32
        %dma_start3A_597 = tpu.memref_slice %arg8[%and3A_119, %dma_start3A_595, %dma_start3A_596] : memref<2x8x128xi32, #tpu.memory_space<vmem>> -> memref<1x8x128xi32, #tpu.memory_space<vmem>>
        %dma_start3A_598 = tpu.memref_squeeze %dma_start3A_597 : memref<1x8x128xi32, #tpu.memory_space<vmem>> -> memref<8x128xi32, #tpu.memory_space<vmem>>
        %dma_start3A_599 = arith.constant 0 : i32
        %dma_start3A_600 = tpu.memref_slice %dma_start3A_598[%run_scoped3A_456, %dma_start3A_599] : memref<8x128xi32, #tpu.memory_space<vmem>> -> memref<1x128xi32, #tpu.memory_space<vmem>>
        %dma_start3A_601 = tpu.memref_squeeze %dma_start3A_600 : memref<1x128xi32, #tpu.memory_space<vmem>> -> memref<128xi32, #tpu.memory_space<vmem>>
        %dma_start3A_602 = arith.constant 0 : i32
        %dma_start3A_603 = arith.constant 0 : i32
        %dma_start3A_604 = tpu.memref_slice %arg11[%dma_start3A_602, %dma_start3A_603] : memref<51200x32xf32, #tpu.memory_space<vmem_shared>> -> memref<51200x32xf32, #tpu.memory_space<vmem_shared>>
        tpu.enqueue_indirect_dma source(%dma_start3A_594 : memref<128x32xf32, #tpu.memory_space<vmem>>) target(%dma_start3A_604 : memref<51200x32xf32, #tpu.memory_space<vmem_shared>>) offsets(%dma_start3A_601 : memref<128xi32, #tpu.memory_space<vmem>>) semaphore(%run_scoped3A_585 : memref<!tpu.dma_semaphore, #tpu.memory_space<semaphore_mem>>) {add = true}
        %dma_wait3A_605 = arith.constant 0 : i32
        %dma_wait3A_606 = arith.constant 0 : i32
        %dma_wait3A_607 = arith.constant 0 : i32
        %dma_wait3A_608 = tpu.memref_slice %arg9[%run_scoped3A_454, %dma_wait3A_605, %dma_wait3A_606, %dma_wait3A_607] : memref<2x2x128x32xf32, #tpu.memory_space<vmem>> -> memref<1x2x128x32xf32, #tpu.memory_space<vmem>>
        %dma_wait3A_609 = tpu.memref_squeeze %dma_wait3A_608 : memref<1x2x128x32xf32, #tpu.memory_space<vmem>> -> memref<2x128x32xf32, #tpu.memory_space<vmem>>
        %dma_wait3A_610 = arith.constant 0 : i32
        %dma_wait3A_611 = arith.constant 0 : i32
        %dma_wait3A_612 = tpu.memref_slice %dma_wait3A_609[%run_scoped3A_455, %dma_wait3A_610, %dma_wait3A_611] : memref<2x128x32xf32, #tpu.memory_space<vmem>> -> memref<1x128x32xf32, #tpu.memory_space<vmem>>
        %dma_wait3A_613 = tpu.memref_squeeze %dma_wait3A_612 : memref<1x128x32xf32, #tpu.memory_space<vmem>> -> memref<128x32xf32, #tpu.memory_space<vmem>>
        %dma_wait3A_614 = arith.constant 0 : i32
        %dma_wait3A_615 = arith.constant 0 : i32
        %dma_wait3A_616 = tpu.memref_slice %arg8[%and3A_119, %dma_wait3A_614, %dma_wait3A_615] : memref<2x8x128xi32, #tpu.memory_space<vmem>> -> memref<1x8x128xi32, #tpu.memory_space<vmem>>
        %dma_wait3A_617 = tpu.memref_squeeze %dma_wait3A_616 : memref<1x8x128xi32, #tpu.memory_space<vmem>> -> memref<8x128xi32, #tpu.memory_space<vmem>>
        %dma_wait3A_618 = arith.constant 0 : i32
        %dma_wait3A_619 = tpu.memref_slice %dma_wait3A_617[%run_scoped3A_456, %dma_wait3A_618] : memref<8x128xi32, #tpu.memory_space<vmem>> -> memref<1x128xi32, #tpu.memory_space<vmem>>
        %dma_wait3A_620 = tpu.memref_squeeze %dma_wait3A_619 : memref<1x128xi32, #tpu.memory_space<vmem>> -> memref<128xi32, #tpu.memory_space<vmem>>
        %dma_wait3A_621 = arith.constant 0 : i32
        %dma_wait3A_622 = arith.constant 0 : i32
        %dma_wait3A_623 = tpu.memref_slice %arg11[%dma_wait3A_621, %dma_wait3A_622] : memref<51200x32xf32, #tpu.memory_space<vmem_shared>> -> memref<51200x32xf32, #tpu.memory_space<vmem_shared>>
        tpu.wait_indirect_dma semaphore(%run_scoped3A_585 : memref<!tpu.dma_semaphore, #tpu.memory_space<semaphore_mem>>) src(%dma_wait3A_613 : memref<128x32xf32, #tpu.memory_space<vmem>>) dst(%dma_wait3A_623 : memref<51200x32xf32, #tpu.memory_space<vmem_shared>>)
        tpu.yield
      }) : () -> ()
      %dma_wait3A_457 = arith.constant 0 : i32
      %dma_wait3A_458 = arith.constant 0 : i32
      %dma_wait3A_459 = tpu.memref_slice %arg7[%sub3A_120, %dma_wait3A_457, %dma_wait3A_458] : memref<2x8x128xi32, #tpu.memory_space<vmem>> -> memref<1x8x128xi32, #tpu.memory_space<vmem>>
      %dma_wait3A_460 = tpu.memref_squeeze %dma_wait3A_459 : memref<1x8x128xi32, #tpu.memory_space<vmem>> -> memref<8x128xi32, #tpu.memory_space<vmem>>
      %dma_wait3A_461 = arith.constant 0 : i32
      %dma_wait3A_462 = tpu.memref_slice %arg3[%arg0, %mul3A_7, %dma_wait3A_461] : memref<2x12552x128xi32, #tpu.memory_space<hbm>> -> memref<1x8x128xi32, #tpu.memory_space<hbm>>
      %dma_wait3A_463 = tpu.memref_squeeze %dma_wait3A_462 : memref<1x8x128xi32, #tpu.memory_space<hbm>> -> memref<8x128xi32, #tpu.memory_space<hbm>>
      %dma_wait3A_464 = arith.constant 0 : i32
      %dma_wait3A_465 = arith.constant 0 : i32
      %dma_wait3A_466 = tpu.memref_slice %arg7[%sub3A_120, %dma_wait3A_464, %dma_wait3A_465] : memref<2x8x128xi32, #tpu.memory_space<vmem>> -> memref<1x8x128xi32, #tpu.memory_space<vmem>>
      %dma_wait3A_467 = tpu.memref_squeeze %dma_wait3A_466 : memref<1x8x128xi32, #tpu.memory_space<vmem>> -> memref<8x128xi32, #tpu.memory_space<vmem>>
      %dma_wait3A_468 = arith.constant 0 : i32
      %dma_wait3A_469 = tpu.memref_slice %arg3[%arg0, %mul3A_7, %dma_wait3A_468] : memref<2x12552x128xi32, #tpu.memory_space<hbm>> -> memref<1x8x128xi32, #tpu.memory_space<hbm>>
      %dma_wait3A_470 = tpu.memref_squeeze %dma_wait3A_469 : memref<1x8x128xi32, #tpu.memory_space<hbm>> -> memref<8x128xi32, #tpu.memory_space<hbm>>
      tpu.wait_dma2 semaphore(%arg13 : memref<!tpu.dma_semaphore, #tpu.memory_space<semaphore_mem>>) src(%dma_wait3A_470 : memref<8x128xi32, #tpu.memory_space<hbm>>) dst(%dma_wait3A_467 : memref<8x128xi32, #tpu.memory_space<vmem>>)
      %dma_wait3A_471 = arith.constant 0 : i32
      %dma_wait3A_472 = arith.constant 0 : i32
      %dma_wait3A_473 = tpu.memref_slice %arg8[%sub3A_120, %dma_wait3A_471, %dma_wait3A_472] : memref<2x8x128xi32, #tpu.memory_space<vmem>> -> memref<1x8x128xi32, #tpu.memory_space<vmem>>
      %dma_wait3A_474 = tpu.memref_squeeze %dma_wait3A_473 : memref<1x8x128xi32, #tpu.memory_space<vmem>> -> memref<8x128xi32, #tpu.memory_space<vmem>>
      %dma_wait3A_475 = arith.constant 0 : i32
      %dma_wait3A_476 = tpu.memref_slice %arg4[%mul3A_7, %dma_wait3A_475] : memref<12552x128xi32, #tpu.memory_space<hbm>> -> memref<8x128xi32, #tpu.memory_space<hbm>>
      %dma_wait3A_477 = arith.constant 0 : i32
      %dma_wait3A_478 = arith.constant 0 : i32
      %dma_wait3A_479 = tpu.memref_slice %arg8[%sub3A_120, %dma_wait3A_477, %dma_wait3A_478] : memref<2x8x128xi32, #tpu.memory_space<vmem>> -> memref<1x8x128xi32, #tpu.memory_space<vmem>>
      %dma_wait3A_480 = tpu.memref_squeeze %dma_wait3A_479 : memref<1x8x128xi32, #tpu.memory_space<vmem>> -> memref<8x128xi32, #tpu.memory_space<vmem>>
      %dma_wait3A_481 = arith.constant 0 : i32
      %dma_wait3A_482 = tpu.memref_slice %arg4[%mul3A_7, %dma_wait3A_481] : memref<12552x128xi32, #tpu.memory_space<hbm>> -> memref<8x128xi32, #tpu.memory_space<hbm>>
      tpu.wait_dma2 semaphore(%arg13 : memref<!tpu.dma_semaphore, #tpu.memory_space<semaphore_mem>>) src(%dma_wait3A_482 : memref<8x128xi32, #tpu.memory_space<hbm>>) dst(%dma_wait3A_480 : memref<8x128xi32, #tpu.memory_space<vmem>>)
      %dma_start3A_483 = arith.constant 0 : i32
      %dma_start3A_484 = arith.constant 0 : i32
      %dma_start3A_485 = arith.constant 0 : i32
      %dma_start3A_486 = arith.constant 0 : i32
      %dma_start3A_487 = arith.constant 0 : i32
      %dma_start3A_488 = arith.constant 0 : i32
      %dma_start3A_489 = tpu.memref_slice %arg9[%dma_start3A_484, %dma_start3A_486, %dma_start3A_487, %dma_start3A_488] : memref<2x2x128x32xf32, #tpu.memory_space<vmem>> -> memref<1x2x128x32xf32, #tpu.memory_space<vmem>>
      %dma_start3A_490 = tpu.memref_squeeze %dma_start3A_489 : memref<1x2x128x32xf32, #tpu.memory_space<vmem>> -> memref<2x128x32xf32, #tpu.memory_space<vmem>>
      %dma_start3A_491 = arith.constant 0 : i32
      %dma_start3A_492 = arith.constant 0 : i32
      %dma_start3A_493 = tpu.memref_slice %dma_start3A_490[%dma_start3A_485, %dma_start3A_491, %dma_start3A_492] : memref<2x128x32xf32, #tpu.memory_space<vmem>> -> memref<1x128x32xf32, #tpu.memory_space<vmem>>
      %dma_start3A_494 = tpu.memref_squeeze %dma_start3A_493 : memref<1x128x32xf32, #tpu.memory_space<vmem>> -> memref<128x32xf32, #tpu.memory_space<vmem>>
      %dma_start3A_495 = arith.constant 0 : i32
      %dma_start3A_496 = arith.constant 0 : i32
      %dma_start3A_497 = tpu.memref_slice %arg7[%sub3A_120, %dma_start3A_495, %dma_start3A_496] : memref<2x8x128xi32, #tpu.memory_space<vmem>> -> memref<1x8x128xi32, #tpu.memory_space<vmem>>
      %dma_start3A_498 = tpu.memref_squeeze %dma_start3A_497 : memref<1x8x128xi32, #tpu.memory_space<vmem>> -> memref<8x128xi32, #tpu.memory_space<vmem>>
      %dma_start3A_499 = arith.constant 0 : i32
      %dma_start3A_500 = tpu.memref_slice %dma_start3A_498[%dma_start3A_483, %dma_start3A_499] : memref<8x128xi32, #tpu.memory_space<vmem>> -> memref<1x128xi32, #tpu.memory_space<vmem>>
      %dma_start3A_501 = tpu.memref_squeeze %dma_start3A_500 : memref<1x128xi32, #tpu.memory_space<vmem>> -> memref<128xi32, #tpu.memory_space<vmem>>
      %dma_start3A_502 = arith.constant 0 : i32
      %dma_start3A_503 = arith.constant 0 : i32
      %dma_start3A_504 = tpu.memref_slice %arg2[%dma_start3A_502, %dma_start3A_503] : memref<400000x32xf32, #tpu.memory_space<hbm>> -> memref<400000x32xf32, #tpu.memory_space<hbm>>
      tpu.enqueue_indirect_dma source(%dma_start3A_504 : memref<400000x32xf32, #tpu.memory_space<hbm>>) target(%dma_start3A_494 : memref<128x32xf32, #tpu.memory_space<vmem>>) offsets(%dma_start3A_501 : memref<128xi32, #tpu.memory_space<vmem>>) semaphore(%arg12 : memref<!tpu.dma_semaphore, #tpu.memory_space<semaphore_mem>>)
      %dma_start3A_505 = arith.constant 1 : i32
      %dma_start3A_506 = arith.constant 0 : i32
      %dma_start3A_507 = arith.constant 1 : i32
      %dma_start3A_508 = arith.constant 0 : i32
      %dma_start3A_509 = arith.constant 0 : i32
      %dma_start3A_510 = arith.constant 0 : i32
      %dma_start3A_511 = tpu.memref_slice %arg9[%dma_start3A_506, %dma_start3A_508, %dma_start3A_509, %dma_start3A_510] : memref<2x2x128x32xf32, #tpu.memory_space<vmem>> -> memref<1x2x128x32xf32, #tpu.memory_space<vmem>>
      %dma_start3A_512 = tpu.memref_squeeze %dma_start3A_511 : memref<1x2x128x32xf32, #tpu.memory_space<vmem>> -> memref<2x128x32xf32, #tpu.memory_space<vmem>>
      %dma_start3A_513 = arith.constant 0 : i32
      %dma_start3A_514 = arith.constant 0 : i32
      %dma_start3A_515 = tpu.memref_slice %dma_start3A_512[%dma_start3A_507, %dma_start3A_513, %dma_start3A_514] : memref<2x128x32xf32, #tpu.memory_space<vmem>> -> memref<1x128x32xf32, #tpu.memory_space<vmem>>
      %dma_start3A_516 = tpu.memref_squeeze %dma_start3A_515 : memref<1x128x32xf32, #tpu.memory_space<vmem>> -> memref<128x32xf32, #tpu.memory_space<vmem>>
      %dma_start3A_517 = arith.constant 0 : i32
      %dma_start3A_518 = arith.constant 0 : i32
      %dma_start3A_519 = tpu.memref_slice %arg7[%sub3A_120, %dma_start3A_517, %dma_start3A_518] : memref<2x8x128xi32, #tpu.memory_space<vmem>> -> memref<1x8x128xi32, #tpu.memory_space<vmem>>
      %dma_start3A_520 = tpu.memref_squeeze %dma_start3A_519 : memref<1x8x128xi32, #tpu.memory_space<vmem>> -> memref<8x128xi32, #tpu.memory_space<vmem>>
      %dma_start3A_521 = arith.constant 0 : i32
      %dma_start3A_522 = tpu.memref_slice %dma_start3A_520[%dma_start3A_505, %dma_start3A_521] : memref<8x128xi32, #tpu.memory_space<vmem>> -> memref<1x128xi32, #tpu.memory_space<vmem>>
      %dma_start3A_523 = tpu.memref_squeeze %dma_start3A_522 : memref<1x128xi32, #tpu.memory_space<vmem>> -> memref<128xi32, #tpu.memory_space<vmem>>
      %dma_start3A_524 = arith.constant 0 : i32
      %dma_start3A_525 = arith.constant 0 : i32
      %dma_start3A_526 = tpu.memref_slice %arg2[%dma_start3A_524, %dma_start3A_525] : memref<400000x32xf32, #tpu.memory_space<hbm>> -> memref<400000x32xf32, #tpu.memory_space<hbm>>
      tpu.enqueue_indirect_dma source(%dma_start3A_526 : memref<400000x32xf32, #tpu.memory_space<hbm>>) target(%dma_start3A_516 : memref<128x32xf32, #tpu.memory_space<vmem>>) offsets(%dma_start3A_523 : memref<128xi32, #tpu.memory_space<vmem>>) semaphore(%arg12 : memref<!tpu.dma_semaphore, #tpu.memory_space<semaphore_mem>>)
      %dma_wait3A_527 = arith.constant 0 : i32
      %dma_wait3A_528 = arith.constant 0 : i32
      %dma_wait3A_529 = arith.constant 0 : i32
      %dma_wait3A_530 = arith.constant 0 : i32
      %dma_wait3A_531 = arith.constant 0 : i32
      %dma_wait3A_532 = tpu.memref_slice %arg9[%dma_wait3A_527, %dma_wait3A_529, %dma_wait3A_530, %dma_wait3A_531] : memref<2x2x128x32xf32, #tpu.memory_space<vmem>> -> memref<1x2x128x32xf32, #tpu.memory_space<vmem>>
      %dma_wait3A_533 = tpu.memref_squeeze %dma_wait3A_532 : memref<1x2x128x32xf32, #tpu.memory_space<vmem>> -> memref<2x128x32xf32, #tpu.memory_space<vmem>>
      %dma_wait3A_534 = arith.constant 0 : i32
      %dma_wait3A_535 = arith.constant 0 : i32
      %dma_wait3A_536 = tpu.memref_slice %dma_wait3A_533[%dma_wait3A_528, %dma_wait3A_534, %dma_wait3A_535] : memref<2x128x32xf32, #tpu.memory_space<vmem>> -> memref<1x128x32xf32, #tpu.memory_space<vmem>>
      %dma_wait3A_537 = tpu.memref_squeeze %dma_wait3A_536 : memref<1x128x32xf32, #tpu.memory_space<vmem>> -> memref<128x32xf32, #tpu.memory_space<vmem>>
      %dma_wait3A_538 = arith.constant 0 : i32
      %dma_wait3A_539 = arith.constant 0 : i32
      %dma_wait3A_540 = tpu.memref_slice %arg2[%dma_wait3A_538, %dma_wait3A_539] : memref<400000x32xf32, #tpu.memory_space<hbm>> -> memref<128x32xf32, #tpu.memory_space<hbm>>
      %dma_wait3A_541 = arith.constant 0 : i32
      %dma_wait3A_542 = arith.constant 0 : i32
      %dma_wait3A_543 = arith.constant 0 : i32
      %dma_wait3A_544 = tpu.memref_slice %arg9[%dma_wait3A_527, %dma_wait3A_541, %dma_wait3A_542, %dma_wait3A_543] : memref<2x2x128x32xf32, #tpu.memory_space<vmem>> -> memref<1x2x128x32xf32, #tpu.memory_space<vmem>>
      %dma_wait3A_545 = tpu.memref_squeeze %dma_wait3A_544 : memref<1x2x128x32xf32, #tpu.memory_space<vmem>> -> memref<2x128x32xf32, #tpu.memory_space<vmem>>
      %dma_wait3A_546 = arith.constant 0 : i32
      %dma_wait3A_547 = arith.constant 0 : i32
      %dma_wait3A_548 = tpu.memref_slice %dma_wait3A_545[%dma_wait3A_528, %dma_wait3A_546, %dma_wait3A_547] : memref<2x128x32xf32, #tpu.memory_space<vmem>> -> memref<1x128x32xf32, #tpu.memory_space<vmem>>
      %dma_wait3A_549 = tpu.memref_squeeze %dma_wait3A_548 : memref<1x128x32xf32, #tpu.memory_space<vmem>> -> memref<128x32xf32, #tpu.memory_space<vmem>>
      %dma_wait3A_550 = arith.constant 0 : i32
      %dma_wait3A_551 = arith.constant 0 : i32
      %dma_wait3A_552 = tpu.memref_slice %arg2[%dma_wait3A_550, %dma_wait3A_551] : memref<400000x32xf32, #tpu.memory_space<hbm>> -> memref<128x32xf32, #tpu.memory_space<hbm>>
      tpu.wait_dma2 semaphore(%arg12 : memref<!tpu.dma_semaphore, #tpu.memory_space<semaphore_mem>>) src(%dma_wait3A_552 : memref<128x32xf32, #tpu.memory_space<hbm>>) dst(%dma_wait3A_549 : memref<128x32xf32, #tpu.memory_space<vmem>>)
      %dma_wait3A_553 = arith.constant 0 : i32
      %dma_wait3A_554 = arith.constant 1 : i32
      %dma_wait3A_555 = arith.constant 0 : i32
      %dma_wait3A_556 = arith.constant 0 : i32
      %dma_wait3A_557 = arith.constant 0 : i32
      %dma_wait3A_558 = tpu.memref_slice %arg9[%dma_wait3A_553, %dma_wait3A_555, %dma_wait3A_556, %dma_wait3A_557] : memref<2x2x128x32xf32, #tpu.memory_space<vmem>> -> memref<1x2x128x32xf32, #tpu.memory_space<vmem>>
      %dma_wait3A_559 = tpu.memref_squeeze %dma_wait3A_558 : memref<1x2x128x32xf32, #tpu.memory_space<vmem>> -> memref<2x128x32xf32, #tpu.memory_space<vmem>>
      %dma_wait3A_560 = arith.constant 0 : i32
      %dma_wait3A_561 = arith.constant 0 : i32
      %dma_wait3A_562 = tpu.memref_slice %dma_wait3A_559[%dma_wait3A_554, %dma_wait3A_560, %dma_wait3A_561] : memref<2x128x32xf32, #tpu.memory_space<vmem>> -> memref<1x128x32xf32, #tpu.memory_space<vmem>>
      %dma_wait3A_563 = tpu.memref_squeeze %dma_wait3A_562 : memref<1x128x32xf32, #tpu.memory_space<vmem>> -> memref<128x32xf32, #tpu.memory_space<vmem>>
      %dma_wait3A_564 = arith.constant 0 : i32
      %dma_wait3A_565 = arith.constant 0 : i32
      %dma_wait3A_566 = tpu.memref_slice %arg2[%dma_wait3A_564, %dma_wait3A_565] : memref<400000x32xf32, #tpu.memory_space<hbm>> -> memref<128x32xf32, #tpu.memory_space<hbm>>
      %dma_wait3A_567 = arith.constant 0 : i32
      %dma_wait3A_568 = arith.constant 0 : i32
      %dma_wait3A_569 = arith.constant 0 : i32
      %dma_wait3A_570 = tpu.memref_slice %arg9[%dma_wait3A_553, %dma_wait3A_567, %dma_wait3A_568, %dma_wait3A_569] : memref<2x2x128x32xf32, #tpu.memory_space<vmem>> -> memref<1x2x128x32xf32, #tpu.memory_space<vmem>>
      %dma_wait3A_571 = tpu.memref_squeeze %dma_wait3A_570 : memref<1x2x128x32xf32, #tpu.memory_space<vmem>> -> memref<2x128x32xf32, #tpu.memory_space<vmem>>
      %dma_wait3A_572 = arith.constant 0 : i32
      %dma_wait3A_573 = arith.constant 0 : i32
      %dma_wait3A_574 = tpu.memref_slice %dma_wait3A_571[%dma_wait3A_554, %dma_wait3A_572, %dma_wait3A_573] : memref<2x128x32xf32, #tpu.memory_space<vmem>> -> memref<1x128x32xf32, #tpu.memory_space<vmem>>
      %dma_wait3A_575 = tpu.memref_squeeze %dma_wait3A_574 : memref<1x128x32xf32, #tpu.memory_space<vmem>> -> memref<128x32xf32, #tpu.memory_space<vmem>>
      %dma_wait3A_576 = arith.constant 0 : i32
      %dma_wait3A_577 = arith.constant 0 : i32
      %dma_wait3A_578 = tpu.memref_slice %arg2[%dma_wait3A_576, %dma_wait3A_577] : memref<400000x32xf32, #tpu.memory_space<hbm>> -> memref<128x32xf32, #tpu.memory_space<hbm>>
      tpu.wait_dma2 semaphore(%arg12 : memref<!tpu.dma_semaphore, #tpu.memory_space<semaphore_mem>>) src(%dma_wait3A_578 : memref<128x32xf32, #tpu.memory_space<hbm>>) dst(%dma_wait3A_575 : memref<128x32xf32, #tpu.memory_space<vmem>>)
      %run_scoped3A_579 = arith.constant 1 : i32
      %run_scoped3A_580 = arith.constant 0 : i32
      %run_scoped3A_581 = arith.constant 6 : i32
      "tpu.region"() ({
        %run_scoped3A_585 = tpu.sem_alloc : memref<!tpu.dma_semaphore, #tpu.memory_space<semaphore_mem>>
        %dma_start3A_586 = arith.constant 0 : i32
        %dma_start3A_587 = arith.constant 0 : i32
        %dma_start3A_588 = arith.constant 0 : i32
        %dma_start3A_589 = tpu.memref_slice %arg9[%run_scoped3A_579, %dma_start3A_586, %dma_start3A_587, %dma_start3A_588] : memref<2x2x128x32xf32, #tpu.memory_space<vmem>> -> memref<1x2x128x32xf32, #tpu.memory_space<vmem>>
        %dma_start3A_590 = tpu.memref_squeeze %dma_start3A_589 : memref<1x2x128x32xf32, #tpu.memory_space<vmem>> -> memref<2x128x32xf32, #tpu.memory_space<vmem>>
        %dma_start3A_591 = arith.constant 0 : i32
        %dma_start3A_592 = arith.constant 0 : i32
        %dma_start3A_593 = tpu.memref_slice %dma_start3A_590[%run_scoped3A_580, %dma_start3A_591, %dma_start3A_592] : memref<2x128x32xf32, #tpu.memory_space<vmem>> -> memref<1x128x32xf32, #tpu.memory_space<vmem>>
        %dma_start3A_594 = tpu.memref_squeeze %dma_start3A_593 : memref<1x128x32xf32, #tpu.memory_space<vmem>> -> memref<128x32xf32, #tpu.memory_space<vmem>>
        %dma_start3A_595 = arith.constant 0 : i32
        %dma_start3A_596 = arith.constant 0 : i32
        %dma_start3A_597 = tpu.memref_slice %arg8[%and3A_119, %dma_start3A_595, %dma_start3A_596] : memref<2x8x128xi32, #tpu.memory_space<vmem>> -> memref<1x8x128xi32, #tpu.memory_space<vmem>>
        %dma_start3A_598 = tpu.memref_squeeze %dma_start3A_597 : memref<1x8x128xi32, #tpu.memory_space<vmem>> -> memref<8x128xi32, #tpu.memory_space<vmem>>
        %dma_start3A_599 = arith.constant 0 : i32
        %dma_start3A_600 = tpu.memref_slice %dma_start3A_598[%run_scoped3A_581, %dma_start3A_599] : memref<8x128xi32, #tpu.memory_space<vmem>> -> memref<1x128xi32, #tpu.memory_space<vmem>>
        %dma_start3A_601 = tpu.memref_squeeze %dma_start3A_600 : memref<1x128xi32, #tpu.memory_space<vmem>> -> memref<128xi32, #tpu.memory_space<vmem>>
        %dma_start3A_602 = arith.constant 0 : i32
        %dma_start3A_603 = arith.constant 0 : i32
        %dma_start3A_604 = tpu.memref_slice %arg11[%dma_start3A_602, %dma_start3A_603] : memref<51200x32xf32, #tpu.memory_space<vmem_shared>> -> memref<51200x32xf32, #tpu.memory_space<vmem_shared>>
        tpu.enqueue_indirect_dma source(%dma_start3A_594 : memref<128x32xf32, #tpu.memory_space<vmem>>) target(%dma_start3A_604 : memref<51200x32xf32, #tpu.memory_space<vmem_shared>>) offsets(%dma_start3A_601 : memref<128xi32, #tpu.memory_space<vmem>>) semaphore(%run_scoped3A_585 : memref<!tpu.dma_semaphore, #tpu.memory_space<semaphore_mem>>) {add = true}
        %dma_wait3A_605 = arith.constant 0 : i32
        %dma_wait3A_606 = arith.constant 0 : i32
        %dma_wait3A_607 = arith.constant 0 : i32
        %dma_wait3A_608 = tpu.memref_slice %arg9[%run_scoped3A_579, %dma_wait3A_605, %dma_wait3A_606, %dma_wait3A_607] : memref<2x2x128x32xf32, #tpu.memory_space<vmem>> -> memref<1x2x128x32xf32, #tpu.memory_space<vmem>>
        %dma_wait3A_609 = tpu.memref_squeeze %dma_wait3A_608 : memref<1x2x128x32xf32, #tpu.memory_space<vmem>> -> memref<2x128x32xf32, #tpu.memory_space<vmem>>
        %dma_wait3A_610 = arith.constant 0 : i32
        %dma_wait3A_611 = arith.constant 0 : i32
        %dma_wait3A_612 = tpu.memref_slice %dma_wait3A_609[%run_scoped3A_580, %dma_wait3A_610, %dma_wait3A_611] : memref<2x128x32xf32, #tpu.memory_space<vmem>> -> memref<1x128x32xf32, #tpu.memory_space<vmem>>
        %dma_wait3A_613 = tpu.memref_squeeze %dma_wait3A_612 : memref<1x128x32xf32, #tpu.memory_space<vmem>> -> memref<128x32xf32, #tpu.memory_space<vmem>>
        %dma_wait3A_614 = arith.constant 0 : i32
        %dma_wait3A_615 = arith.constant 0 : i32
        %dma_wait3A_616 = tpu.memref_slice %arg8[%and3A_119, %dma_wait3A_614, %dma_wait3A_615] : memref<2x8x128xi32, #tpu.memory_space<vmem>> -> memref<1x8x128xi32, #tpu.memory_space<vmem>>
        %dma_wait3A_617 = tpu.memref_squeeze %dma_wait3A_616 : memref<1x8x128xi32, #tpu.memory_space<vmem>> -> memref<8x128xi32, #tpu.memory_space<vmem>>
        %dma_wait3A_618 = arith.constant 0 : i32
        %dma_wait3A_619 = tpu.memref_slice %dma_wait3A_617[%run_scoped3A_581, %dma_wait3A_618] : memref<8x128xi32, #tpu.memory_space<vmem>> -> memref<1x128xi32, #tpu.memory_space<vmem>>
        %dma_wait3A_620 = tpu.memref_squeeze %dma_wait3A_619 : memref<1x128xi32, #tpu.memory_space<vmem>> -> memref<128xi32, #tpu.memory_space<vmem>>
        %dma_wait3A_621 = arith.constant 0 : i32
        %dma_wait3A_622 = arith.constant 0 : i32
        %dma_wait3A_623 = tpu.memref_slice %arg11[%dma_wait3A_621, %dma_wait3A_622] : memref<51200x32xf32, #tpu.memory_space<vmem_shared>> -> memref<51200x32xf32, #tpu.memory_space<vmem_shared>>
        tpu.wait_indirect_dma semaphore(%run_scoped3A_585 : memref<!tpu.dma_semaphore, #tpu.memory_space<semaphore_mem>>) src(%dma_wait3A_613 : memref<128x32xf32, #tpu.memory_space<vmem>>) dst(%dma_wait3A_623 : memref<51200x32xf32, #tpu.memory_space<vmem_shared>>)
        tpu.yield
      }) : () -> ()
      %run_scoped3A_582 = arith.constant 1 : i32
      %run_scoped3A_583 = arith.constant 1 : i32
      %run_scoped3A_584 = arith.constant 7 : i32
      "tpu.region"() ({
        %run_scoped3A_585 = tpu.sem_alloc : memref<!tpu.dma_semaphore, #tpu.memory_space<semaphore_mem>>
        %dma_start3A_586 = arith.constant 0 : i32
        %dma_start3A_587 = arith.constant 0 : i32
        %dma_start3A_588 = arith.constant 0 : i32
        %dma_start3A_589 = tpu.memref_slice %arg9[%run_scoped3A_582, %dma_start3A_586, %dma_start3A_587, %dma_start3A_588] : memref<2x2x128x32xf32, #tpu.memory_space<vmem>> -> memref<1x2x128x32xf32, #tpu.memory_space<vmem>>
        %dma_start3A_590 = tpu.memref_squeeze %dma_start3A_589 : memref<1x2x128x32xf32, #tpu.memory_space<vmem>> -> memref<2x128x32xf32, #tpu.memory_space<vmem>>
        %dma_start3A_591 = arith.constant 0 : i32
        %dma_start3A_592 = arith.constant 0 : i32
        %dma_start3A_593 = tpu.memref_slice %dma_start3A_590[%run_scoped3A_583, %dma_start3A_591, %dma_start3A_592] : memref<2x128x32xf32, #tpu.memory_space<vmem>> -> memref<1x128x32xf32, #tpu.memory_space<vmem>>
        %dma_start3A_594 = tpu.memref_squeeze %dma_start3A_593 : memref<1x128x32xf32, #tpu.memory_space<vmem>> -> memref<128x32xf32, #tpu.memory_space<vmem>>
        %dma_start3A_595 = arith.constant 0 : i32
        %dma_start3A_596 = arith.constant 0 : i32
        %dma_start3A_597 = tpu.memref_slice %arg8[%and3A_119, %dma_start3A_595, %dma_start3A_596] : memref<2x8x128xi32, #tpu.memory_space<vmem>> -> memref<1x8x128xi32, #tpu.memory_space<vmem>>
        %dma_start3A_598 = tpu.memref_squeeze %dma_start3A_597 : memref<1x8x128xi32, #tpu.memory_space<vmem>> -> memref<8x128xi32, #tpu.memory_space<vmem>>
        %dma_start3A_599 = arith.constant 0 : i32
        %dma_start3A_600 = tpu.memref_slice %dma_start3A_598[%run_scoped3A_584, %dma_start3A_599] : memref<8x128xi32, #tpu.memory_space<vmem>> -> memref<1x128xi32, #tpu.memory_space<vmem>>
        %dma_start3A_601 = tpu.memref_squeeze %dma_start3A_600 : memref<1x128xi32, #tpu.memory_space<vmem>> -> memref<128xi32, #tpu.memory_space<vmem>>
        %dma_start3A_602 = arith.constant 0 : i32
        %dma_start3A_603 = arith.constant 0 : i32
        %dma_start3A_604 = tpu.memref_slice %arg11[%dma_start3A_602, %dma_start3A_603] : memref<51200x32xf32, #tpu.memory_space<vmem_shared>> -> memref<51200x32xf32, #tpu.memory_space<vmem_shared>>
        tpu.enqueue_indirect_dma source(%dma_start3A_594 : memref<128x32xf32, #tpu.memory_space<vmem>>) target(%dma_start3A_604 : memref<51200x32xf32, #tpu.memory_space<vmem_shared>>) offsets(%dma_start3A_601 : memref<128xi32, #tpu.memory_space<vmem>>) semaphore(%run_scoped3A_585 : memref<!tpu.dma_semaphore, #tpu.memory_space<semaphore_mem>>) {add = true}
        %dma_wait3A_605 = arith.constant 0 : i32
        %dma_wait3A_606 = arith.constant 0 : i32
        %dma_wait3A_607 = arith.constant 0 : i32
        %dma_wait3A_608 = tpu.memref_slice %arg9[%run_scoped3A_582, %dma_wait3A_605, %dma_wait3A_606, %dma_wait3A_607] : memref<2x2x128x32xf32, #tpu.memory_space<vmem>> -> memref<1x2x128x32xf32, #tpu.memory_space<vmem>>
        %dma_wait3A_609 = tpu.memref_squeeze %dma_wait3A_608 : memref<1x2x128x32xf32, #tpu.memory_space<vmem>> -> memref<2x128x32xf32, #tpu.memory_space<vmem>>
        %dma_wait3A_610 = arith.constant 0 : i32
        %dma_wait3A_611 = arith.constant 0 : i32
        %dma_wait3A_612 = tpu.memref_slice %dma_wait3A_609[%run_scoped3A_583, %dma_wait3A_610, %dma_wait3A_611] : memref<2x128x32xf32, #tpu.memory_space<vmem>> -> memref<1x128x32xf32, #tpu.memory_space<vmem>>
        %dma_wait3A_613 = tpu.memref_squeeze %dma_wait3A_612 : memref<1x128x32xf32, #tpu.memory_space<vmem>> -> memref<128x32xf32, #tpu.memory_space<vmem>>
        %dma_wait3A_614 = arith.constant 0 : i32
        %dma_wait3A_615 = arith.constant 0 : i32
        %dma_wait3A_616 = tpu.memref_slice %arg8[%and3A_119, %dma_wait3A_614, %dma_wait3A_615] : memref<2x8x128xi32, #tpu.memory_space<vmem>> -> memref<1x8x128xi32, #tpu.memory_space<vmem>>
        %dma_wait3A_617 = tpu.memref_squeeze %dma_wait3A_616 : memref<1x8x128xi32, #tpu.memory_space<vmem>> -> memref<8x128xi32, #tpu.memory_space<vmem>>
        %dma_wait3A_618 = arith.constant 0 : i32
        %dma_wait3A_619 = tpu.memref_slice %dma_wait3A_617[%run_scoped3A_584, %dma_wait3A_618] : memref<8x128xi32, #tpu.memory_space<vmem>> -> memref<1x128xi32, #tpu.memory_space<vmem>>
        %dma_wait3A_620 = tpu.memref_squeeze %dma_wait3A_619 : memref<1x128xi32, #tpu.memory_space<vmem>> -> memref<128xi32, #tpu.memory_space<vmem>>
        %dma_wait3A_621 = arith.constant 0 : i32
        %dma_wait3A_622 = arith.constant 0 : i32
        %dma_wait3A_623 = tpu.memref_slice %arg11[%dma_wait3A_621, %dma_wait3A_622] : memref<51200x32xf32, #tpu.memory_space<vmem_shared>> -> memref<51200x32xf32, #tpu.memory_space<vmem_shared>>
        tpu.wait_indirect_dma semaphore(%run_scoped3A_585 : memref<!tpu.dma_semaphore, #tpu.memory_space<semaphore_mem>>) src(%dma_wait3A_613 : memref<128x32xf32, #tpu.memory_space<vmem>>) dst(%dma_wait3A_623 : memref<51200x32xf32, #tpu.memory_space<vmem_shared>>)
        tpu.yield
      }) : () -> ()
    }
    %scan3A_59 = arith.constant 98 : i32
    %dma_wait3A = arith.constant 0 : i32
    %dma_wait3A_60 = arith.constant 0 : i32
    %dma_wait3A_61 = arith.constant 0 : i32
    %dma_wait3A_62 = arith.constant 0 : i32
    %dma_wait3A_63 = arith.constant 0 : i32
    %dma_wait3A_64 = tpu.memref_slice %arg9[%dma_wait3A, %dma_wait3A_61, %dma_wait3A_62, %dma_wait3A_63] : memref<2x2x128x32xf32, #tpu.memory_space<vmem>> -> memref<1x2x128x32xf32, #tpu.memory_space<vmem>>
    %dma_wait3A_65 = tpu.memref_squeeze %dma_wait3A_64 : memref<1x2x128x32xf32, #tpu.memory_space<vmem>> -> memref<2x128x32xf32, #tpu.memory_space<vmem>>
    %dma_wait3A_66 = arith.constant 0 : i32
    %dma_wait3A_67 = arith.constant 0 : i32
    %dma_wait3A_68 = tpu.memref_slice %dma_wait3A_65[%dma_wait3A_60, %dma_wait3A_66, %dma_wait3A_67] : memref<2x128x32xf32, #tpu.memory_space<vmem>> -> memref<1x128x32xf32, #tpu.memory_space<vmem>>
    %dma_wait3A_69 = tpu.memref_squeeze %dma_wait3A_68 : memref<1x128x32xf32, #tpu.memory_space<vmem>> -> memref<128x32xf32, #tpu.memory_space<vmem>>
    %dma_wait3A_70 = arith.constant 0 : i32
    %dma_wait3A_71 = arith.constant 0 : i32
    %dma_wait3A_72 = tpu.memref_slice %arg2[%dma_wait3A_70, %dma_wait3A_71] : memref<400000x32xf32, #tpu.memory_space<hbm>> -> memref<128x32xf32, #tpu.memory_space<hbm>>
    %dma_wait3A_73 = arith.constant 0 : i32
    %dma_wait3A_74 = arith.constant 0 : i32
    %dma_wait3A_75 = arith.constant 0 : i32
    %dma_wait3A_76 = tpu.memref_slice %arg9[%dma_wait3A, %dma_wait3A_73, %dma_wait3A_74, %dma_wait3A_75] : memref<2x2x128x32xf32, #tpu.memory_space<vmem>> -> memref<1x2x128x32xf32, #tpu.memory_space<vmem>>
    %dma_wait3A_77 = tpu.memref_squeeze %dma_wait3A_76 : memref<1x2x128x32xf32, #tpu.memory_space<vmem>> -> memref<2x128x32xf32, #tpu.memory_space<vmem>>
    %dma_wait3A_78 = arith.constant 0 : i32
    %dma_wait3A_79 = arith.constant 0 : i32
    %dma_wait3A_80 = tpu.memref_slice %dma_wait3A_77[%dma_wait3A_60, %dma_wait3A_78, %dma_wait3A_79] : memref<2x128x32xf32, #tpu.memory_space<vmem>> -> memref<1x128x32xf32, #tpu.memory_space<vmem>>
    %dma_wait3A_81 = tpu.memref_squeeze %dma_wait3A_80 : memref<1x128x32xf32, #tpu.memory_space<vmem>> -> memref<128x32xf32, #tpu.memory_space<vmem>>
    %dma_wait3A_82 = arith.constant 0 : i32
    %dma_wait3A_83 = arith.constant 0 : i32
    %dma_wait3A_84 = tpu.memref_slice %arg2[%dma_wait3A_82, %dma_wait3A_83] : memref<400000x32xf32, #tpu.memory_space<hbm>> -> memref<128x32xf32, #tpu.memory_space<hbm>>
    tpu.wait_dma2 semaphore(%arg12 : memref<!tpu.dma_semaphore, #tpu.memory_space<semaphore_mem>>) src(%dma_wait3A_84 : memref<128x32xf32, #tpu.memory_space<hbm>>) dst(%dma_wait3A_81 : memref<128x32xf32, #tpu.memory_space<vmem>>)
    %dma_wait3A_85 = arith.constant 0 : i32
    %dma_wait3A_86 = arith.constant 1 : i32
    %dma_wait3A_87 = arith.constant 0 : i32
    %dma_wait3A_88 = arith.constant 0 : i32
    %dma_wait3A_89 = arith.constant 0 : i32
    %dma_wait3A_90 = tpu.memref_slice %arg9[%dma_wait3A_85, %dma_wait3A_87, %dma_wait3A_88, %dma_wait3A_89] : memref<2x2x128x32xf32, #tpu.memory_space<vmem>> -> memref<1x2x128x32xf32, #tpu.memory_space<vmem>>
    %dma_wait3A_91 = tpu.memref_squeeze %dma_wait3A_90 : memref<1x2x128x32xf32, #tpu.memory_space<vmem>> -> memref<2x128x32xf32, #tpu.memory_space<vmem>>
    %dma_wait3A_92 = arith.constant 0 : i32
    %dma_wait3A_93 = arith.constant 0 : i32
    %dma_wait3A_94 = tpu.memref_slice %dma_wait3A_91[%dma_wait3A_86, %dma_wait3A_92, %dma_wait3A_93] : memref<2x128x32xf32, #tpu.memory_space<vmem>> -> memref<1x128x32xf32, #tpu.memory_space<vmem>>
    %dma_wait3A_95 = tpu.memref_squeeze %dma_wait3A_94 : memref<1x128x32xf32, #tpu.memory_space<vmem>> -> memref<128x32xf32, #tpu.memory_space<vmem>>
    %dma_wait3A_96 = arith.constant 0 : i32
    %dma_wait3A_97 = arith.constant 0 : i32
    %dma_wait3A_98 = tpu.memref_slice %arg2[%dma_wait3A_96, %dma_wait3A_97] : memref<400000x32xf32, #tpu.memory_space<hbm>> -> memref<128x32xf32, #tpu.memory_space<hbm>>
    %dma_wait3A_99 = arith.constant 0 : i32
    %dma_wait3A_100 = arith.constant 0 : i32
    %dma_wait3A_101 = arith.constant 0 : i32
    %dma_wait3A_102 = tpu.memref_slice %arg9[%dma_wait3A_85, %dma_wait3A_99, %dma_wait3A_100, %dma_wait3A_101] : memref<2x2x128x32xf32, #tpu.memory_space<vmem>> -> memref<1x2x128x32xf32, #tpu.memory_space<vmem>>
    %dma_wait3A_103 = tpu.memref_squeeze %dma_wait3A_102 : memref<1x2x128x32xf32, #tpu.memory_space<vmem>> -> memref<2x128x32xf32, #tpu.memory_space<vmem>>
    %dma_wait3A_104 = arith.constant 0 : i32
    %dma_wait3A_105 = arith.constant 0 : i32
    %dma_wait3A_106 = tpu.memref_slice %dma_wait3A_103[%dma_wait3A_86, %dma_wait3A_104, %dma_wait3A_105] : memref<2x128x32xf32, #tpu.memory_space<vmem>> -> memref<1x128x32xf32, #tpu.memory_space<vmem>>
    %dma_wait3A_107 = tpu.memref_squeeze %dma_wait3A_106 : memref<1x128x32xf32, #tpu.memory_space<vmem>> -> memref<128x32xf32, #tpu.memory_space<vmem>>
    %dma_wait3A_108 = arith.constant 0 : i32
    %dma_wait3A_109 = arith.constant 0 : i32
    %dma_wait3A_110 = tpu.memref_slice %arg2[%dma_wait3A_108, %dma_wait3A_109] : memref<400000x32xf32, #tpu.memory_space<hbm>> -> memref<128x32xf32, #tpu.memory_space<hbm>>
    tpu.wait_dma2 semaphore(%arg12 : memref<!tpu.dma_semaphore, #tpu.memory_space<semaphore_mem>>) src(%dma_wait3A_110 : memref<128x32xf32, #tpu.memory_space<hbm>>) dst(%dma_wait3A_107 : memref<128x32xf32, #tpu.memory_space<vmem>>)
    %barrier3A_111 = arith.constant 0 : index
    tpu.barrier barrier_id(%barrier3A_111)
    %scan3A_112 = arith.constant 0 : i32
    %scan3A_113 = arith.constant 0 : i32
    %scan3A_114 = arith.constant 50 : i32
    %scan3A_115 = arith.addi %scan3A_113, %scan3A_114 : i32
    %scan3A_116 = arith.constant 1 : i32
    scf.for %scan3A_118 = %scan3A_113 to %scan3A_115 step %scan3A_116  : i32 {
      %mul3A_119 = arith.constant 64 : i32
      %mul3A_120 = arith.muli %scan3A_118, %mul3A_119 : i32
      %add3A = arith.addi %multiple_of3A, %mul3A_120 : i32
      %multiple_of3A_121 = tpu.assume_multiple %add3A, 8 : i32
      "tpu.region"() ({
        %run_scoped3A_122 = tpu.sem_alloc : memref<!tpu.dma_semaphore, #tpu.memory_space<semaphore_mem>>
        %dma_start3A_123 = arith.constant 0 : i32
        %dma_start3A_124 = tpu.memref_slice %arg11[%multiple_of3A_121, %dma_start3A_123] : memref<51200x32xf32, #tpu.memory_space<vmem_shared>> -> memref<64x32xf32, #tpu.memory_space<vmem_shared>>
        %dma_start3A_125 = arith.constant 0 : i32
        %dma_start3A_126 = tpu.memref_slice %arg11[%multiple_of3A_121, %dma_start3A_125] : memref<51200x32xf32, #tpu.memory_space<vmem_shared>> -> memref<64x32xf32, #tpu.memory_space<vmem_shared>>
        tpu.enqueue_dma source(%dma_start3A_126 : memref<64x32xf32, #tpu.memory_space<vmem_shared>>) target(%arg10 : memref<64x32xf32, #tpu.memory_space<vmem>>) target_semaphore(%run_scoped3A_122 : memref<!tpu.dma_semaphore, #tpu.memory_space<semaphore_mem>>)
        %dma_wait3A_127 = arith.constant 0 : i32
        %dma_wait3A_128 = tpu.memref_slice %arg11[%multiple_of3A_121, %dma_wait3A_127] : memref<51200x32xf32, #tpu.memory_space<vmem_shared>> -> memref<64x32xf32, #tpu.memory_space<vmem_shared>>
        %dma_wait3A_129 = arith.constant 0 : i32
        %dma_wait3A_130 = tpu.memref_slice %arg11[%multiple_of3A_121, %dma_wait3A_129] : memref<51200x32xf32, #tpu.memory_space<vmem_shared>> -> memref<64x32xf32, #tpu.memory_space<vmem_shared>>
        tpu.wait_dma2 semaphore(%run_scoped3A_122 : memref<!tpu.dma_semaphore, #tpu.memory_space<semaphore_mem>>) src(%dma_wait3A_130 : memref<64x32xf32, #tpu.memory_space<vmem_shared>>) dst(%arg10 : memref<64x32xf32, #tpu.memory_space<vmem>>)
        tpu.yield
      }) : () -> ()
      "tpu.region"() ({
        %run_scoped3A_122 = tpu.sem_alloc : memref<!tpu.dma_semaphore, #tpu.memory_space<semaphore_mem>>
        %dma_start3A_123 = arith.constant 0 : i32
        %dma_start3A_124 = tpu.memref_slice %arg6[%arg0, %multiple_of3A_121, %dma_start3A_123] : memref<2x51200x32xf32, #tpu.memory_space<hbm>> -> memref<1x64x32xf32, #tpu.memory_space<hbm>>
        %dma_start3A_125 = tpu.memref_squeeze %dma_start3A_124 : memref<1x64x32xf32, #tpu.memory_space<hbm>> -> memref<64x32xf32, #tpu.memory_space<hbm>>
        %dma_start3A_126 = arith.constant 0 : i32
        %dma_start3A_127 = tpu.memref_slice %arg6[%arg0, %multiple_of3A_121, %dma_start3A_126] : memref<2x51200x32xf32, #tpu.memory_space<hbm>> -> memref<1x64x32xf32, #tpu.memory_space<hbm>>
        %dma_start3A_128 = tpu.memref_squeeze %dma_start3A_127 : memref<1x64x32xf32, #tpu.memory_space<hbm>> -> memref<64x32xf32, #tpu.memory_space<hbm>>
        tpu.enqueue_dma source(%arg10 : memref<64x32xf32, #tpu.memory_space<vmem>>) target(%dma_start3A_128 : memref<64x32xf32, #tpu.memory_space<hbm>>) target_semaphore(%run_scoped3A_122 : memref<!tpu.dma_semaphore, #tpu.memory_space<semaphore_mem>>)
        %dma_wait3A_129 = arith.constant 0 : i32
        %dma_wait3A_130 = tpu.memref_slice %arg6[%arg0, %multiple_of3A_121, %dma_wait3A_129] : memref<2x51200x32xf32, #tpu.memory_space<hbm>> -> memref<1x64x32xf32, #tpu.memory_space<hbm>>
        %dma_wait3A_131 = tpu.memref_squeeze %dma_wait3A_130 : memref<1x64x32xf32, #tpu.memory_space<hbm>> -> memref<64x32xf32, #tpu.memory_space<hbm>>
        %dma_wait3A_132 = arith.constant 0 : i32
        %dma_wait3A_133 = tpu.memref_slice %arg6[%arg0, %multiple_of3A_121, %dma_wait3A_132] : memref<2x51200x32xf32, #tpu.memory_space<hbm>> -> memref<1x64x32xf32, #tpu.memory_space<hbm>>
        %dma_wait3A_134 = tpu.memref_squeeze %dma_wait3A_133 : memref<1x64x32xf32, #tpu.memory_space<hbm>> -> memref<64x32xf32, #tpu.memory_space<hbm>>
        tpu.wait_dma2 semaphore(%run_scoped3A_122 : memref<!tpu.dma_semaphore, #tpu.memory_space<semaphore_mem>>) src(%arg10 : memref<64x32xf32, #tpu.memory_space<vmem>>) dst(%dma_wait3A_134 : memref<64x32xf32, #tpu.memory_space<hbm>>)
        tpu.yield
      }) : () -> ()
    }
    %scan3A_117 = arith.constant 50 : i32
    return
  }
}

module attributes {stable_mosaic.version = 14 : i64} {
  func.func @_node_body(%arg0: i32, %arg1: memref<2000x15xf32, #tpu.memory_space<vmem>>, %arg2: memref<5x10xf32, #tpu.memory_space<vmem>>, %arg3: memref<2x10xf32, #tpu.memory_space<vmem>>, %arg4: memref<50x50xf32, #tpu.memory_space<vmem>>, %arg5: memref<50x50xf32, #tpu.memory_space<vmem>>, %arg6: memref<10x50xf32, #tpu.memory_space<vmem>>, %arg7: memref<1x50xf32, #tpu.memory_space<vmem>>, %arg8: memref<1x10xf32, #tpu.memory_space<vmem>>, %arg9: memref<1x10xf32, #tpu.memory_space<vmem>>, %arg10: memref<15x120xf32, #tpu.memory_space<vmem>>, %arg11: memref<1x120xf32, #tpu.memory_space<vmem>>, %arg12: memref<120x50xf32, #tpu.memory_space<vmem>>, %arg13: memref<1x50xf32, #tpu.memory_space<vmem>>, %arg14: memref<120x100xf32, #tpu.memory_space<vmem>>, %arg15: memref<1x100xf32, #tpu.memory_space<vmem>>, %arg16: memref<2000x50xf32, #tpu.memory_space<vmem>>, %arg17: memref<2x4x2000x32xf32, #tpu.memory_space<vmem>>, %arg18: memref<10x10xf32, #tpu.memory_space<vmem>>, %arg19: memref<2000x100xf32, #tpu.memory_space<vmem>>) attributes {dimension_semantics = [#tpu.dimension_semantics<arbitrary>], iteration_bounds = array<i64: 25>, scalar_prefetch = 0 : i64, scratch_operands = 0 : i64, tpu.core_type = #tpu.core_type<tc>, window_params = [{transform_indices = @transform_0, window_bounds = array<i64: 2000, 15>}, {pipeline_mode = #tpu.pipeline_mode<synchronous>, transform_indices = @transform_1, window_bounds = array<i64: 5, 10>}, {pipeline_mode = #tpu.pipeline_mode<synchronous>, transform_indices = @transform_2, window_bounds = array<i64: 2, 10>}, {pipeline_mode = #tpu.pipeline_mode<synchronous>, transform_indices = @transform_3, window_bounds = array<i64: 50, 50>}, {pipeline_mode = #tpu.pipeline_mode<synchronous>, transform_indices = @transform_4, window_bounds = array<i64: 50, 50>}, {pipeline_mode = #tpu.pipeline_mode<synchronous>, transform_indices = @transform_5, window_bounds = array<i64: 10, 50>}, {pipeline_mode = #tpu.pipeline_mode<synchronous>, transform_indices = @transform_6, window_bounds = array<i64: 1, 50>}, {pipeline_mode = #tpu.pipeline_mode<synchronous>, transform_indices = @transform_7, window_bounds = array<i64: 1, 10>}, {pipeline_mode = #tpu.pipeline_mode<synchronous>, transform_indices = @transform_8, window_bounds = array<i64: 1, 10>}, {pipeline_mode = #tpu.pipeline_mode<synchronous>, transform_indices = @transform_9, window_bounds = array<i64: 15, 120>}, {pipeline_mode = #tpu.pipeline_mode<synchronous>, transform_indices = @transform_10, window_bounds = array<i64: 1, 120>}, {pipeline_mode = #tpu.pipeline_mode<synchronous>, transform_indices = @transform_11, window_bounds = array<i64: 120, 50>}, {pipeline_mode = #tpu.pipeline_mode<synchronous>, transform_indices = @transform_12, window_bounds = array<i64: 1, 50>}, {pipeline_mode = #tpu.pipeline_mode<synchronous>, transform_indices = @transform_13, window_bounds = array<i64: 120, 100>}, {pipeline_mode = #tpu.pipeline_mode<synchronous>, transform_indices = @transform_14, window_bounds = array<i64: 1, 100>}, {transform_indices = @transform_15, window_bounds = array<i64: 2000, 50>}, {transform_indices = @transform_16, window_bounds = array<i64: 2, 4, 2000, 32>}, {pipeline_mode = #tpu.pipeline_mode<synchronous>, transform_indices = @transform_17, window_bounds = array<i64: 10, 10>}, {transform_indices = @transform_18, window_bounds = array<i64: 2000, 100>}]} {
    %get3A = arith.constant 0 : index
    %get3A_0 = arith.constant 0 : index
    %get3A_1 = vector.load %arg8[%get3A, %get3A_0] : memref<1x10xf32, #tpu.memory_space<vmem>>, vector<1x10xf32>
    %get3A_2 = arith.constant 0 : index
    %get3A_3 = arith.constant 0 : index
    %get3A_4 = vector.load %arg9[%get3A_2, %get3A_3] : memref<1x10xf32, #tpu.memory_space<vmem>>, vector<1x10xf32>
    %get3A_5 = arith.constant 0 : index
    %get3A_6 = arith.constant 0 : index
    %get3A_7 = vector.load %arg1[%get3A_5, %get3A_6] : memref<2000x15xf32, #tpu.memory_space<vmem>>, vector<2000x15xf32>
    %get3A_8 = arith.constant 0 : index
    %get3A_9 = arith.constant 0 : index
    %get3A_10 = vector.load %arg10[%get3A_8, %get3A_9] : memref<15x120xf32, #tpu.memory_space<vmem>>, vector<15x120xf32>
    %dot_general3A = arith.constant dense<0.000000e+00> : vector<2000x120xf32>
    %dot_general3A_11 = tpu.matmul %get3A_7, %get3A_10, %dot_general3A {dimension_numbers = #tpu.dot_dimension_numbers<[1], [0], [0], [1], [0, 0, 1, 1], [], []>, precision = #tpu.contract_precision<fp32>, transpose_lhs_hint = false} : vector<2000x15xf32>, vector<15x120xf32>, vector<2000x120xf32> -> vector<2000x120xf32>
    %get3A_12 = arith.constant 0 : index
    %get3A_13 = arith.constant 0 : index
    %get3A_14 = vector.load %arg11[%get3A_12, %get3A_13] : memref<1x120xf32, #tpu.memory_space<vmem>>, vector<1x120xf32>
    %add3A = vector.broadcast %get3A_14 : vector<1x120xf32> to vector<2000x120xf32>
    %add3A_15 = arith.addf %dot_general3A_11, %add3A : vector<2000x120xf32>
    %sin3A = math.sin %add3A_15 : vector<2000x120xf32>
    %get3A_16 = arith.constant 0 : index
    %get3A_17 = arith.constant 0 : index
    %get3A_18 = vector.load %arg2[%get3A_16, %get3A_17] : memref<5x10xf32, #tpu.memory_space<vmem>>, vector<1x10xf32>
    %get3A_19 = arith.constant 1 : index
    %get3A_20 = arith.constant 0 : index
    %get3A_21 = vector.load %arg2[%get3A_19, %get3A_20] : memref<5x10xf32, #tpu.memory_space<vmem>>, vector<1x10xf32>
    %get3A_22 = arith.constant 2 : index
    %get3A_23 = arith.constant 0 : index
    %get3A_24 = vector.load %arg2[%get3A_22, %get3A_23] : memref<5x10xf32, #tpu.memory_space<vmem>>, vector<1x10xf32>
    %get3A_25 = arith.constant 3 : index
    %get3A_26 = arith.constant 0 : index
    %get3A_27 = vector.load %arg2[%get3A_25, %get3A_26] : memref<5x10xf32, #tpu.memory_space<vmem>>, vector<1x10xf32>
    %get3A_28 = arith.constant 4 : index
    %get3A_29 = arith.constant 0 : index
    %get3A_30 = vector.load %arg2[%get3A_28, %get3A_29] : memref<5x10xf32, #tpu.memory_space<vmem>>, vector<1x10xf32>
    %concatenate3A = tpu.concatenate %get3A_18, %get3A_21, %get3A_24, %get3A_27, %get3A_30 in 1 : vector<1x10xf32>, vector<1x10xf32>, vector<1x10xf32>, vector<1x10xf32>, vector<1x10xf32> -> vector<1x50xf32>
    %get3A_31 = arith.constant 0 : index
    %get3A_32 = arith.constant 0 : index
    %get3A_33 = vector.load %arg12[%get3A_31, %get3A_32] : memref<120x50xf32, #tpu.memory_space<vmem>>, vector<120x50xf32>
    %dot_general3A_34 = arith.constant dense<0.000000e+00> : vector<2000x50xf32>
    %dot_general3A_35 = tpu.matmul %sin3A, %get3A_33, %dot_general3A_34 {dimension_numbers = #tpu.dot_dimension_numbers<[1], [0], [0], [1], [0, 0, 1, 1], [], []>, precision = #tpu.contract_precision<fp32>, transpose_lhs_hint = false} : vector<2000x120xf32>, vector<120x50xf32>, vector<2000x50xf32> -> vector<2000x50xf32>
    %get3A_36 = arith.constant 0 : index
    %get3A_37 = arith.constant 0 : index
    %get3A_38 = vector.load %arg13[%get3A_36, %get3A_37] : memref<1x50xf32, #tpu.memory_space<vmem>>, vector<1x50xf32>
    %add3A_39 = vector.broadcast %get3A_38 : vector<1x50xf32> to vector<2000x50xf32>
    %add3A_40 = arith.addf %dot_general3A_35, %add3A_39 : vector<2000x50xf32>
    %add3A_41 = vector.broadcast %concatenate3A : vector<1x50xf32> to vector<2000x50xf32>
    %add3A_42 = arith.addf %add3A_40, %add3A_41 : vector<2000x50xf32>
    %get3A_43 = arith.constant 0 : index
    %get3A_44 = arith.constant 0 : index
    %get3A_45 = vector.load %arg4[%get3A_43, %get3A_44] : memref<50x50xf32, #tpu.memory_space<vmem>>, vector<50x50xf32>
    %dot_general3A_46 = arith.constant dense<0.000000e+00> : vector<2000x50xf32>
    %dot_general3A_47 = tpu.matmul %add3A_42, %get3A_45, %dot_general3A_46 {dimension_numbers = #tpu.dot_dimension_numbers<[1], [0], [0], [1], [0, 0, 1, 1], [], []>, precision = #tpu.contract_precision<fp32>, transpose_lhs_hint = false} : vector<2000x50xf32>, vector<50x50xf32>, vector<2000x50xf32> -> vector<2000x50xf32>
    %swap3A = arith.constant 0 : index
    %swap3A_48 = arith.constant 0 : index
    %swap3A_49 = vector.load %arg16[%swap3A, %swap3A_48] : memref<2000x50xf32, #tpu.memory_space<vmem>>, vector<2000x50xf32>
    tpu.vector_store %arg16[%swap3A, %swap3A_48], %dot_general3A_47 {strides = array<i32>} : memref<2000x50xf32, #tpu.memory_space<vmem>>, vector<2000x50xf32>,
    %get3A_50 = arith.constant 0 : index
    %get3A_51 = arith.constant 0 : index
    %get3A_52 = vector.load %arg5[%get3A_50, %get3A_51] : memref<50x50xf32, #tpu.memory_space<vmem>>, vector<50x50xf32>
    %dot_general3A_53 = arith.constant dense<0.000000e+00> : vector<2000x50xf32>
    %dot_general3A_54 = tpu.matmul %add3A_42, %get3A_52, %dot_general3A_53 {dimension_numbers = #tpu.dot_dimension_numbers<[1], [0], [0], [1], [0, 0, 1, 1], [], []>, precision = #tpu.contract_precision<fp32>, transpose_lhs_hint = false} : vector<2000x50xf32>, vector<50x50xf32>, vector<2000x50xf32> -> vector<2000x50xf32>
    %sin3A_55 = math.sin %get3A_4 : vector<1x10xf32>
    %add3A_56 = arith.addf %get3A_1, %get3A_4 : vector<1x10xf32>
    %sin3A_57 = math.sin %add3A_56 : vector<1x10xf32>
    %get3A_58 = arith.constant 0 : index
    %get3A_59 = arith.constant 0 : index
    %get3A_60 = vector.load %arg3[%get3A_58, %get3A_59] : memref<2x10xf32, #tpu.memory_space<vmem>>, vector<1x10xf32>
    %add3A_61 = arith.addf %get3A_60, %sin3A_55 : vector<1x10xf32>
    %get3A_62 = arith.constant 0 : index
    %get3A_63 = arith.constant 0 : index
    %get3A_64 = vector.load %arg3[%get3A_62, %get3A_63] : memref<2x10xf32, #tpu.memory_space<vmem>>, vector<1x10xf32>
    %add3A_65 = arith.addf %get3A_64, %sin3A_57 : vector<1x10xf32>
    %get3A_66 = arith.constant 1 : index
    %get3A_67 = arith.constant 0 : index
    %get3A_68 = vector.load %arg3[%get3A_66, %get3A_67] : memref<2x10xf32, #tpu.memory_space<vmem>>, vector<1x10xf32>
    %add3A_69 = arith.addf %get3A_68, %sin3A_55 : vector<1x10xf32>
    %get3A_70 = arith.constant 1 : index
    %get3A_71 = arith.constant 0 : index
    %get3A_72 = vector.load %arg3[%get3A_70, %get3A_71] : memref<2x10xf32, #tpu.memory_space<vmem>>, vector<1x10xf32>
    %add3A_73 = arith.addf %get3A_72, %sin3A_57 : vector<1x10xf32>
    %concatenate3A_74 = tpu.concatenate %add3A_61, %add3A_65, %add3A_69, %add3A_73 in 0 : vector<1x10xf32>, vector<1x10xf32>, vector<1x10xf32>, vector<1x10xf32> -> vector<4x10xf32>
    %get3A_75 = arith.constant 0 : index
    %get3A_76 = arith.constant 0 : index
    %get3A_77 = vector.load %arg6[%get3A_75, %get3A_76] : memref<10x50xf32, #tpu.memory_space<vmem>>, vector<10x50xf32>
    %dot_general3A_78 = arith.constant dense<0.000000e+00> : vector<4x50xf32>
    %dot_general3A_79 = tpu.matmul %concatenate3A_74, %get3A_77, %dot_general3A_78 {dimension_numbers = #tpu.dot_dimension_numbers<[1], [0], [0], [1], [0, 0, 1, 1], [], []>, precision = #tpu.contract_precision<fp32>, transpose_lhs_hint = false} : vector<4x10xf32>, vector<10x50xf32>, vector<4x50xf32> -> vector<4x50xf32>
    %get3A_80 = arith.constant 0 : index
    %get3A_81 = arith.constant 0 : index
    %get3A_82 = vector.load %arg7[%get3A_80, %get3A_81] : memref<1x50xf32, #tpu.memory_space<vmem>>, vector<1x50xf32>
    %add3A_83 = vector.broadcast %get3A_82 : vector<1x50xf32> to vector<4x50xf32>
    %add3A_84 = arith.addf %dot_general3A_79, %add3A_83 : vector<4x50xf32>
    %slice3A = vector.extract_strided_slice %add3A_84 {offsets = [0, 0], sizes = [1, 50], strides = [1, 1]} : vector<4x50xf32> to vector<1x50xf32>
    %add3A_85 = vector.broadcast %slice3A : vector<1x50xf32> to vector<2000x50xf32>
    %add3A_86 = arith.addf %dot_general3A_54, %add3A_85 : vector<2000x50xf32>
    %max3A = arith.constant 0.000000e+00 : f32
    %max3A_87 = vector.broadcast %max3A : f32 to vector<2000x50xf32>
    %max3A_88 = arith.maximumf %add3A_86, %max3A_87 : vector<2000x50xf32>
    %slice3A_89 = vector.extract_strided_slice %max3A_88 {offsets = [0, 0], sizes = [2000, 32], strides = [1, 1]} : vector<2000x50xf32> to vector<2000x32xf32>
    %swap3A_90 = arith.constant 0 : index
    %swap3A_91 = arith.constant 0 : index
    %swap3A_92 = arith.constant 0 : index
    %swap3A_93 = arith.constant 0 : index
    %swap3A_94 = vector.load %arg17[%swap3A_90, %swap3A_91, %swap3A_92, %swap3A_93] : memref<2x4x2000x32xf32, #tpu.memory_space<vmem>>, vector<1x1x2000x32xf32>
    %swap3A_95 = vector.shape_cast %swap3A_94 : vector<1x1x2000x32xf32> to vector<2000x32xf32>
    %swap3A_96 = vector.shape_cast %slice3A_89 : vector<2000x32xf32> to vector<1x1x2000x32xf32>
    tpu.vector_store %arg17[%swap3A_90, %swap3A_91, %swap3A_92, %swap3A_93], %swap3A_96 {strides = array<i32>} : memref<2x4x2000x32xf32, #tpu.memory_space<vmem>>, vector<1x1x2000x32xf32>,
    %slice3A_97 = vector.extract_strided_slice %max3A_88 {offsets = [0, 18], sizes = [2000, 32], strides = [1, 1]} : vector<2000x50xf32> to vector<2000x32xf32>
    %swap3A_98 = arith.constant 1 : index
    %swap3A_99 = arith.constant 0 : index
    %swap3A_100 = arith.constant 0 : index
    %swap3A_101 = arith.constant 0 : index
    %swap3A_102 = vector.load %arg17[%swap3A_98, %swap3A_99, %swap3A_100, %swap3A_101] : memref<2x4x2000x32xf32, #tpu.memory_space<vmem>>, vector<1x1x2000x32xf32>
    %swap3A_103 = vector.shape_cast %swap3A_102 : vector<1x1x2000x32xf32> to vector<2000x32xf32>
    %swap3A_104 = vector.shape_cast %slice3A_97 : vector<2000x32xf32> to vector<1x1x2000x32xf32>
    tpu.vector_store %arg17[%swap3A_98, %swap3A_99, %swap3A_100, %swap3A_101], %swap3A_104 {strides = array<i32>} : memref<2x4x2000x32xf32, #tpu.memory_space<vmem>>, vector<1x1x2000x32xf32>,
    %slice3A_105 = vector.extract_strided_slice %add3A_84 {offsets = [1, 0], sizes = [1, 50], strides = [1, 1]} : vector<4x50xf32> to vector<1x50xf32>
    %add3A_106 = vector.broadcast %slice3A_105 : vector<1x50xf32> to vector<2000x50xf32>
    %add3A_107 = arith.addf %dot_general3A_54, %add3A_106 : vector<2000x50xf32>
    %max3A_108 = arith.constant 0.000000e+00 : f32
    %max3A_109 = vector.broadcast %max3A_108 : f32 to vector<2000x50xf32>
    %max3A_110 = arith.maximumf %add3A_107, %max3A_109 : vector<2000x50xf32>
    %slice3A_111 = vector.extract_strided_slice %max3A_110 {offsets = [0, 0], sizes = [2000, 32], strides = [1, 1]} : vector<2000x50xf32> to vector<2000x32xf32>
    %swap3A_112 = arith.constant 0 : index
    %swap3A_113 = arith.constant 1 : index
    %swap3A_114 = arith.constant 0 : index
    %swap3A_115 = arith.constant 0 : index
    %swap3A_116 = vector.load %arg17[%swap3A_112, %swap3A_113, %swap3A_114, %swap3A_115] : memref<2x4x2000x32xf32, #tpu.memory_space<vmem>>, vector<1x1x2000x32xf32>
    %swap3A_117 = vector.shape_cast %swap3A_116 : vector<1x1x2000x32xf32> to vector<2000x32xf32>
    %swap3A_118 = vector.shape_cast %slice3A_111 : vector<2000x32xf32> to vector<1x1x2000x32xf32>
    tpu.vector_store %arg17[%swap3A_112, %swap3A_113, %swap3A_114, %swap3A_115], %swap3A_118 {strides = array<i32>} : memref<2x4x2000x32xf32, #tpu.memory_space<vmem>>, vector<1x1x2000x32xf32>,
    %slice3A_119 = vector.extract_strided_slice %max3A_110 {offsets = [0, 18], sizes = [2000, 32], strides = [1, 1]} : vector<2000x50xf32> to vector<2000x32xf32>
    %swap3A_120 = arith.constant 1 : index
    %swap3A_121 = arith.constant 1 : index
    %swap3A_122 = arith.constant 0 : index
    %swap3A_123 = arith.constant 0 : index
    %swap3A_124 = vector.load %arg17[%swap3A_120, %swap3A_121, %swap3A_122, %swap3A_123] : memref<2x4x2000x32xf32, #tpu.memory_space<vmem>>, vector<1x1x2000x32xf32>
    %swap3A_125 = vector.shape_cast %swap3A_124 : vector<1x1x2000x32xf32> to vector<2000x32xf32>
    %swap3A_126 = vector.shape_cast %slice3A_119 : vector<2000x32xf32> to vector<1x1x2000x32xf32>
    tpu.vector_store %arg17[%swap3A_120, %swap3A_121, %swap3A_122, %swap3A_123], %swap3A_126 {strides = array<i32>} : memref<2x4x2000x32xf32, #tpu.memory_space<vmem>>, vector<1x1x2000x32xf32>,
    %slice3A_127 = vector.extract_strided_slice %add3A_84 {offsets = [2, 0], sizes = [1, 50], strides = [1, 1]} : vector<4x50xf32> to vector<1x50xf32>
    %add3A_128 = vector.broadcast %slice3A_127 : vector<1x50xf32> to vector<2000x50xf32>
    %add3A_129 = arith.addf %dot_general3A_54, %add3A_128 : vector<2000x50xf32>
    %max3A_130 = arith.constant 0.000000e+00 : f32
    %max3A_131 = vector.broadcast %max3A_130 : f32 to vector<2000x50xf32>
    %max3A_132 = arith.maximumf %add3A_129, %max3A_131 : vector<2000x50xf32>
    %slice3A_133 = vector.extract_strided_slice %max3A_132 {offsets = [0, 0], sizes = [2000, 32], strides = [1, 1]} : vector<2000x50xf32> to vector<2000x32xf32>
    %swap3A_134 = arith.constant 0 : index
    %swap3A_135 = arith.constant 2 : index
    %swap3A_136 = arith.constant 0 : index
    %swap3A_137 = arith.constant 0 : index
    %swap3A_138 = vector.load %arg17[%swap3A_134, %swap3A_135, %swap3A_136, %swap3A_137] : memref<2x4x2000x32xf32, #tpu.memory_space<vmem>>, vector<1x1x2000x32xf32>
    %swap3A_139 = vector.shape_cast %swap3A_138 : vector<1x1x2000x32xf32> to vector<2000x32xf32>
    %swap3A_140 = vector.shape_cast %slice3A_133 : vector<2000x32xf32> to vector<1x1x2000x32xf32>
    tpu.vector_store %arg17[%swap3A_134, %swap3A_135, %swap3A_136, %swap3A_137], %swap3A_140 {strides = array<i32>} : memref<2x4x2000x32xf32, #tpu.memory_space<vmem>>, vector<1x1x2000x32xf32>,
    %slice3A_141 = vector.extract_strided_slice %max3A_132 {offsets = [0, 18], sizes = [2000, 32], strides = [1, 1]} : vector<2000x50xf32> to vector<2000x32xf32>
    %swap3A_142 = arith.constant 1 : index
    %swap3A_143 = arith.constant 2 : index
    %swap3A_144 = arith.constant 0 : index
    %swap3A_145 = arith.constant 0 : index
    %swap3A_146 = vector.load %arg17[%swap3A_142, %swap3A_143, %swap3A_144, %swap3A_145] : memref<2x4x2000x32xf32, #tpu.memory_space<vmem>>, vector<1x1x2000x32xf32>
    %swap3A_147 = vector.shape_cast %swap3A_146 : vector<1x1x2000x32xf32> to vector<2000x32xf32>
    %swap3A_148 = vector.shape_cast %slice3A_141 : vector<2000x32xf32> to vector<1x1x2000x32xf32>
    tpu.vector_store %arg17[%swap3A_142, %swap3A_143, %swap3A_144, %swap3A_145], %swap3A_148 {strides = array<i32>} : memref<2x4x2000x32xf32, #tpu.memory_space<vmem>>, vector<1x1x2000x32xf32>,
    %slice3A_149 = vector.extract_strided_slice %add3A_84 {offsets = [3, 0], sizes = [1, 50], strides = [1, 1]} : vector<4x50xf32> to vector<1x50xf32>
    %add3A_150 = vector.broadcast %slice3A_149 : vector<1x50xf32> to vector<2000x50xf32>
    %add3A_151 = arith.addf %dot_general3A_54, %add3A_150 : vector<2000x50xf32>
    %max3A_152 = arith.constant 0.000000e+00 : f32
    %max3A_153 = vector.broadcast %max3A_152 : f32 to vector<2000x50xf32>
    %max3A_154 = arith.maximumf %add3A_151, %max3A_153 : vector<2000x50xf32>
    %slice3A_155 = vector.extract_strided_slice %max3A_154 {offsets = [0, 0], sizes = [2000, 32], strides = [1, 1]} : vector<2000x50xf32> to vector<2000x32xf32>
    %swap3A_156 = arith.constant 0 : index
    %swap3A_157 = arith.constant 3 : index
    %swap3A_158 = arith.constant 0 : index
    %swap3A_159 = arith.constant 0 : index
    %swap3A_160 = vector.load %arg17[%swap3A_156, %swap3A_157, %swap3A_158, %swap3A_159] : memref<2x4x2000x32xf32, #tpu.memory_space<vmem>>, vector<1x1x2000x32xf32>
    %swap3A_161 = vector.shape_cast %swap3A_160 : vector<1x1x2000x32xf32> to vector<2000x32xf32>
    %swap3A_162 = vector.shape_cast %slice3A_155 : vector<2000x32xf32> to vector<1x1x2000x32xf32>
    tpu.vector_store %arg17[%swap3A_156, %swap3A_157, %swap3A_158, %swap3A_159], %swap3A_162 {strides = array<i32>} : memref<2x4x2000x32xf32, #tpu.memory_space<vmem>>, vector<1x1x2000x32xf32>,
    %slice3A_163 = vector.extract_strided_slice %max3A_154 {offsets = [0, 18], sizes = [2000, 32], strides = [1, 1]} : vector<2000x50xf32> to vector<2000x32xf32>
    %swap3A_164 = arith.constant 1 : index
    %swap3A_165 = arith.constant 3 : index
    %swap3A_166 = arith.constant 0 : index
    %swap3A_167 = arith.constant 0 : index
    %swap3A_168 = vector.load %arg17[%swap3A_164, %swap3A_165, %swap3A_166, %swap3A_167] : memref<2x4x2000x32xf32, #tpu.memory_space<vmem>>, vector<1x1x2000x32xf32>
    %swap3A_169 = vector.shape_cast %swap3A_168 : vector<1x1x2000x32xf32> to vector<2000x32xf32>
    %swap3A_170 = vector.shape_cast %slice3A_163 : vector<2000x32xf32> to vector<1x1x2000x32xf32>
    tpu.vector_store %arg17[%swap3A_164, %swap3A_165, %swap3A_166, %swap3A_167], %swap3A_170 {strides = array<i32>} : memref<2x4x2000x32xf32, #tpu.memory_space<vmem>>, vector<1x1x2000x32xf32>,
    %get3A_171 = arith.constant 4 : index
    %get3A_172 = arith.constant 0 : index
    %get3A_173 = vector.load %arg2[%get3A_171, %get3A_172] : memref<5x10xf32, #tpu.memory_space<vmem>>, vector<1x10xf32>
    %concatenate3A_174 = tpu.concatenate %get3A_173, %get3A_173, %get3A_173, %get3A_173, %get3A_173, %get3A_173, %get3A_173, %get3A_173, %get3A_173, %get3A_173 in 1 : vector<1x10xf32>, vector<1x10xf32>, vector<1x10xf32>, vector<1x10xf32>, vector<1x10xf32>, vector<1x10xf32>, vector<1x10xf32>, vector<1x10xf32>, vector<1x10xf32>, vector<1x10xf32> -> vector<1x100xf32>
    %get3A_175 = arith.constant 0 : index
    %get3A_176 = arith.constant 0 : index
    %get3A_177 = vector.load %arg14[%get3A_175, %get3A_176] : memref<120x100xf32, #tpu.memory_space<vmem>>, vector<120x100xf32>
    %dot_general3A_178 = arith.constant dense<0.000000e+00> : vector<2000x100xf32>
    %dot_general3A_179 = tpu.matmul %sin3A, %get3A_177, %dot_general3A_178 {dimension_numbers = #tpu.dot_dimension_numbers<[1], [0], [0], [1], [0, 0, 1, 1], [], []>, precision = #tpu.contract_precision<fp32>, transpose_lhs_hint = false} : vector<2000x120xf32>, vector<120x100xf32>, vector<2000x100xf32> -> vector<2000x100xf32>
    %get3A_180 = arith.constant 0 : index
    %get3A_181 = arith.constant 0 : index
    %get3A_182 = vector.load %arg15[%get3A_180, %get3A_181] : memref<1x100xf32, #tpu.memory_space<vmem>>, vector<1x100xf32>
    %add3A_183 = vector.broadcast %get3A_182 : vector<1x100xf32> to vector<2000x100xf32>
    %add3A_184 = arith.addf %dot_general3A_179, %add3A_183 : vector<2000x100xf32>
    %add3A_185 = vector.broadcast %concatenate3A_174 : vector<1x100xf32> to vector<2000x100xf32>
    %add3A_186 = arith.addf %add3A_184, %add3A_185 : vector<2000x100xf32>
    %swap3A_187 = arith.constant 0 : index
    %swap3A_188 = arith.constant 0 : index
    %swap3A_189 = vector.load %arg19[%swap3A_187, %swap3A_188] : memref<2000x100xf32, #tpu.memory_space<vmem>>, vector<2000x100xf32>
    tpu.vector_store %arg19[%swap3A_187, %swap3A_188], %add3A_186 {strides = array<i32>} : memref<2000x100xf32, #tpu.memory_space<vmem>>, vector<2000x100xf32>,
    %mul3A = arith.constant 0.000000e+00 : f32
    %mul3A_190 = vector.broadcast %mul3A : f32 to vector<1x10xf32>
    %mul3A_191 = arith.mulf %mul3A_190, %get3A_1 : vector<1x10xf32>
    %add3A_192 = arith.addf %mul3A_191, %get3A_4 : vector<1x10xf32>
    %sin3A_193 = math.sin %add3A_192 : vector<1x10xf32>
    %get3A_194 = arith.constant 2 : index
    %get3A_195 = arith.constant 0 : index
    %get3A_196 = vector.load %arg2[%get3A_194, %get3A_195] : memref<5x10xf32, #tpu.memory_space<vmem>>, vector<1x10xf32>
    %get3A_197 = vector.shape_cast %get3A_196 : vector<1x10xf32> to vector<10xf32>
    %broadcast_in_dim3A = vector.shape_cast %get3A_197 : vector<10xf32> to vector<1x10xf32>
    %add3A_198 = arith.addf %sin3A_193, %broadcast_in_dim3A : vector<1x10xf32>
    %mul3A_199 = arith.constant 1.000000e+00 : f32
    %mul3A_200 = vector.broadcast %mul3A_199 : f32 to vector<1x10xf32>
    %mul3A_201 = arith.mulf %mul3A_200, %get3A_1 : vector<1x10xf32>
    %add3A_202 = arith.addf %mul3A_201, %get3A_4 : vector<1x10xf32>
    %sin3A_203 = math.sin %add3A_202 : vector<1x10xf32>
    %get3A_204 = arith.constant 2 : index
    %get3A_205 = arith.constant 0 : index
    %get3A_206 = vector.load %arg2[%get3A_204, %get3A_205] : memref<5x10xf32, #tpu.memory_space<vmem>>, vector<1x10xf32>
    %get3A_207 = vector.shape_cast %get3A_206 : vector<1x10xf32> to vector<10xf32>
    %broadcast_in_dim3A_208 = vector.shape_cast %get3A_207 : vector<10xf32> to vector<1x10xf32>
    %add3A_209 = arith.addf %sin3A_203, %broadcast_in_dim3A_208 : vector<1x10xf32>
    %mul3A_210 = arith.constant 2.000000e+00 : f32
    %mul3A_211 = vector.broadcast %mul3A_210 : f32 to vector<1x10xf32>
    %mul3A_212 = arith.mulf %mul3A_211, %get3A_1 : vector<1x10xf32>
    %add3A_213 = arith.addf %mul3A_212, %get3A_4 : vector<1x10xf32>
    %sin3A_214 = math.sin %add3A_213 : vector<1x10xf32>
    %get3A_215 = arith.constant 2 : index
    %get3A_216 = arith.constant 0 : index
    %get3A_217 = vector.load %arg2[%get3A_215, %get3A_216] : memref<5x10xf32, #tpu.memory_space<vmem>>, vector<1x10xf32>
    %get3A_218 = vector.shape_cast %get3A_217 : vector<1x10xf32> to vector<10xf32>
    %broadcast_in_dim3A_219 = vector.shape_cast %get3A_218 : vector<10xf32> to vector<1x10xf32>
    %add3A_220 = arith.addf %sin3A_214, %broadcast_in_dim3A_219 : vector<1x10xf32>
    %mul3A_221 = arith.constant 3.000000e+00 : f32
    %mul3A_222 = vector.broadcast %mul3A_221 : f32 to vector<1x10xf32>
    %mul3A_223 = arith.mulf %mul3A_222, %get3A_1 : vector<1x10xf32>
    %add3A_224 = arith.addf %mul3A_223, %get3A_4 : vector<1x10xf32>
    %sin3A_225 = math.sin %add3A_224 : vector<1x10xf32>
    %get3A_226 = arith.constant 2 : index
    %get3A_227 = arith.constant 0 : index
    %get3A_228 = vector.load %arg2[%get3A_226, %get3A_227] : memref<5x10xf32, #tpu.memory_space<vmem>>, vector<1x10xf32>
    %get3A_229 = vector.shape_cast %get3A_228 : vector<1x10xf32> to vector<10xf32>
    %broadcast_in_dim3A_230 = vector.shape_cast %get3A_229 : vector<10xf32> to vector<1x10xf32>
    %add3A_231 = arith.addf %sin3A_225, %broadcast_in_dim3A_230 : vector<1x10xf32>
    %mul3A_232 = arith.constant 4.000000e+00 : f32
    %mul3A_233 = vector.broadcast %mul3A_232 : f32 to vector<1x10xf32>
    %mul3A_234 = arith.mulf %mul3A_233, %get3A_1 : vector<1x10xf32>
    %add3A_235 = arith.addf %mul3A_234, %get3A_4 : vector<1x10xf32>
    %sin3A_236 = math.sin %add3A_235 : vector<1x10xf32>
    %get3A_237 = arith.constant 2 : index
    %get3A_238 = arith.constant 0 : index
    %get3A_239 = vector.load %arg2[%get3A_237, %get3A_238] : memref<5x10xf32, #tpu.memory_space<vmem>>, vector<1x10xf32>
    %get3A_240 = vector.shape_cast %get3A_239 : vector<1x10xf32> to vector<10xf32>
    %broadcast_in_dim3A_241 = vector.shape_cast %get3A_240 : vector<10xf32> to vector<1x10xf32>
    %add3A_242 = arith.addf %sin3A_236, %broadcast_in_dim3A_241 : vector<1x10xf32>
    %mul3A_243 = arith.constant 5.000000e+00 : f32
    %mul3A_244 = vector.broadcast %mul3A_243 : f32 to vector<1x10xf32>
    %mul3A_245 = arith.mulf %mul3A_244, %get3A_1 : vector<1x10xf32>
    %add3A_246 = arith.addf %mul3A_245, %get3A_4 : vector<1x10xf32>
    %sin3A_247 = math.sin %add3A_246 : vector<1x10xf32>
    %get3A_248 = arith.constant 2 : index
    %get3A_249 = arith.constant 0 : index
    %get3A_250 = vector.load %arg2[%get3A_248, %get3A_249] : memref<5x10xf32, #tpu.memory_space<vmem>>, vector<1x10xf32>
    %get3A_251 = vector.shape_cast %get3A_250 : vector<1x10xf32> to vector<10xf32>
    %broadcast_in_dim3A_252 = vector.shape_cast %get3A_251 : vector<10xf32> to vector<1x10xf32>
    %add3A_253 = arith.addf %sin3A_247, %broadcast_in_dim3A_252 : vector<1x10xf32>
    %mul3A_254 = arith.constant 6.000000e+00 : f32
    %mul3A_255 = vector.broadcast %mul3A_254 : f32 to vector<1x10xf32>
    %mul3A_256 = arith.mulf %mul3A_255, %get3A_1 : vector<1x10xf32>
    %add3A_257 = arith.addf %mul3A_256, %get3A_4 : vector<1x10xf32>
    %sin3A_258 = math.sin %add3A_257 : vector<1x10xf32>
    %get3A_259 = arith.constant 2 : index
    %get3A_260 = arith.constant 0 : index
    %get3A_261 = vector.load %arg2[%get3A_259, %get3A_260] : memref<5x10xf32, #tpu.memory_space<vmem>>, vector<1x10xf32>
    %get3A_262 = vector.shape_cast %get3A_261 : vector<1x10xf32> to vector<10xf32>
    %broadcast_in_dim3A_263 = vector.shape_cast %get3A_262 : vector<10xf32> to vector<1x10xf32>
    %add3A_264 = arith.addf %sin3A_258, %broadcast_in_dim3A_263 : vector<1x10xf32>
    %mul3A_265 = arith.constant 7.000000e+00 : f32
    %mul3A_266 = vector.broadcast %mul3A_265 : f32 to vector<1x10xf32>
    %mul3A_267 = arith.mulf %mul3A_266, %get3A_1 : vector<1x10xf32>
    %add3A_268 = arith.addf %mul3A_267, %get3A_4 : vector<1x10xf32>
    %sin3A_269 = math.sin %add3A_268 : vector<1x10xf32>
    %get3A_270 = arith.constant 2 : index
    %get3A_271 = arith.constant 0 : index
    %get3A_272 = vector.load %arg2[%get3A_270, %get3A_271] : memref<5x10xf32, #tpu.memory_space<vmem>>, vector<1x10xf32>
    %get3A_273 = vector.shape_cast %get3A_272 : vector<1x10xf32> to vector<10xf32>
    %broadcast_in_dim3A_274 = vector.shape_cast %get3A_273 : vector<10xf32> to vector<1x10xf32>
    %add3A_275 = arith.addf %sin3A_269, %broadcast_in_dim3A_274 : vector<1x10xf32>
    %mul3A_276 = arith.constant 8.000000e+00 : f32
    %mul3A_277 = vector.broadcast %mul3A_276 : f32 to vector<1x10xf32>
    %mul3A_278 = arith.mulf %mul3A_277, %get3A_1 : vector<1x10xf32>
    %add3A_279 = arith.addf %mul3A_278, %get3A_4 : vector<1x10xf32>
    %sin3A_280 = math.sin %add3A_279 : vector<1x10xf32>
    %get3A_281 = arith.constant 2 : index
    %get3A_282 = arith.constant 0 : index
    %get3A_283 = vector.load %arg2[%get3A_281, %get3A_282] : memref<5x10xf32, #tpu.memory_space<vmem>>, vector<1x10xf32>
    %get3A_284 = vector.shape_cast %get3A_283 : vector<1x10xf32> to vector<10xf32>
    %broadcast_in_dim3A_285 = vector.shape_cast %get3A_284 : vector<10xf32> to vector<1x10xf32>
    %add3A_286 = arith.addf %sin3A_280, %broadcast_in_dim3A_285 : vector<1x10xf32>
    %mul3A_287 = arith.constant 9.000000e+00 : f32
    %mul3A_288 = vector.broadcast %mul3A_287 : f32 to vector<1x10xf32>
    %mul3A_289 = arith.mulf %mul3A_288, %get3A_1 : vector<1x10xf32>
    %add3A_290 = arith.addf %mul3A_289, %get3A_4 : vector<1x10xf32>
    %sin3A_291 = math.sin %add3A_290 : vector<1x10xf32>
    %get3A_292 = arith.constant 2 : index
    %get3A_293 = arith.constant 0 : index
    %get3A_294 = vector.load %arg2[%get3A_292, %get3A_293] : memref<5x10xf32, #tpu.memory_space<vmem>>, vector<1x10xf32>
    %get3A_295 = vector.shape_cast %get3A_294 : vector<1x10xf32> to vector<10xf32>
    %broadcast_in_dim3A_296 = vector.shape_cast %get3A_295 : vector<10xf32> to vector<1x10xf32>
    %add3A_297 = arith.addf %sin3A_291, %broadcast_in_dim3A_296 : vector<1x10xf32>
    %concatenate3A_298 = tpu.concatenate %add3A_198, %add3A_209, %add3A_220, %add3A_231, %add3A_242, %add3A_253, %add3A_264, %add3A_275, %add3A_286, %add3A_297 in 0 : vector<1x10xf32>, vector<1x10xf32>, vector<1x10xf32>, vector<1x10xf32>, vector<1x10xf32>, vector<1x10xf32>, vector<1x10xf32>, vector<1x10xf32>, vector<1x10xf32>, vector<1x10xf32> -> vector<10x10xf32>
    %swap3A_299 = arith.constant 0 : index
    %swap3A_300 = arith.constant 0 : index
    %swap3A_301 = vector.load %arg18[%swap3A_299, %swap3A_300] : memref<10x10xf32, #tpu.memory_space<vmem>>, vector<10x10xf32>
    tpu.vector_store %arg18[%swap3A_299, %swap3A_300], %concatenate3A_298 {strides = array<i32>} : memref<10x10xf32, #tpu.memory_space<vmem>>, vector<10x10xf32>,
    return
  }
  func.func @transform_0(%arg0: i32) -> (i32, i32) {
    %c0_i32 = arith.constant 0 : i32
    %c0_i32_0 = arith.constant 0 : i32
    return %arg0, %c0_i32 : i32, i32
  }
  func.func @transform_1(%arg0: i32) -> (i32, i32) {
    %c0_i32 = arith.constant 0 : i32
    %c0_i32_0 = arith.constant 0 : i32
    %c0_i32_1 = arith.constant 0 : i32
    return %c0_i32, %c0_i32_0 : i32, i32
  }
  func.func @transform_2(%arg0: i32) -> (i32, i32) {
    %c0_i32 = arith.constant 0 : i32
    %c0_i32_0 = arith.constant 0 : i32
    %c0_i32_1 = arith.constant 0 : i32
    return %c0_i32, %c0_i32_0 : i32, i32
  }
  func.func @transform_3(%arg0: i32) -> (i32, i32) {
    %c0_i32 = arith.constant 0 : i32
    %c0_i32_0 = arith.constant 0 : i32
    %c0_i32_1 = arith.constant 0 : i32
    return %c0_i32, %c0_i32_0 : i32, i32
  }
  func.func @transform_4(%arg0: i32) -> (i32, i32) {
    %c0_i32 = arith.constant 0 : i32
    %c0_i32_0 = arith.constant 0 : i32
    %c0_i32_1 = arith.constant 0 : i32
    return %c0_i32, %c0_i32_0 : i32, i32
  }
  func.func @transform_5(%arg0: i32) -> (i32, i32) {
    %c0_i32 = arith.constant 0 : i32
    %c0_i32_0 = arith.constant 0 : i32
    %c0_i32_1 = arith.constant 0 : i32
    return %c0_i32, %c0_i32_0 : i32, i32
  }
  func.func @transform_6(%arg0: i32) -> (i32, i32) {
    %c0_i32 = arith.constant 0 : i32
    %c0_i32_0 = arith.constant 0 : i32
    %c0_i32_1 = arith.constant 0 : i32
    return %c0_i32, %c0_i32_0 : i32, i32
  }
  func.func @transform_7(%arg0: i32) -> (i32, i32) {
    %c0_i32 = arith.constant 0 : i32
    %c0_i32_0 = arith.constant 0 : i32
    %c0_i32_1 = arith.constant 0 : i32
    return %c0_i32, %c0_i32_0 : i32, i32
  }
  func.func @transform_8(%arg0: i32) -> (i32, i32) {
    %c0_i32 = arith.constant 0 : i32
    %c0_i32_0 = arith.constant 0 : i32
    %c0_i32_1 = arith.constant 0 : i32
    return %c0_i32, %c0_i32_0 : i32, i32
  }
  func.func @transform_9(%arg0: i32) -> (i32, i32) {
    %c0_i32 = arith.constant 0 : i32
    %c0_i32_0 = arith.constant 0 : i32
    %c0_i32_1 = arith.constant 0 : i32
    return %c0_i32, %c0_i32_0 : i32, i32
  }
  func.func @transform_10(%arg0: i32) -> (i32, i32) {
    %c0_i32 = arith.constant 0 : i32
    %c0_i32_0 = arith.constant 0 : i32
    %c0_i32_1 = arith.constant 0 : i32
    return %c0_i32, %c0_i32_0 : i32, i32
  }
  func.func @transform_11(%arg0: i32) -> (i32, i32) {
    %c0_i32 = arith.constant 0 : i32
    %c0_i32_0 = arith.constant 0 : i32
    %c0_i32_1 = arith.constant 0 : i32
    return %c0_i32, %c0_i32_0 : i32, i32
  }
  func.func @transform_12(%arg0: i32) -> (i32, i32) {
    %c0_i32 = arith.constant 0 : i32
    %c0_i32_0 = arith.constant 0 : i32
    %c0_i32_1 = arith.constant 0 : i32
    return %c0_i32, %c0_i32_0 : i32, i32
  }
  func.func @transform_13(%arg0: i32) -> (i32, i32) {
    %c0_i32 = arith.constant 0 : i32
    %c0_i32_0 = arith.constant 0 : i32
    %c0_i32_1 = arith.constant 0 : i32
    return %c0_i32, %c0_i32_0 : i32, i32
  }
  func.func @transform_14(%arg0: i32) -> (i32, i32) {
    %c0_i32 = arith.constant 0 : i32
    %c0_i32_0 = arith.constant 0 : i32
    %c0_i32_1 = arith.constant 0 : i32
    return %c0_i32, %c0_i32_0 : i32, i32
  }
  func.func @transform_15(%arg0: i32) -> (i32, i32) {
    %c0_i32 = arith.constant 0 : i32
    %c0_i32_0 = arith.constant 0 : i32
    return %arg0, %c0_i32 : i32, i32
  }
  func.func @transform_16(%arg0: i32) -> (i32, i32, i32, i32) {
    %c0_i32 = arith.constant 0 : i32
    %c0_i32_0 = arith.constant 0 : i32
    %c0_i32_1 = arith.constant 0 : i32
    %c0_i32_2 = arith.constant 0 : i32
    return %c0_i32, %c0_i32_0, %arg0, %c0_i32_1 : i32, i32, i32, i32
  }
  func.func @transform_17(%arg0: i32) -> (i32, i32) {
    %c0_i32 = arith.constant 0 : i32
    %c0_i32_0 = arith.constant 0 : i32
    %c0_i32_1 = arith.constant 0 : i32
    return %c0_i32, %c0_i32_0 : i32, i32
  }
  func.func @transform_18(%arg0: i32) -> (i32, i32) {
    %c0_i32 = arith.constant 0 : i32
    %c0_i32_0 = arith.constant 0 : i32
    return %arg0, %c0_i32 : i32, i32
  }
}

module attributes {stable_mosaic.version = 14 : i64} {
  func.func @_edge_body(%arg0: i32, %arg1: memref<4x112x128xi32, #tpu.memory_space<vmem>>, %arg2: memref<2x112x128xi32, #tpu.memory_space<vmem>>, %arg3: memref<112x128xi32, #tpu.memory_space<vmem>>) attributes {dimension_semantics = [#tpu.dimension_semantics<arbitrary>], iteration_bounds = array<i64: 112>, scalar_prefetch = 0 : i64, scratch_operands = 0 : i64, tpu.core_type = #tpu.core_type<tc>, window_params = [{transform_indices = @transform_0, window_bounds = array<i64: 4, 112, 128>}, {transform_indices = @transform_1, window_bounds = array<i64: 2, 112, 128>}, {transform_indices = @transform_2, window_bounds = array<i64: 112, 128>}]} {
    %get3A = arith.constant 0 : index
    %get3A_0 = arith.constant 0 : index
    %get3A_1 = arith.constant 0 : index
    %get3A_2 = vector.load %arg1[%get3A, %get3A_0, %get3A_1] : memref<4x112x128xi32, #tpu.memory_space<vmem>>, vector<1x112x128xi32>
    %get3A_3 = vector.shape_cast %get3A_2 : vector<1x112x128xi32> to vector<112x128xi32>
    %get3A_4 = arith.constant 1 : index
    %get3A_5 = arith.constant 0 : index
    %get3A_6 = arith.constant 0 : index
    %get3A_7 = vector.load %arg1[%get3A_4, %get3A_5, %get3A_6] : memref<4x112x128xi32, #tpu.memory_space<vmem>>, vector<1x112x128xi32>
    %get3A_8 = vector.shape_cast %get3A_7 : vector<1x112x128xi32> to vector<112x128xi32>
    %get3A_9 = arith.constant 2 : index
    %get3A_10 = arith.constant 0 : index
    %get3A_11 = arith.constant 0 : index
    %get3A_12 = vector.load %arg1[%get3A_9, %get3A_10, %get3A_11] : memref<4x112x128xi32, #tpu.memory_space<vmem>>, vector<1x112x128xi32>
    %get3A_13 = vector.shape_cast %get3A_12 : vector<1x112x128xi32> to vector<112x128xi32>
    %get3A_14 = arith.constant 3 : index
    %get3A_15 = arith.constant 0 : index
    %get3A_16 = arith.constant 0 : index
    %get3A_17 = vector.load %arg1[%get3A_14, %get3A_15, %get3A_16] : memref<4x112x128xi32, #tpu.memory_space<vmem>>, vector<1x112x128xi32>
    %get3A_18 = vector.shape_cast %get3A_17 : vector<1x112x128xi32> to vector<112x128xi32>
    %mul3A = arith.constant 112 : i32
    %mul3A_19 = arith.muli %arg0, %mul3A : i32
    %iota3A = tpu.iota {dimensions = array<i32: 0>} : vector<112x128xi32>
    %add3A = vector.broadcast %mul3A_19 : i32 to vector<112x128xi32>
    %add3A_20 = arith.addi %add3A, %iota3A : vector<112x128xi32>
    %lt3A = arith.constant 12500 : i32
    %lt3A_21 = vector.broadcast %lt3A : i32 to vector<112x128xi32>
    %lt3A_22 = arith.cmpi slt, %add3A_20, %lt3A_21 : vector<112x128xi32>
    %mul3A_23 = arith.constant 2 : i32
    %mul3A_24 = vector.broadcast %mul3A_23 : i32 to vector<112x128xi32>
    %mul3A_25 = arith.muli %get3A_13, %mul3A_24 : vector<112x128xi32>
    %add3A_26 = arith.addi %mul3A_25, %get3A_18 : vector<112x128xi32>
    %mul3A_27 = arith.constant 50000 : i32
    %mul3A_28 = vector.broadcast %mul3A_27 : i32 to vector<112x128xi32>
    %mul3A_29 = arith.muli %add3A_26, %mul3A_28 : vector<112x128xi32>
    %add3A_30 = arith.addi %mul3A_29, %get3A_3 : vector<112x128xi32>
    %jit3A = arith.constant 0 : i32
    %broadcast_in_dim3A = vector.broadcast %jit3A : i32 to vector<112x128xi32>
    %select_n3A = arith.select %lt3A_22, %add3A_30, %broadcast_in_dim3A : vector<112x128xi1>, vector<112x128xi32>
    %swap3A = arith.constant 0 : index
    %swap3A_31 = arith.constant 0 : index
    %swap3A_32 = arith.constant 0 : index
    %swap3A_33 = vector.load %arg2[%swap3A, %swap3A_31, %swap3A_32] : memref<2x112x128xi32, #tpu.memory_space<vmem>>, vector<1x112x128xi32>
    %swap3A_34 = vector.shape_cast %swap3A_33 : vector<1x112x128xi32> to vector<112x128xi32>
    %swap3A_35 = vector.shape_cast %select_n3A : vector<112x128xi32> to vector<1x112x128xi32>
    tpu.vector_store %arg2[%swap3A, %swap3A_31, %swap3A_32], %swap3A_35 {strides = array<i32>} : memref<2x112x128xi32, #tpu.memory_space<vmem>>, vector<1x112x128xi32>,
    %add3A_36 = arith.constant 200000 : i32
    %add3A_37 = vector.broadcast %add3A_36 : i32 to vector<112x128xi32>
    %add3A_38 = arith.addi %select_n3A, %add3A_37 : vector<112x128xi32>
    %swap3A_39 = arith.constant 1 : index
    %swap3A_40 = arith.constant 0 : index
    %swap3A_41 = arith.constant 0 : index
    %swap3A_42 = vector.load %arg2[%swap3A_39, %swap3A_40, %swap3A_41] : memref<2x112x128xi32, #tpu.memory_space<vmem>>, vector<1x112x128xi32>
    %swap3A_43 = vector.shape_cast %swap3A_42 : vector<1x112x128xi32> to vector<112x128xi32>
    %swap3A_44 = vector.shape_cast %add3A_38 : vector<112x128xi32> to vector<1x112x128xi32>
    tpu.vector_store %arg2[%swap3A_39, %swap3A_40, %swap3A_41], %swap3A_44 {strides = array<i32>} : memref<2x112x128xi32, #tpu.memory_space<vmem>>, vector<1x112x128xi32>,
    %jit3A_45 = arith.constant 50000 : i32
    %broadcast_in_dim3A_46 = vector.broadcast %jit3A_45 : i32 to vector<112x128xi32>
    %select_n3A_47 = arith.select %lt3A_22, %get3A_8, %broadcast_in_dim3A_46 : vector<112x128xi1>, vector<112x128xi32>
    %swap3A_48 = arith.constant 0 : index
    %swap3A_49 = arith.constant 0 : index
    %swap3A_50 = vector.load %arg3[%swap3A_48, %swap3A_49] : memref<112x128xi32, #tpu.memory_space<vmem>>, vector<112x128xi32>
    tpu.vector_store %arg3[%swap3A_48, %swap3A_49], %select_n3A_47 {strides = array<i32>} : memref<112x128xi32, #tpu.memory_space<vmem>>, vector<112x128xi32>,
    return
  }
  func.func @transform_0(%arg0: i32) -> (i32, i32, i32) {
    %c0_i32 = arith.constant 0 : i32
    %c0_i32_0 = arith.constant 0 : i32
    %c0_i32_1 = arith.constant 0 : i32
    return %c0_i32, %arg0, %c0_i32_0 : i32, i32, i32
  }
  func.func @transform_1(%arg0: i32) -> (i32, i32, i32) {
    %c0_i32 = arith.constant 0 : i32
    %c0_i32_0 = arith.constant 0 : i32
    %c0_i32_1 = arith.constant 0 : i32
    return %c0_i32, %arg0, %c0_i32_0 : i32, i32, i32
  }
  func.func @transform_2(%arg0: i32) -> (i32, i32) {
    %c0_i32 = arith.constant 0 : i32
    %c0_i32_0 = arith.constant 0 : i32
    return %arg0, %c0_i32 : i32, i32
  }
}

module attributes {stable_mosaic.version = 14 : i64} {
  func.func @_final_body(%arg0: i32, %arg1: memref<2000x50xf32, #tpu.memory_space<vmem>>, %arg2: memref<2x2000x32xf32, #tpu.memory_space<vmem>>, %arg3: memref<2000x50xf32, #tpu.memory_space<vmem>>) attributes {dimension_semantics = [#tpu.dimension_semantics<arbitrary>], iteration_bounds = array<i64: 25>, scalar_prefetch = 0 : i64, scratch_operands = 0 : i64, tpu.core_type = #tpu.core_type<tc>, window_params = [{transform_indices = @transform_0, window_bounds = array<i64: 2000, 50>}, {transform_indices = @transform_1, window_bounds = array<i64: 2, 2000, 32>}, {transform_indices = @transform_2, window_bounds = array<i64: 2000, 50>}]} {
    %get3A = arith.constant 0 : index
    %get3A_0 = arith.constant 0 : index
    %get3A_1 = arith.constant 0 : index
    %get3A_2 = vector.load %arg2[%get3A, %get3A_0, %get3A_1] : memref<2x2000x32xf32, #tpu.memory_space<vmem>>, vector<1x2000x25xf32>
    %get3A_3 = vector.shape_cast %get3A_2 : vector<1x2000x25xf32> to vector<2000x25xf32>
    %get3A_4 = arith.constant 1 : index
    %get3A_5 = arith.constant 0 : index
    %get3A_6 = arith.constant 7 : index
    %get3A_7 = vector.load %arg2[%get3A_4, %get3A_5, %get3A_6] : memref<2x2000x32xf32, #tpu.memory_space<vmem>>, vector<1x2000x25xf32>
    %get3A_8 = vector.shape_cast %get3A_7 : vector<1x2000x25xf32> to vector<2000x25xf32>
    %concatenate3A = tpu.concatenate %get3A_3, %get3A_8 in 1 : vector<2000x25xf32>, vector<2000x25xf32> -> vector<2000x50xf32>
    %get3A_9 = arith.constant 0 : index
    %get3A_10 = arith.constant 0 : index
    %get3A_11 = vector.load %arg1[%get3A_9, %get3A_10] : memref<2000x50xf32, #tpu.memory_space<vmem>>, vector<2000x50xf32>
    %add3A = arith.addf %get3A_11, %concatenate3A : vector<2000x50xf32>
    %max3A = arith.constant 0.000000e+00 : f32
    %max3A_12 = vector.broadcast %max3A : f32 to vector<2000x50xf32>
    %max3A_13 = arith.maximumf %add3A, %max3A_12 : vector<2000x50xf32>
    %swap3A = arith.constant 0 : index
    %swap3A_14 = arith.constant 0 : index
    %swap3A_15 = vector.load %arg3[%swap3A, %swap3A_14] : memref<2000x50xf32, #tpu.memory_space<vmem>>, vector<2000x50xf32>
    tpu.vector_store %arg3[%swap3A, %swap3A_14], %max3A_13 {strides = array<i32>} : memref<2000x50xf32, #tpu.memory_space<vmem>>, vector<2000x50xf32>,
    return
  }
  func.func @transform_0(%arg0: i32) -> (i32, i32) {
    %c0_i32 = arith.constant 0 : i32
    %c0_i32_0 = arith.constant 0 : i32
    return %arg0, %c0_i32 : i32, i32
  }
  func.func @transform_1(%arg0: i32) -> (i32, i32, i32) {
    %c0_i32 = arith.constant 0 : i32
    %c0_i32_0 = arith.constant 0 : i32
    %c0_i32_1 = arith.constant 0 : i32
    return %c0_i32, %arg0, %c0_i32_0 : i32, i32, i32
  }
  func.func @transform_2(%arg0: i32) -> (i32, i32) {
    %c0_i32 = arith.constant 0 : i32
    %c0_i32_0 = arith.constant 0 : i32
    return %arg0, %c0_i32 : i32, i32
  }
}

</mosaic_0001>

<sc_bundles>
// kernel: kernel.6.cloned.1.call-start
scs
__scs_entry_jumppad:
0x0: {  	(pc) =	sbr.rel $0x88, $3  }
0x1: {  	(tag) =	ssettag $0x0;
	lr =	simm.s32 $0x1  }
0x2: {  	[smem:$0x3F98] =	sst lr;
	_ =	strace $0xD0000000  }
0x3: {  	_ = 	snop  }
0x4: {  	_ = 	snop  }
0x5: {  	_ = 	snop  }
0x6: {  	_ = 	snop  }
0x7: {  	_ = 	snop  }
__scs_overlays_trampoline_lowered:
0x8: {  	[smem:$0x3FA7] =	sst s0  }
0x9: {  	[smem:$0x3FA8] =	sst s1  }
0xa: {  	[smem:$0x3FA9] =	sst s2  }
0xb: {  	[smem:$0x3FAA] =	sst s3  }
0xc: {  	[smem:$0x3FAB] =	sst s4  }
0xd: {  	[smem:$0x3FAC] =	sst s5  }
0xe: {  	[smem:$0x3FAD] =	sst s6  }
0xf: {  	[smem:$0x3FAE] =	sst s7  }
0x10: {  	[smem:$0x3FAF] =	sst s8  }
0x11: {  	[smem:$0x3FB0] =	sst s9;
	s0 =	simm.s32 @!p0 $0x0  }
0x12: {  	s1 =	sld [smem:$0x3F96];
	s0 =	simm.s32 @p0 $0x1  }
0x13: {  	[smem:$0x3FB1] =	sst s0;
	s0 =	simm.s32 @!p1 $0x0  }
0x14: {  	s2 =	sld [smem:$0x3F95];
	s0 =	simm.s32 @p1 $0x1  }
0x15: {  	[smem:$0x3FB2] =	sst s0;
	s0 =	simm.s32 @!p2 $0x0  }
0x16: {  	s3 =	sld [smem:$0x3FDB];
	s0 =	simm.s32 @p2 $0x1  }
0x17: {  	s4 =	simm.s32 $0x1BF5;
	[smem:$0x3FB4] =	sst s0  }
0x18: {  	s0 =	sld [smem:$0x3F97];
	_ =	swait.ge [sflag:s4], $0x0  }
0x19: {  	s7 =	sld [smem:$0x3F98]  }
0x1a: {  	s8 =	sadd.s32 $0xFFFFE003, lr  }
0x1b: {  	s9 =	sadd.s32 $0xFFFFFEF7, lr;
	s5 =	simm.s32 $0xFFFFFFFF;
	p2 =	slt.u32 s8, $0xFFFFF086  }
0x1c: {  	p1 =	slt.u32 s9, $0xF7A;
	s5 =	simm.s32 @!p2 $0x0  }
0x1d: {  	s5 =	simm.s32 @p1 $0x1;
	p0 =	seq.s32 s7, s2  }
0x1e: {  	s7 =	smul.u32 @!p0 $0xF7A, s2;
	p2 =	seq.s32 @!p0 s5, $0x0  }
0x1f: {  	s9 =	smul.u32 $0xF7A, s1;
	s8 =	simm.s32 @!p0 $0x1BF5;
	p2 =	por !p2, p0  }
0x20: {  	[sflag:s8] =	ssyncset.s32 @!p0 $0xFFFFF086;
	s6 =	sadd.s32 @!p0 s3, s7;
	s7 =	simm.s32 @!p0 $0x108  }
0x21: {  	s3 =	sadd.s32 s3, s9;
	s6 =	sadd.s32 @!p0 $0x88, s6;
	s7 =	simm.s32 @p2 $0x1082  }
0x22: {  	[simem:s7], [sflag:s8] =	dma.local @!p0 [hbm:s6], $0xF7A  }
0x23: {  	s9 =	sor.u32 $0xD0000000, s2;
	s6 =	simm.s32 $0x108;
	_ =	swait.ge @!p0 [sflag:s8], $0x0  }
0x24: {  	s3 =	sadd.s32 $0x88, s3;
	s6 =	simm.s32 @!p1 $0x1082;
	[sflag:s4] =	ssyncset.s32 $0xFFFFF086  }
0x25: {  	[simem:s6], [sflag:s4] =	dma.local [hbm:s3], $0xF7A  }
0x26: {  	[smem:$0x3F98] =	sst s1;
	(tag) =	ssettag s2;
	_ =	strace s9  }
0x27: {  	s1 =	sld [smem:$0x3FA8]  }
0x28: {  	s2 =	sld [smem:$0x3FA9]  }
0x29: {  	s4 =	sld [smem:$0x3FAB]  }
0x2a: {  	p0 =	seq.s32 s5, $0x0;
	s5 =	sld [smem:$0x3FAC]  }
0x2b: {  	s6 =	sld [smem:$0x3FAD]  }
0x2c: {  	s7 =	sld [smem:$0x3FAE]  }
0x2d: {  	s3 =	simm.s32 $0x108;
	s8 =	sld [smem:$0x3FAF]  }
0x2e: {  	s3 =	simm.s32 @!p0 $0x1082;
	s9 =	sld [smem:$0x3FB0]  }
0x2f: {  	lr =	sadd.s32 s0, s3;
	s0 =	sld [smem:$0x3FA7]  }
0x30: {  	s3 =	sld [smem:$0x3FAA]  }
0x31: {  	[smem:$0x3FB3] =	sst s10  }
0x32: {  	s10 =	sld [smem:$0x3FB1];
	_ =	sdelay $0x3  }
0x33: {  	p0 =	seq.s32 s10, $0x1;
	s10 =	sld [smem:$0x3FB3];
	_ =	sdelay $0x3  }
0x34: {  	[smem:$0x3FB3] =	sst s10  }
0x35: {  	s10 =	sld [smem:$0x3FB2];
	_ =	sdelay $0x3  }
0x36: {  	p1 =	seq.s32 s10, $0x1;
	s10 =	sld [smem:$0x3FB3];
	_ =	sdelay $0x3  }
0x37: {  	[smem:$0x3FB3] =	sst s10  }
0x38: {  	s10 =	sld [smem:$0x3FB4]  }
0x39: {  	_ = 	snop;
	(pc) =	sbr.ind lr, $3  }
0x3a: {  	_ = 	snop  }
0x3b: {  	_ = 	snop  }
0x3c: {  	p2 =	seq.s32 s10, $0x1;
	s10 =	sld [smem:$0x3FB3]  }
0x3d: {  	_ =	shalt  }
0x3e: {  	_ =	shalt  }
0x3f: {  	_ =	shalt  }
0x40: {  	_ =	shalt  }
0x41: {  	_ =	shalt  }
0x42: {  	_ =	shalt  }
0x43: {  	_ =	shalt  }
0x44: {  	_ =	shalt  }
0x45: {  	_ =	shalt  }
0x46: {  	_ =	shalt  }
0x47: {  	_ =	shalt  }
0x48: {  	_ =	shalt  }
0x49: {  	_ =	shalt  }
0x4a: {  	_ =	shalt  }
0x4b: {  	_ =	shalt  }
0x4c: {  	_ =	shalt  }
0x4d: {  	_ =	shalt  }
0x4e: {  	_ =	shalt  }
0x4f: {  	_ =	shalt  }
0x50: {  	_ =	shalt  }
0x51: {  	_ =	shalt  }
0x52: {  	_ =	shalt  }
0x53: {  	_ =	shalt  }
0x54: {  	_ =	shalt  }
0x55: {  	_ =	shalt  }
0x56: {  	_ =	shalt  }
0x57: {  	_ =	shalt  }
0x58: {  	_ =	shalt  }
0x59: {  	_ =	shalt  }
0x5a: {  	_ =	shalt  }
0x5b: {  	_ =	shalt  }
0x5c: {  	_ =	shalt  }
0x5d: {  	_ =	shalt  }
0x5e: {  	_ =	shalt  }
0x5f: {  	_ =	shalt  }
0x60: {  	_ =	shalt  }
0x61: {  	_ =	shalt  }
0x62: {  	_ =	shalt  }
0x63: {  	_ =	shalt  }
0x64: {  	_ =	shalt  }
0x65: {  	_ =	shalt  }
0x66: {  	_ =	shalt  }
0x67: {  	_ =	shalt  }
0x68: {  	_ =	shalt  }
0x69: {  	_ =	shalt  }
0x6a: {  	_ =	shalt  }
0x6b: {  	_ =	shalt  }
0x6c: {  	_ =	shalt  }
0x6d: {  	_ =	shalt  }
0x6e: {  	_ =	shalt  }
0x6f: {  	_ =	shalt  }
0x70: {  	_ =	shalt  }
0x71: {  	_ =	shalt  }
0x72: {  	_ =	shalt  }
0x73: {  	_ =	shalt  }
0x74: {  	_ =	shalt  }
0x75: {  	_ =	shalt  }
0x76: {  	_ =	shalt  }
0x77: {  	_ =	shalt  }
0x78: {  	_ =	shalt  }
0x79: {  	_ =	shalt  }
0x7a: {  	_ =	shalt  }
0x7b: {  	_ =	shalt  }
0x7c: {  	_ =	shalt  }
0x7d: {  	_ =	shalt  }
0x7e: {  	_ =	shalt  }
0x7f: {  	_ =	shalt  }
0x80: {  	_ =	shalt  }
0x81: {  	_ =	shalt  }
0x82: {  	_ =	shalt  }
0x83: {  	_ =	shalt  }
0x84: {  	_ =	shalt  }
0x85: {  	_ =	shalt  }
0x86: {  	_ =	shalt  }
0x87: {  	_ =	shalt  }
.Lfunc_end0:
.L_simem_size_0:
called_computation_lowered:
.L_overlay_start_0:
0x88: {  	s2 =	sld [smem:$0x3FD9]  }
0x89: {  	s3 =	sld [smem:$0x3FFE];
	_ =	sdelay $0x1  }
0x8a: {  	s1 =	srdreg.scid  }
0x8b: {  	s0 =	sand.u32 $0x1, s1  }
0x8c: {  	s14 =	sshll.u32 s0, $0xA;
	s2 =	sadd.s32 s3, s2  }
0x8d: {  	s2 =	sadd.s32 s2, s14  }
0x8e: {  	[smem:$0x3FBF] =	sst s2  }
0x8f: {  	_ = 	snop  }
0x90: {  	s2 =	sld [smem:$0x3FD0];
	_ =	sdelay $0x2  }
0x91: {  	s15 =	simm.s32 $0xA;
	s4 =	simm.s32 $0x10  }
0x92: {  	[smem:s4], [sflag:s15] =	dma.local [hbm:s2], $0x1  }
0x93: {  	_ =	swait.eq [sflag:s15], $0x1  }
0x94: {  	[sflag:s15] =	ssyncset.done $0x0  }
0x95: {  	[sflag:s15] =	ssyncadd.s32 $0xFFFFFFFF  }
0x96: {  	s16 =	sld [smem:$0x10];
	(tm) =	ssettm $0x1  }
0x97: {  	s17 =	sld [smem:$0x3FFB];
	_ =	sdelay $0x3  }
0x98: {  	_ =	strace s17  }
0x99: {  	s3 =	sld [smem:$0x3FFC];
	_ =	sdelay $0x3  }
0x9a: {  	_ =	strace s3  }
0x9b: {  	s3 =	sld [smem:$0x3FFD];
	_ =	sdelay $0x3  }
0x9c: {  	_ =	strace s3  }
0x9d: {  	_ =	strace $0x8FFFFFFF  }
0x9e: {  	s18 =	sld [smem:$0x3FDB];
	_ =	sdelay $0x1  }
0x9f: {  	s19 =	simm.s32 $_scs_section_size  }
0xa0: {  	s5 =	simm.s32 $_size__tile_overlayer_lowered;
	s6 =	simm.s32 $_tile_overlayer_lowered  }
0xa1: {  	s22 =	simm.s32 $0x1BFF;
	s21 =	sshll.u32 s6, $0x1;
	s3 =	sadd.s32 s19, s18  }
0xa2: {  	s7 =	simm.s32 $0x0;
	s20 =	sshll.u32 s5, $0x1;
	s5 =	sadd.s32 s21, s3  }
0xa3: {  	[timem:s7], [sflag:s22] =	dma.local [hbm:s5], s20  }
0xa4: {  	_ =	swait.ge [sflag:s22], s20  }
0xa5: {  	s4 =	ssub.s32 $0x0, s20;
	[sflag:s22] =	ssyncset.done $0x0  }
0xa6: {  	[sflag:s22] =	ssyncadd.s32 s4;
	_ =	sdelay $0x1  }
0xa7: {  	s23 =	simm.s32 $0x1B8B  }
0xa8: {  	_ =	swait.ge [sflag:s23], $0x1  }
0xa9: {  	[sflag:s23] =	ssyncset.done $0x0  }
0xaa: {  	s25 =	simm.s32 $0x1B8E;
	s24 =	sld [smem:$0x3FFE];
	[sflag:s23] =	ssyncadd.s32 $0xFFFFFFFF  }
0xab: {  	s26 =	simm.s32 $execute0_lowered;
	[smem:$0x3FD2] =	sst s25  }
0xac: {  	s5 =	sshll.u32 s26, $0x1;
	_ =	strace $0x80000046;
	[dreg:$0x1] =	wrdreg $0xFFFFFFFF  }
0xad: {  	s28 =	simm.s32 $_size_execute0_lowered;
	s3 =	sadd.s32 s3, s5;
	[dreg:$0x0] =	wrdreg $0x0  }
0xae: {  	s5 =	sshll.u32 s28, $0x1;
	[dreg:$0x2] =	wrdreg s3  }
0xaf: {  	[dreg:$0x3] =	wrdreg s5  }
0xb0: {  	[dreg:$0x4] =	wrdreg $0xC0  }
0xb1: {  	_ =	task [dreg:s7], $0x5FFFF  }
0xb2: {  	[dreg:$0x1] =	wrdreg $0xFFFFFFFF  }
0xb3: {  	[dreg:$0x0] =	wrdreg $0x60  }
0xb4: {  	[dreg:$0x2] =	wrdreg s24  }
0xb5: {  	[dreg:$0x3] =	wrdreg s16  }
0xb6: {  	[dreg:$0x4] =	wrdreg $0x58000  }
0xb7: {  	[dreg:$0x5] =	wrdreg $0x9  }
0xb8: {  	_ =	task.clear_ibuf [dreg:s7], $0x6FFFF;
	_ =	strace $0x90000046  }
0xb9: {  	s29 =	simm.s32 $0x9;
	_ =	strace $0x80000048  }
0xba: {  	_ =	swait.ge [sflag:s29], $0x1  }
0xbb: {  	[sflag:s29] =	ssyncadd.s32 $0xFFFFFFFF  }
0xbc: {  	_ =	strace $0x90000048  }
0xbd: {  	_ =	sfence  }
0xbe: {  	s30 =	sld [smem:$0x0];
	_ =	sdelay $0x2  }
0xbf: {  	s31 =	sshll.u32 s1, $0xD;
	s1 =	sshrl.u32 s1, $0x2  }
0xc0: {  	s3 =	sand.u32 $0x4000, s31;
	s1 =	sadd.s32 s1, s30  }
0xc1: {  	s0 =	sor.u32 s3, s0;
	s1 =	sshll.u32 s1, $0x11  }
0xc2: {  	s0 =	sor.u32 s1, s0  }
0xc3: {  	s0 =	sadd.s32 $0x8F2B, s0  }
0xc4: {  	[sflag:s0] =	ssyncadd.remote.s32 $0x1  }
0xc5: {  	_ =	sfence.sel $0xFFFF  }
0xc6: {  	[dreg:$0x0] =	wrdreg $0xFFFFFFFF;
	(pc) =	sbr.abs _section_cstart, $3  }
0xc7: {  	[dreg:$0x1] =	wrdreg $0xFFFFFFFF  }
0xc8: {  	_ =	task.clear_ibuf [dreg:s7], $0x2FFFF;
	_ =	strace $0x9FFFFFFF  }
0xc9: {  	(tm) =	ssettm $0x7FFFFFFF  }
tec
execute0_lowered:
.L_overlay_start_1:
0x0: {  	(tag) =	ssettag $0x1  }
0x1: {  	s7 =	rddreg [dreg:$0x0]  }
0x2: {  	s10 =	rddreg [dreg:$0x1]  }
0x3: {  	s1 =	rddreg [dreg:$0x2]  }
0x4: {  	s0 =	rddreg [dreg:$0x3]  }
0x5: {  	s3 =	simm.s32 $0x0;
	s4 =	srdreg.scid;
	s2 =	stileid.u32  }
0x6: {  	s16 =	simm.s32 $0x80;
	s17 =	simm.s32 $0x1000;
	s18 =	simm.s32 $0x2000  }
0x7: {  	s19 =	simm.s32 $0x3000;
	s20 =	simm.s32 $0x4000;
	s9 =	smul.u32 $0x19000, s2  }
0x8: {  	s21 =	simm.s32 $0x1;
	s22 =	simm.s32 $0x2;
	s25 =	smul.u32 $0x18800, s2  }
0x9: {  	s23 =	simm.s32 $0x0;
	[smem:$0x7FF] =	sst s3;
	s14 =	smul.u32 $0x64000, s2  }
0xa: {  	s8 =	sand.u32 $0x1, s4;
	s4 =	sadd.s32 $0x6E1800, s7;
	s29 =	smul.u32 $0x3100, s2  }
0xb: {  	s5 =	sadd.s32 $0x3800, s7;
	s6 =	sadd.s32 $0x65A00, s7;
	s11 =	smul.u32 $0x190000, s8  }
0xc: {  	_ =	strace $0x80000047;
	s12 =	smul.u32 $0x188400, s8;
	s8 =	ssub.s32 $0x2, s8  }
0xd: {  	s13 =	sshrl.u32 s8, $0x1;
	s26 =	sshrl.u32 s14, $0x2;
	s30 =	sshrl.u32 s25, $0x3  }
0xe: {  	s31 =	sadd.s32 s29, s10;
	s14 =	simm.s32 $0x3;
	s9 =	sadd.s32 s9, s11  }
0xf: {  	s13 =	ssub.s32 s8, s13;
	s12 =	sadd.s32 s25, s12;
	s11 =	sadd.s32 $0x80, s31  }
0x10: {  	s9 =	sshrl.u32 s9, $0x3;
	s28 =	sshrl.u32 s12, $0x3;
	s12 =	sadd.s32 $0x400, s12  }
0x11: {  	s15 =	sadd.s32 s9, s7;
	s7 =	sadd.s32 s26, s1;
	s8 =	sadd.s32 s5, s28  }
0x12: {  	s9 =	sadd.s32 s10, s30;
	s10 =	smax.u32 s13, $0x1;
	[dreg:$0x4] =	wrdreg s12  }
0x13: {  	s13 =	simm.s32 $0x5000;
	s12 =	sadd.s32 $0x65C00, s15;
	s15 =	simm.s32 $0x800  }
.LBB2_1:
0x14: {  	[tilespmem:s13], [sflag:$0x3] =	stream.linear.gather [hbm4b:s6+s3], $0x800, $0x38;
	[tilespmem:$0x1E800] =	vst v63  }
0x15: {  	_ =	swait.ge [sflag:s14], $0x800  }
0x16: {  	[sflag:s14] =	ssyncset.done $0x0  }
0x17: {  	s24 =	sadd.s32 $0x0, s7;
	[sflag:s14] =	ssyncadd.s32 $0xFFFFF800  }
0x18: {  	[spmem:s24] =	stream.linear.scatter [tilespmem:s13], [sflag:$0x3], $0x800, $0x38;
	[tilespmem:$0x1E800] =	vst v63  }
0x19: {  	s24 =	simm.s32 $0x2000;
	_ =	swait.ge [sflag:s14], $0x800  }
.LBB2_2:
0x1a: {  	s25 =	sshra.s32 s24, $0x2;
	[sflag:s14] =	ssyncset.done $0x0;
	p0 =	sne.s32 s24, $0x62000  }
.Ltmp0:
0x1b: {  	s25 =	sadd.s32 s25, s7;
	[sflag:s14] =	ssyncadd.s32 $0xFFFFF800;
	(pc) =	sbr.rel @p0 .LBB2_2-.Ltmp0, $3  }
0x1c: {  	[spmem:s25] =	stream.linear.scatter [tilespmem:s13], [sflag:$0x3], $0x800, $0x38;
	[tilespmem:$0x1E800] =	vst v63  }
0x1d: {  	s24 =	sadd.s32 $0x2000, s24;
	_ =	sdelay $0x1  }
0x1e: {  	_ =	swait.ge [sflag:s14], $0x800  }
0x1f: {  	[sflag:s14] =	ssyncset.done $0x0  }
0x20: {  	[sflag:s14] =	ssyncadd.s32 $0xFFFFF800  }
0x21: {  	s24 =	simm.s32 $0x0;
	[bflag:$0x0] =	sbarrier.arrive $0xFFFF  }
0x22: {  	[tilespmem:s24], [sflag:$0x3] =	stream.linear.gather [hbm4b:s8+s24], $0x400, $0x38;
	[tilespmem:$0x1E800] =	vst v63  }
0x23: {  	_ =	swait.ge [sflag:s14], $0x400  }
0x24: {  	[sflag:s14] =	ssyncset.done $0x0  }
0x25: {  	[sflag:s14] =	ssyncadd.s32 $0xFFFFFC00  }
0x26: {  	[tilespmem:s15], [sflag:$0x3] =	stream.linear.gather [hbm4b:s9+s24], $0x400, $0x38;
	[tilespmem:$0x1E800] =	vst v63  }
0x27: {  	_ =	swait.ge [sflag:s14], $0x400  }
0x28: {  	[sflag:s14] =	ssyncset.done $0x0;
	s25 =	rddreg [dreg:$0x4]  }
0x29: {  	[sflag:s14] =	ssyncadd.s32 $0xFFFFFC00;
	s25 =	sadd.s32 $0x0, s25  }
0x2a: {  	[tilespmem:s17], [sflag:$0x1] =	stream.indirect.gather [hbm4b:s4+s16], $0x20, s24, s16, $0xb8;
	[tilespmem:$0x1E800] =	vst v63  }
0x2b: {  	s24 =	sand.u32 $0x400, s24;
	s26 =	sshrl.u32 s25, $0x3  }
0x2c: {  	[tilespmem:s18], [sflag:$0x1] =	stream.indirect.gather [hbm4b:s4+s16], $0x20, s16, s16, $0xb8;
	[tilespmem:$0x1E800] =	vst v63  }
0x2d: {  	s25 =	sxor.u32 $0x400, s24;
	s26 =	sadd.s32 s5, s26  }
0x2e: {  	[tilespmem:s25], [sflag:$0x2] =	stream.linear.gather [hbm4b:s26+s3], $0x400, $0x38;
	[tilespmem:$0x1E800] =	vst v63  }
0x2f: {  	s30 =	sor.u32 $0x800, s25  }
0x30: {  	[tilespmem:s30], [sflag:$0x2] =	stream.linear.gather [hbm4b:s11+s3], $0x400, $0x38;
	[tilespmem:$0x1E800] =	vst v63  }
0x31: {  	s31 =	sor.u32 $0x100, s24  }
0x32: {  	[tilespmem:s19], [sflag:$0x1] =	stream.indirect.gather [hbm4b:s4+s16], $0x20, s31, s16, $0xb8;
	[tilespmem:$0x1E800] =	vst v63  }
0x33: {  	s29 =	sor.u32 $0x180, s24  }
0x34: {  	[tilespmem:s20], [sflag:$0x1] =	stream.indirect.gather [hbm4b:s4+s16], $0x20, s29, s16, $0xb8;
	[tilespmem:$0x1E800] =	vst v63  }
0x35: {  	_ =	swait.ge [sflag:s21], $0x1000  }
0x36: {  	[sflag:s21] =	ssyncset.done $0x0  }
0x37: {  	[sflag:s21] =	ssyncadd.s32 $0xFFFFF000  }
0x38: {  	_ =	swait.ge [sflag:s21], $0x1000  }
0x39: {  	[sflag:s21] =	ssyncset.done $0x0  }
0x3a: {  	s30 =	sor.u32 $0x800, s24;
	[sflag:s21] =	ssyncadd.s32 $0xFFFFF000  }
0x3b: {  	[spmem:s1] =	stream.indirect.scatter.add.f32 [tilespmem:s17], [sflag:$0x3], $0x20, s30, s16, $0xb8;
	[tilespmem:$0x1E800] =	vst v63  }
0x3c: {  	_ =	swait.ge [sflag:s14], $0x1000  }
0x3d: {  	[sflag:s14] =	ssyncset.done $0x0  }
0x3e: {  	s31 =	sor.u32 $0x880, s24;
	[sflag:s14] =	ssyncadd.s32 $0xFFFFF000  }
0x3f: {  	[spmem:s1] =	stream.indirect.scatter.add.f32 [tilespmem:s18], [sflag:$0x3], $0x20, s31, s16, $0xb8;
	[tilespmem:$0x1E800] =	vst v63  }
0x40: {  	_ =	swait.ge [sflag:s14], $0x1000  }
0x41: {  	[sflag:s14] =	ssyncset.done $0x0  }
0x42: {  	s29 =	sor.u32 $0x200, s24;
	[sflag:s14] =	ssyncadd.s32 $0xFFFFF000  }
0x43: {  	[tilespmem:s17], [sflag:$0x1] =	stream.indirect.gather [hbm4b:s4+s16], $0x20, s29, s16, $0xb8;
	[tilespmem:$0x1E800] =	vst v63  }
0x44: {  	s30 =	sor.u32 $0x280, s24  }
0x45: {  	[tilespmem:s18], [sflag:$0x1] =	stream.indirect.gather [hbm4b:s4+s16], $0x20, s30, s16, $0xb8;
	[tilespmem:$0x1E800] =	vst v63  }
0x46: {  	_ =	swait.ge [sflag:s21], $0x1000  }
0x47: {  	[sflag:s21] =	ssyncset.done $0x0  }
0x48: {  	[sflag:s21] =	ssyncadd.s32 $0xFFFFF000  }
0x49: {  	_ =	swait.ge [sflag:s21], $0x1000  }
0x4a: {  	[sflag:s21] =	ssyncset.done $0x0  }
0x4b: {  	s31 =	sor.u32 $0x900, s24;
	[sflag:s21] =	ssyncadd.s32 $0xFFFFF000  }
0x4c: {  	[spmem:s1] =	stream.indirect.scatter.add.f32 [tilespmem:s19], [sflag:$0x3], $0x20, s31, s16, $0xb8;
	[tilespmem:$0x1E800] =	vst v63  }
0x4d: {  	_ =	swait.ge [sflag:s14], $0x1000  }
0x4e: {  	[sflag:s14] =	ssyncset.done $0x0  }
0x4f: {  	s29 =	sor.u32 $0x980, s24;
	[sflag:s14] =	ssyncadd.s32 $0xFFFFF000  }
0x50: {  	[spmem:s1] =	stream.indirect.scatter.add.f32 [tilespmem:s20], [sflag:$0x3], $0x20, s29, s16, $0xb8;
	[tilespmem:$0x1E800] =	vst v63  }
0x51: {  	_ =	swait.ge [sflag:s14], $0x1000  }
0x52: {  	[sflag:s14] =	ssyncset.done $0x0  }
0x53: {  	s30 =	sor.u32 $0x300, s24;
	[sflag:s14] =	ssyncadd.s32 $0xFFFFF000  }
0x54: {  	[tilespmem:s19], [sflag:$0x1] =	stream.indirect.gather [hbm4b:s4+s16], $0x20, s30, s16, $0xb8;
	[tilespmem:$0x1E800] =	vst v63  }
0x55: {  	s31 =	sor.u32 $0x380, s24  }
0x56: {  	[tilespmem:s20], [sflag:$0x1] =	stream.indirect.gather [hbm4b:s4+s16], $0x20, s31, s16, $0xb8;
	[tilespmem:$0x1E800] =	vst v63  }
0x57: {  	_ =	swait.ge [sflag:s21], $0x1000  }
0x58: {  	[sflag:s21] =	ssyncset.done $0x0  }
0x59: {  	[sflag:s21] =	ssyncadd.s32 $0xFFFFF000  }
0x5a: {  	_ =	swait.ge [sflag:s21], $0x1000  }
0x5b: {  	[sflag:s21] =	ssyncset.done $0x0  }
0x5c: {  	s29 =	sor.u32 $0xA00, s24;
	[sflag:s21] =	ssyncadd.s32 $0xFFFFF000  }
0x5d: {  	[spmem:s1] =	stream.indirect.scatter.add.f32 [tilespmem:s17], [sflag:$0x3], $0x20, s29, s16, $0xb8;
	[tilespmem:$0x1E800] =	vst v63  }
0x5e: {  	_ =	swait.ge [sflag:s14], $0x1000  }
0x5f: {  	[sflag:s14] =	ssyncset.done $0x0  }
0x60: {  	s30 =	sor.u32 $0xA80, s24;
	[sflag:s14] =	ssyncadd.s32 $0xFFFFF000  }
0x61: {  	[spmem:s1] =	stream.indirect.scatter.add.f32 [tilespmem:s18], [sflag:$0x3], $0x20, s30, s16, $0xb8;
	[tilespmem:$0x1E800] =	vst v63  }
0x62: {  	_ =	swait.ge [sflag:s14], $0x1000  }
0x63: {  	[sflag:s14] =	ssyncset.done $0x0  }
0x64: {  	[sflag:s14] =	ssyncadd.s32 $0xFFFFF000  }
0x65: {  	_ =	swait.ge [sflag:s22], $0x400  }
0x66: {  	[sflag:s22] =	ssyncset.done $0x0  }
0x67: {  	[sflag:s22] =	ssyncadd.s32 $0xFFFFFC00  }
0x68: {  	_ =	swait.ge [sflag:s22], $0x400  }
0x69: {  	[sflag:s22] =	ssyncset.done $0x0  }
0x6a: {  	[sflag:s22] =	ssyncadd.s32 $0xFFFFFC00  }
0x6b: {  	[tilespmem:s17], [sflag:$0x1] =	stream.indirect.gather [hbm4b:s4+s16], $0x20, s25, s16, $0xb8;
	[tilespmem:$0x1E800] =	vst v63  }
0x6c: {  	s25 =	sor.u32 $0x80, s25  }
0x6d: {  	[tilespmem:s18], [sflag:$0x1] =	stream.indirect.gather [hbm4b:s4+s16], $0x20, s25, s16, $0xb8;
	[tilespmem:$0x1E800] =	vst v63  }
0x6e: {  	_ =	swait.ge [sflag:s21], $0x1000  }
0x6f: {  	[sflag:s21] =	ssyncset.done $0x0  }
0x70: {  	[sflag:s21] =	ssyncadd.s32 $0xFFFFF000  }
0x71: {  	_ =	swait.ge [sflag:s21], $0x1000  }
0x72: {  	[sflag:s21] =	ssyncset.done $0x0  }
0x73: {  	s31 =	sor.u32 $0xB00, s24;
	[sflag:s21] =	ssyncadd.s32 $0xFFFFF000  }
0x74: {  	[spmem:s1] =	stream.indirect.scatter.add.f32 [tilespmem:s19], [sflag:$0x3], $0x20, s31, s16, $0xb8;
	[tilespmem:$0x1E800] =	vst v63  }
0x75: {  	_ =	swait.ge [sflag:s14], $0x1000  }
0x76: {  	[sflag:s14] =	ssyncset.done $0x0  }
0x77: {  	s24 =	sor.u32 $0xB80, s24;
	[sflag:s14] =	ssyncadd.s32 $0xFFFFF000  }
0x78: {  	[spmem:s1] =	stream.indirect.scatter.add.f32 [tilespmem:s20], [sflag:$0x3], $0x20, s24, s16, $0xb8;
	[tilespmem:$0x1E800] =	vst v63  }
0x79: {  	s26 =	simm.s32 $0x800;
	s25 =	simm.s32 $0x400;
	_ =	swait.ge [sflag:s14], $0x1000  }
0x7a: {  	s24 =	smov.u32 s11;
	s28 =	rddreg [dreg:$0x4];
	[sflag:s14] =	ssyncset.done $0x0  }
.LBB2_4:
0x7b: {  	[sflag:s14] =	ssyncadd.s32 $0xFFFFF000;
	s30 =	sadd.s32 s25, s28  }
0x7c: {  	s29 =	smov.u32 s26;
	s28 =	sand.u32 $0x400, s25;
	s30 =	sshrl.u32 s30, $0x3  }
0x7d: {  	s25 =	smov.u32 s29;
	s29 =	sxor.u32 $0x400, s28;
	s30 =	sadd.s32 s5, s30  }
0x7e: {  	[tilespmem:s29], [sflag:$0x2] =	stream.linear.gather [hbm4b:s30+s3], $0x400, $0x38;
	[tilespmem:$0x1E800] =	vst v63  }
0x7f: {  	s24 =	sadd.s32 $0x80, s24;
	s31 =	sor.u32 $0x800, s29  }
0x80: {  	[tilespmem:s31], [sflag:$0x2] =	stream.linear.gather [hbm4b:s24+s3], $0x400, $0x38;
	[tilespmem:$0x1E800] =	vst v63  }
0x81: {  	s31 =	sor.u32 $0x100, s28  }
0x82: {  	[tilespmem:s19], [sflag:$0x1] =	stream.indirect.gather [hbm4b:s4+s16], $0x20, s31, s16, $0xb8;
	[tilespmem:$0x1E800] =	vst v63  }
0x83: {  	s31 =	sor.u32 $0x180, s28  }
0x84: {  	[tilespmem:s20], [sflag:$0x1] =	stream.indirect.gather [hbm4b:s4+s16], $0x20, s31, s16, $0xb8;
	[tilespmem:$0x1E800] =	vst v63  }
0x85: {  	_ =	swait.ge [sflag:s21], $0x1000  }
0x86: {  	[sflag:s21] =	ssyncset.done $0x0  }
0x87: {  	[sflag:s21] =	ssyncadd.s32 $0xFFFFF000  }
0x88: {  	_ =	swait.ge [sflag:s21], $0x1000  }
0x89: {  	[sflag:s21] =	ssyncset.done $0x0  }
0x8a: {  	s31 =	sor.u32 $0x800, s28;
	[sflag:s21] =	ssyncadd.s32 $0xFFFFF000  }
0x8b: {  	[spmem:s1] =	stream.indirect.scatter.add.f32 [tilespmem:s17], [sflag:$0x3], $0x20, s31, s16, $0xb8;
	[tilespmem:$0x1E800] =	vst v63  }
0x8c: {  	_ =	swait.ge [sflag:s14], $0x1000  }
0x8d: {  	[sflag:s14] =	ssyncset.done $0x0  }
0x8e: {  	s31 =	sor.u32 $0x880, s28;
	[sflag:s14] =	ssyncadd.s32 $0xFFFFF000  }
0x8f: {  	[spmem:s1] =	stream.indirect.scatter.add.f32 [tilespmem:s18], [sflag:$0x3], $0x20, s31, s16, $0xb8;
	[tilespmem:$0x1E800] =	vst v63  }
0x90: {  	_ =	swait.ge [sflag:s14], $0x1000  }
0x91: {  	[sflag:s14] =	ssyncset.done $0x0  }
0x92: {  	s31 =	sor.u32 $0x200, s28;
	[sflag:s14] =	ssyncadd.s32 $0xFFFFF000  }
0x93: {  	[tilespmem:s17], [sflag:$0x1] =	stream.indirect.gather [hbm4b:s4+s16], $0x20, s31, s16, $0xb8;
	[tilespmem:$0x1E800] =	vst v63  }
0x94: {  	s31 =	sor.u32 $0x280, s28  }
0x95: {  	[tilespmem:s18], [sflag:$0x1] =	stream.indirect.gather [hbm4b:s4+s16], $0x20, s31, s16, $0xb8;
	[tilespmem:$0x1E800] =	vst v63  }
0x96: {  	_ =	swait.ge [sflag:s21], $0x1000  }
0x97: {  	[sflag:s21] =	ssyncset.done $0x0  }
0x98: {  	[sflag:s21] =	ssyncadd.s32 $0xFFFFF000  }
0x99: {  	_ =	swait.ge [sflag:s21], $0x1000  }
0x9a: {  	[sflag:s21] =	ssyncset.done $0x0  }
0x9b: {  	s31 =	sor.u32 $0x900, s28;
	[sflag:s21] =	ssyncadd.s32 $0xFFFFF000  }
0x9c: {  	[spmem:s1] =	stream.indirect.scatter.add.f32 [tilespmem:s19], [sflag:$0x3], $0x20, s31, s16, $0xb8;
	[tilespmem:$0x1E800] =	vst v63  }
0x9d: {  	_ =	swait.ge [sflag:s14], $0x1000  }
0x9e: {  	[sflag:s14] =	ssyncset.done $0x0  }
0x9f: {  	s31 =	sor.u32 $0x980, s28;
	[sflag:s14] =	ssyncadd.s32 $0xFFFFF000  }
0xa0: {  	[spmem:s1] =	stream.indirect.scatter.add.f32 [tilespmem:s20], [sflag:$0x3], $0x20, s31, s16, $0xb8;
	[tilespmem:$0x1E800] =	vst v63  }
0xa1: {  	_ =	swait.ge [sflag:s14], $0x1000  }
0xa2: {  	[sflag:s14] =	ssyncset.done $0x0  }
0xa3: {  	s31 =	sor.u32 $0x300, s28;
	[sflag:s14] =	ssyncadd.s32 $0xFFFFF000  }
0xa4: {  	[tilespmem:s19], [sflag:$0x1] =	stream.indirect.gather [hbm4b:s4+s16], $0x20, s31, s16, $0xb8;
	[tilespmem:$0x1E800] =	vst v63  }
0xa5: {  	s31 =	sor.u32 $0x380, s28  }
0xa6: {  	[tilespmem:s20], [sflag:$0x1] =	stream.indirect.gather [hbm4b:s4+s16], $0x20, s31, s16, $0xb8;
	[tilespmem:$0x1E800] =	vst v63  }
0xa7: {  	_ =	swait.ge [sflag:s21], $0x1000  }
0xa8: {  	[sflag:s21] =	ssyncset.done $0x0  }
0xa9: {  	[sflag:s21] =	ssyncadd.s32 $0xFFFFF000  }
0xaa: {  	_ =	swait.ge [sflag:s21], $0x1000  }
0xab: {  	[sflag:s21] =	ssyncset.done $0x0  }
0xac: {  	s31 =	sor.u32 $0xA00, s28;
	[sflag:s21] =	ssyncadd.s32 $0xFFFFF000  }
0xad: {  	[spmem:s1] =	stream.indirect.scatter.add.f32 [tilespmem:s17], [sflag:$0x3], $0x20, s31, s16, $0xb8;
	[tilespmem:$0x1E800] =	vst v63  }
0xae: {  	_ =	swait.ge [sflag:s14], $0x1000  }
0xaf: {  	[sflag:s14] =	ssyncset.done $0x0  }
0xb0: {  	s31 =	sor.u32 $0xA80, s28;
	[sflag:s14] =	ssyncadd.s32 $0xFFFFF000  }
0xb1: {  	[spmem:s1] =	stream.indirect.scatter.add.f32 [tilespmem:s18], [sflag:$0x3], $0x20, s31, s16, $0xb8;
	[tilespmem:$0x1E800] =	vst v63  }
0xb2: {  	_ =	swait.ge [sflag:s14], $0x1000  }
0xb3: {  	[sflag:s14] =	ssyncset.done $0x0  }
0xb4: {  	[sflag:s14] =	ssyncadd.s32 $0xFFFFF000  }
0xb5: {  	_ =	swait.ge [sflag:s22], $0x400  }
0xb6: {  	[sflag:s22] =	ssyncset.done $0x0  }
0xb7: {  	[sflag:s22] =	ssyncadd.s32 $0xFFFFFC00  }
0xb8: {  	_ =	swait.ge [sflag:s22], $0x400  }
0xb9: {  	[sflag:s22] =	ssyncset.done $0x0  }
0xba: {  	[sflag:s22] =	ssyncadd.s32 $0xFFFFFC00  }
0xbb: {  	[tilespmem:s17], [sflag:$0x1] =	stream.indirect.gather [hbm4b:s4+s16], $0x20, s29, s16, $0xb8;
	[tilespmem:$0x1E800] =	vst v63  }
0xbc: {  	s29 =	sor.u32 $0x80, s29  }
0xbd: {  	[tilespmem:s18], [sflag:$0x1] =	stream.indirect.gather [hbm4b:s4+s16], $0x20, s29, s16, $0xb8;
	[tilespmem:$0x1E800] =	vst v63  }
0xbe: {  	_ =	swait.ge [sflag:s21], $0x1000  }
0xbf: {  	[sflag:s21] =	ssyncset.done $0x0  }
0xc0: {  	[sflag:s21] =	ssyncadd.s32 $0xFFFFF000  }
0xc1: {  	_ =	swait.ge [sflag:s21], $0x1000  }
0xc2: {  	[sflag:s21] =	ssyncset.done $0x0  }
0xc3: {  	s31 =	sor.u32 $0xB00, s28;
	[sflag:s21] =	ssyncadd.s32 $0xFFFFF000  }
0xc4: {  	[spmem:s1] =	stream.indirect.scatter.add.f32 [tilespmem:s19], [sflag:$0x3], $0x20, s31, s16, $0xb8;
	[tilespmem:$0x1E800] =	vst v63  }
0xc5: {  	p0 =	sne.s32 s26, $0x18400;
	_ =	swait.ge [sflag:s14], $0x1000  }
.Ltmp1:
0xc6: {  	[sflag:s14] =	ssyncset.done $0x0;
	(pc) =	sbr.rel @p0 .LBB2_4-.Ltmp1, $4  }
0xc7: {  	s28 =	sor.u32 $0xB80, s28;
	[sflag:s14] =	ssyncadd.s32 $0xFFFFF000  }
0xc8: {  	[spmem:s1] =	stream.indirect.scatter.add.f32 [tilespmem:s20], [sflag:$0x3], $0x20, s28, s16, $0xb8;
	[tilespmem:$0x1E800] =	vst v63  }
0xc9: {  	_ =	swait.ge [sflag:s14], $0x1000  }
0xca: {  	s26 =	sadd.s32 $0x400, s26;
	s28 =	rddreg [dreg:$0x4];
	[sflag:s14] =	ssyncset.done $0x0  }
0xcb: {  	s26 =	sadd.s32 s25, s28  }
0xcc: {  	s25 =	sand.u32 $0x400, s25;
	s28 =	sshrl.u32 s26, $0x3  }
0xcd: {  	[sflag:s14] =	ssyncadd.s32 $0xFFFFF000;
	s26 =	sxor.u32 $0x400, s25;
	s28 =	sadd.s32 s5, s28  }
0xce: {  	[tilespmem:s26], [sflag:$0x2] =	stream.linear.gather [hbm4b:s28+s3], $0x400, $0x38;
	[tilespmem:$0x1E800] =	vst v63  }
0xcf: {  	s24 =	sadd.s32 $0x80, s24;
	s31 =	sor.u32 $0x800, s26  }
0xd0: {  	[tilespmem:s31], [sflag:$0x2] =	stream.linear.gather [hbm4b:s24+s3], $0x400, $0x38;
	[tilespmem:$0x1E800] =	vst v63  }
0xd1: {  	s28 =	sor.u32 $0x100, s25  }
0xd2: {  	[tilespmem:s19], [sflag:$0x1] =	stream.indirect.gather [hbm4b:s4+s16], $0x20, s28, s16, $0xb8;
	[tilespmem:$0x1E800] =	vst v63  }
0xd3: {  	s29 =	sor.u32 $0x180, s25  }
0xd4: {  	[tilespmem:s20], [sflag:$0x1] =	stream.indirect.gather [hbm4b:s4+s16], $0x20, s29, s16, $0xb8;
	[tilespmem:$0x1E800] =	vst v63  }
0xd5: {  	_ =	swait.ge [sflag:s21], $0x1000  }
0xd6: {  	[sflag:s21] =	ssyncset.done $0x0  }
0xd7: {  	[sflag:s21] =	ssyncadd.s32 $0xFFFFF000  }
0xd8: {  	_ =	swait.ge [sflag:s21], $0x1000  }
0xd9: {  	[sflag:s21] =	ssyncset.done $0x0  }
0xda: {  	s30 =	sor.u32 $0x800, s25;
	[sflag:s21] =	ssyncadd.s32 $0xFFFFF000  }
0xdb: {  	[spmem:s1] =	stream.indirect.scatter.add.f32 [tilespmem:s17], [sflag:$0x3], $0x20, s30, s16, $0xb8;
	[tilespmem:$0x1E800] =	vst v63  }
0xdc: {  	_ =	swait.ge [sflag:s14], $0x1000  }
0xdd: {  	[sflag:s14] =	ssyncset.done $0x0  }
0xde: {  	s31 =	sor.u32 $0x880, s25;
	[sflag:s14] =	ssyncadd.s32 $0xFFFFF000  }
0xdf: {  	[spmem:s1] =	stream.indirect.scatter.add.f32 [tilespmem:s18], [sflag:$0x3], $0x20, s31, s16, $0xb8;
	[tilespmem:$0x1E800] =	vst v63  }
0xe0: {  	_ =	swait.ge [sflag:s14], $0x1000  }
0xe1: {  	[sflag:s14] =	ssyncset.done $0x0  }
0xe2: {  	s28 =	sor.u32 $0x200, s25;
	[sflag:s14] =	ssyncadd.s32 $0xFFFFF000  }
0xe3: {  	[tilespmem:s17], [sflag:$0x1] =	stream.indirect.gather [hbm4b:s4+s16], $0x20, s28, s16, $0xb8;
	[tilespmem:$0x1E800] =	vst v63  }
0xe4: {  	s29 =	sor.u32 $0x280, s25  }
0xe5: {  	[tilespmem:s18], [sflag:$0x1] =	stream.indirect.gather [hbm4b:s4+s16], $0x20, s29, s16, $0xb8;
	[tilespmem:$0x1E800] =	vst v63  }
0xe6: {  	_ =	swait.ge [sflag:s21], $0x1000  }
0xe7: {  	[sflag:s21] =	ssyncset.done $0x0  }
0xe8: {  	[sflag:s21] =	ssyncadd.s32 $0xFFFFF000  }
0xe9: {  	_ =	swait.ge [sflag:s21], $0x1000  }
0xea: {  	[sflag:s21] =	ssyncset.done $0x0  }
0xeb: {  	s30 =	sor.u32 $0x900, s25;
	[sflag:s21] =	ssyncadd.s32 $0xFFFFF000  }
0xec: {  	[spmem:s1] =	stream.indirect.scatter.add.f32 [tilespmem:s19], [sflag:$0x3], $0x20, s30, s16, $0xb8;
	[tilespmem:$0x1E800] =	vst v63  }
0xed: {  	_ =	swait.ge [sflag:s14], $0x1000  }
0xee: {  	[sflag:s14] =	ssyncset.done $0x0  }
0xef: {  	s31 =	sor.u32 $0x980, s25;
	[sflag:s14] =	ssyncadd.s32 $0xFFFFF000  }
0xf0: {  	[spmem:s1] =	stream.indirect.scatter.add.f32 [tilespmem:s20], [sflag:$0x3], $0x20, s31, s16, $0xb8;
	[tilespmem:$0x1E800] =	vst v63  }
0xf1: {  	_ =	swait.ge [sflag:s14], $0x1000  }
0xf2: {  	[sflag:s14] =	ssyncset.done $0x0  }
0xf3: {  	s28 =	sor.u32 $0x300, s25;
	[sflag:s14] =	ssyncadd.s32 $0xFFFFF000  }
0xf4: {  	[tilespmem:s19], [sflag:$0x1] =	stream.indirect.gather [hbm4b:s4+s16], $0x20, s28, s16, $0xb8;
	[tilespmem:$0x1E800] =	vst v63  }
0xf5: {  	s29 =	sor.u32 $0x380, s25  }
0xf6: {  	[tilespmem:s20], [sflag:$0x1] =	stream.indirect.gather [hbm4b:s4+s16], $0x20, s29, s16, $0xb8;
	[tilespmem:$0x1E800] =	vst v63  }
0xf7: {  	_ =	swait.ge [sflag:s21], $0x1000  }
0xf8: {  	[sflag:s21] =	ssyncset.done $0x0  }
0xf9: {  	[sflag:s21] =	ssyncadd.s32 $0xFFFFF000  }
0xfa: {  	_ =	swait.ge [sflag:s21], $0x1000  }
0xfb: {  	[sflag:s21] =	ssyncset.done $0x0  }
0xfc: {  	s30 =	sor.u32 $0xA00, s25;
	[sflag:s21] =	ssyncadd.s32 $0xFFFFF000  }
0xfd: {  	[spmem:s1] =	stream.indirect.scatter.add.f32 [tilespmem:s17], [sflag:$0x3], $0x20, s30, s16, $0xb8;
	[tilespmem:$0x1E800] =	vst v63  }
0xfe: {  	_ =	swait.ge [sflag:s14], $0x1000  }
0xff: {  	[sflag:s14] =	ssyncset.done $0x0  }
0x100: {  	s31 =	sor.u32 $0xA80, s25;
	[sflag:s14] =	ssyncadd.s32 $0xFFFFF000  }
0x101: {  	[spmem:s1] =	stream.indirect.scatter.add.f32 [tilespmem:s18], [sflag:$0x3], $0x20, s31, s16, $0xb8;
	[tilespmem:$0x1E800] =	vst v63  }
0x102: {  	_ =	swait.ge [sflag:s14], $0x1000  }
0x103: {  	[sflag:s14] =	ssyncset.done $0x0  }
0x104: {  	[sflag:s14] =	ssyncadd.s32 $0xFFFFF000  }
0x105: {  	_ =	swait.ge [sflag:s22], $0x400  }
0x106: {  	[sflag:s22] =	ssyncset.done $0x0  }
0x107: {  	[sflag:s22] =	ssyncadd.s32 $0xFFFFFC00  }
0x108: {  	_ =	swait.ge [sflag:s22], $0x400  }
0x109: {  	[sflag:s22] =	ssyncset.done $0x0  }
0x10a: {  	[sflag:s22] =	ssyncadd.s32 $0xFFFFFC00  }
0x10b: {  	[tilespmem:s17], [sflag:$0x1] =	stream.indirect.gather [hbm4b:s4+s16], $0x20, s26, s16, $0xb8;
	[tilespmem:$0x1E800] =	vst v63  }
0x10c: {  	s28 =	sor.u32 $0x80, s26  }
0x10d: {  	[tilespmem:s18], [sflag:$0x1] =	stream.indirect.gather [hbm4b:s4+s16], $0x20, s28, s16, $0xb8;
	[tilespmem:$0x1E800] =	vst v63  }
0x10e: {  	_ =	swait.ge [sflag:s21], $0x1000  }
0x10f: {  	[sflag:s21] =	ssyncset.done $0x0  }
0x110: {  	[sflag:s21] =	ssyncadd.s32 $0xFFFFF000  }
0x111: {  	_ =	swait.ge [sflag:s21], $0x1000  }
0x112: {  	[sflag:s21] =	ssyncset.done $0x0  }
0x113: {  	s29 =	sor.u32 $0xB00, s25;
	[sflag:s21] =	ssyncadd.s32 $0xFFFFF000  }
0x114: {  	[spmem:s1] =	stream.indirect.scatter.add.f32 [tilespmem:s19], [sflag:$0x3], $0x20, s29, s16, $0xb8;
	[tilespmem:$0x1E800] =	vst v63  }
0x115: {  	_ =	swait.ge [sflag:s14], $0x1000  }
0x116: {  	[sflag:s14] =	ssyncset.done $0x0  }
0x117: {  	s30 =	sor.u32 $0xB80, s25;
	[sflag:s14] =	ssyncadd.s32 $0xFFFFF000  }
0x118: {  	[spmem:s1] =	stream.indirect.scatter.add.f32 [tilespmem:s20], [sflag:$0x3], $0x20, s30, s16, $0xb8;
	[tilespmem:$0x1E800] =	vst v63  }
0x119: {  	_ =	swait.ge [sflag:s14], $0x1000  }
0x11a: {  	[sflag:s14] =	ssyncset.done $0x0  }
0x11b: {  	[sflag:s14] =	ssyncadd.s32 $0xFFFFF000  }
0x11c: {  	_ =	swait.ge [sflag:s21], $0x1000  }
0x11d: {  	[sflag:s21] =	ssyncset.done $0x0  }
0x11e: {  	[sflag:s21] =	ssyncadd.s32 $0xFFFFF000  }
0x11f: {  	_ =	swait.ge [sflag:s21], $0x1000  }
0x120: {  	[sflag:s21] =	ssyncset.done $0x0  }
0x121: {  	[sflag:s21] =	ssyncadd.s32 $0xFFFFF000  }
0x122: {  	[bflag:$0x0] =	sbarrier.arrive $0xFFFF  }
0x123: {  	[tilespmem:s13], [sflag:$0x3] =	stream.linear.gather [spmem:s7], $0x800, $0x38;
	[tilespmem:$0x1E800] =	vst v63  }
0x124: {  	_ =	swait.ge [sflag:s14], $0x800  }
0x125: {  	[sflag:s14] =	ssyncset.done $0x0  }
0x126: {  	s31 =	sadd.s32 $0x0, s12;
	[sflag:s14] =	ssyncadd.s32 $0xFFFFF800  }
0x127: {  	[hbm4b:s31+s3] =	stream.linear.scatter [tilespmem:s13], [sflag:$0x3], $0x800, $0x38;
	[tilespmem:$0x1E800] =	vst v63  }
0x128: {  	_ =	swait.ge [sflag:s14], $0x800  }
0x129: {  	s24 =	simm.s32 $0x100;
	s25 =	smov.u32 s7;
	[sflag:s14] =	ssyncset.done $0x0  }
.LBB2_6:
0x12a: {  	p0 =	sne.s32 s24, $0x3100;
	[sflag:s14] =	ssyncadd.s32 $0xFFFFF800;
	s25 =	sadd.s32 $0x800, s25  }
0x12b: {  	[tilespmem:s13], [sflag:$0x3] =	stream.linear.gather [spmem:s25], $0x800, $0x38;
	[tilespmem:$0x1E800] =	vst v63  }
0x12c: {  	s26 =	smov.u32 s24;
	s24 =	sadd.s32 $0x100, s24;
	_ =	swait.ge [sflag:s14], $0x800  }
.Ltmp2:
0x12d: {  	[sflag:s14] =	ssyncset.done $0x0;
	(pc) =	sbr.rel @p0 .LBB2_6-.Ltmp2, $4  }
0x12e: {  	s26 =	sadd.s32 s26, s12;
	[sflag:s14] =	ssyncadd.s32 $0xFFFFF800  }
0x12f: {  	[hbm4b:s26+s3] =	stream.linear.scatter [tilespmem:s13], [sflag:$0x3], $0x800, $0x38;
	[tilespmem:$0x1E800] =	vst v63  }
0x130: {  	_ =	swait.ge [sflag:s14], $0x800  }
0x131: {  	[sflag:s14] =	ssyncset.done $0x0  }
0x132: {  	s23 =	sadd.s32 $0x1, s23  }
0x133: {  	p0 =	sne.s32 s23, s10  }
.Ltmp3:
0x134: {  	_ = 	snop;
	(pc) =	sbr.rel @p0 .LBB2_1-.Ltmp3, $2  }
0x135: {  	_ =	sdelay $0x2  }
0x136: {  	[sflag:s14] =	ssyncadd.s32 $0xFFFFF800  }
0x137: {  	_ =	sfence.sel $0x180000  }
0x138: {  	[bflag:$0x0] =	sbarrier.arrive $0xFFFF  }
0x139: {  	p0 =	sne.s32 s2, $0x0;
	_ =	strace $0x90000047  }
0x13a: {  	s0 =	sadd.s32 @!p0 $0x100000, s0;
	[bflag:$0x2] =	sbarrier.arrive $0xFFFF  }
0x13b: {  	[sflag:s0] =	ssyncadd.tile.s32 @!p0 $0x1;
	_ =	shalt  }
.Lfunc_end2:
_tile_overlayer_lowered:
.L_overlay_start_2:
0x13c: {  	(tag) =	ssettag $0x2  }
0x13d: {  	s0 =	rddreg [dreg:$0x0];
	s2 =	stileid.u32  }
0x13e: {  	s1 =	rddreg [dreg:$0x1];
	p0 =	sne.s32 s2, $0x0  }
0x13f: {  	s3 =	rddreg [dreg:$0x2];
	[bflag:$0x3] =	sbarrier.arrive $0xFFFF;
	s2 =	simm.s32 @!p0 $0x1C03  }
0x140: {  	[timem:s3], [sflag:s2] =	dma.local @!p0 [hbm:s0], s1  }
0x141: {  	s0 =	simm.s32 @!p0 $0x3  }
0x142: {  	_ =	swait.ge @!p0 [sflag:s0], s1  }
0x143: {  	s1 =	ssub.s32 @!p0 $0x0, s1;
	[sflag:s0] =	ssyncset.done @!p0 $0x0  }
0x144: {  	[sflag:s0] =	ssyncadd.s32 @!p0 s1  }
0x145: {  	[bflag:$0x3] =	sbarrier.arrive $0xFFFF  }
0x146: {  	_ =	shalt  }

</sc_bundles>
